<compile_context>
chip_gen: v7x
topology: tpu7x:2x2x1
jax: 0.10.2.dev20260603
libtpu: 0.0.44.dev20260713+nightly
codegen_flags: <defaults>
</compile_context>

<pallas_src>
import jax
import jax.numpy as jnp
from jax import lax
from jax.experimental import pallas as pl
from jax.experimental.pallas import tpu as pltpu
from jax.experimental.pallas import tpu_sc as plsc

_N = 10000
_E = 320000
_DIN = 128
_DH = 16
_DO = 5

_NC = 2
_NS = 16
_NW = _NC * _NS
_CH = 128
_NCHUNK = 80
_EP = _NW * _NCHUNK * _CH
_RN = 10240
_RPT = _RN // _NS

_mesh = plsc.VectorSubcoreMesh(core_axis_name="c", subcore_axis_name="s")
_sc_params = pltpu.CompilerParams(use_tc_tiling_on_sc=False)



_RCH = _RPT * _DH // _CH


def _deg_body(dst3, zrow, ridx, degr, didx, ones, rxi, rep, acc,
              gsem, ssem_a, ssem_b):
    c = lax.axis_index("c")
    s = lax.axis_index("s")
    wid = c * _NS + s
    base = s * _RPT
    for k in range(_CH // 16):
        ones[pl.ds(k * 16, 16)] = jnp.full((16,), 1.0, jnp.float32)
    pltpu.sync_copy(zrow, acc.at[pl.ds(base, _RPT)])
    pltpu.async_copy(dst3.at[wid], didx, gsem).wait()
    pltpu.async_copy(ridx.at[s], rxi, gsem).wait()
    plsc.subcore_barrier()

    def fire(k, carry):
        pltpu.async_copy(ones, acc.at[didx.at[2 * k]], ssem_a, add=True)
        pltpu.async_copy(ones, acc.at[didx.at[2 * k + 1]], ssem_b, add=True)
        return carry

    lax.fori_loop(0, _NCHUNK // 2, fire, 0)

    def drain(k, carry):
        pltpu.make_async_copy(ones, acc.at[didx.at[0]], ssem_a).wait()
        pltpu.make_async_copy(ones, acc.at[didx.at[0]], ssem_b).wait()
        return carry

    lax.fori_loop(0, _NCHUNK // 2, drain, 0)
    plsc.subcore_barrier()

    def rfire(k, carry):
        pltpu.async_copy(acc.at[rxi.at[2 * k]], rep.at[2 * k], ssem_a)
        pltpu.async_copy(acc.at[rxi.at[2 * k + 1]], rep.at[2 * k + 1], ssem_b)
        return carry

    lax.fori_loop(0, _RCH // 2, rfire, 0)

    def rdrain(k, carry):
        pltpu.make_async_copy(acc.at[rxi.at[0]], rep.at[0], ssem_a).wait()
        pltpu.make_async_copy(acc.at[rxi.at[0]], rep.at[0], ssem_b).wait()
        return carry

    lax.fori_loop(0, _RCH // 2, rdrain, 0)
    pltpu.sync_copy(rep, degr.at[c, pl.ds(s * _RCH, _RCH)])


_deg_call = pl.kernel(
    _deg_body,
    out_type=jax.ShapeDtypeStruct((_NC, _RN * _DH // _CH, _CH), jnp.float32),
    mesh=_mesh,
    scratch_types=[
        pltpu.VMEM((_NCHUNK, _CH), jnp.int32),
        pltpu.VMEM((_CH,), jnp.float32),
        pltpu.VMEM((_RCH, _CH), jnp.int32),
        pltpu.VMEM((_RCH, _CH), jnp.float32),
        pltpu.VMEM_SHARED((_RN,), jnp.float32),
        pltpu.SemaphoreType.DMA,
        pltpu.SemaphoreType.DMA,
        pltpu.SemaphoreType.DMA,
    ],
    compiler_params=_sc_params,
)


_NBUF = 8
_LAG = _NBUF // 2


def _agg_body(hs, src3, dst3, zrows, accp, sidx, didx, buf, acc, hs_spm,
              gs0, gs1, gs2, gs3, gs4, gs5, gs6, gs7,
              ss0, ss1, ss2, ss3, ss4, ss5, ss6, ss7, lsem):
    c = lax.axis_index("c")
    s = lax.axis_index("s")
    wid = c * _NS + s
    base = s * _RPT
    gsem = [gs0, gs1, gs2, gs3, gs4, gs5, gs6, gs7]
    ssem = [ss0, ss1, ss2, ss3, ss4, ss5, ss6, ss7]
    pltpu.async_copy(src3.at[wid], sidx, lsem)
    pltpu.async_copy(dst3.at[wid], didx, lsem)
    pltpu.sync_copy(hs.at[pl.ds(base, _RPT)], hs_spm.at[pl.ds(base, _RPT)])
    pltpu.sync_copy(zrows, acc.at[pl.ds(base, _RPT)])
    pltpu.make_async_copy(src3.at[wid], sidx, lsem).wait()
    pltpu.make_async_copy(dst3.at[wid], didx, lsem).wait()
    plsc.subcore_barrier()

    def gather(j, b):
        pltpu.async_copy(hs_spm.at[sidx.at[j]], buf.at[b], gsem[b])

    def wait_gather(b):
        pltpu.make_async_copy(hs.at[sidx.at[0]], buf.at[b], gsem[b]).wait()

    def scatter(j, b):
        pltpu.async_copy(buf.at[b], acc.at[didx.at[j]], ssem[b], add=True)

    def wait_scatter(b):
        pltpu.make_async_copy(buf.at[b], acc.at[didx.at[0]], ssem[b]).wait()

    for b in range(_LAG):
        gather(b, b)

    def step(k, carry):
        for b in range(_NBUF):
            j = k * _NBUF + b
            wait_gather(b)
            scatter(j, b)
            nb = (b + _LAG) % _NBUF
            if b >= _LAG:
                wait_scatter(nb)
                gather(jnp.minimum(j + _LAG, _NCHUNK - 1), nb)
            else:
                @pl.when(k > 0)
                def _():
                    wait_scatter(nb)
                gather(jnp.minimum(j + _LAG, _NCHUNK - 1), nb)
        return carry

    lax.fori_loop(0, _NCHUNK // _NBUF, step, 0)
    for b in range(_LAG):
        wait_scatter(b + _LAG)
        wait_gather(b)
    plsc.subcore_barrier()
    pltpu.sync_copy(acc.at[pl.ds(base, _RPT)],
                    accp.at[c, pl.ds(base, _RPT)])


_agg_call = pl.kernel(
    _agg_body,
    out_type=jax.ShapeDtypeStruct((_NC, _RN, _DH), jnp.float32),
    mesh=_mesh,
    scratch_types=[
        pltpu.VMEM((_NCHUNK, _CH), jnp.int32),
        pltpu.VMEM((_NCHUNK, _CH), jnp.int32),
        pltpu.VMEM((_NBUF, _CH, _DH), jnp.float32),
        pltpu.VMEM_SHARED((_RN, _DH), jnp.float32),
        pltpu.VMEM_SHARED((_RN, _DH), jnp.float32),
    ] + [pltpu.SemaphoreType.DMA] * (2 * _NBUF + 1),
    compiler_params=_sc_params,
)



_BR = 2048
_RV = _RN * _DH // 128
_BV = _BR * _DH // 128
_grid = (_RN // _BR,)

_view_spec = pl.BlockSpec((_BV, 128), lambda i: (i, 0))
_degv_spec = pl.BlockSpec((_NC, _BV, 128), lambda i: (0, i, 0))
_NEG = -1e30


def _stage_a(x2_ref, w1b_ref, degv_ref, hsv_ref, disb_ref):
    disb = lax.rsqrt(degv_ref[0] + degv_ref[1] + 1.0)
    hv = jnp.dot(x2_ref[...], w1b_ref[...], preferred_element_type=jnp.float32)
    hsv_ref[...] = hv * disb
    disb_ref[...] = disb


def _stage_b(accv_ref, hsv_ref, disb_ref, b1v_ref, hs2v_ref):
    disb = disb_ref[...]
    u = (accv_ref[0] + accv_ref[1] + hsv_ref[...]) * disb
    h2 = jnp.maximum(u + b1v_ref[...], 0.0)
    hs2v_ref[...] = h2 * disb


def _shift_left(a, k):
    return jnp.concatenate(
        [a[:, k:], jnp.full((a.shape[0], k), _NEG, jnp.float32)], axis=1)


def _stage_c(accv_ref, hs2v_ref, disb_ref, w2b_ref, b2b_ref, out_ref):
    u2v = (accv_ref[0] + accv_ref[1] + hs2v_ref[...]) * disb_ref[...]
    o = jnp.dot(u2v, w2b_ref[...], preferred_element_type=jnp.float32)
    o = o + b2b_ref[...]
    s = jnp.maximum(o, _shift_left(o, 1))
    s = jnp.maximum(s, _shift_left(s, 2))
    s = jnp.maximum(s, _shift_left(s, 4))
    r_ = lax.broadcasted_iota(jnp.int32, (64, 64), 0)
    c_ = lax.broadcasted_iota(jnp.int32, (64, 64), 1)
    gpick = jnp.where(r_ == (c_ // 8) * 8, 1.0, 0.0)
    gsum = jnp.where(r_ // 8 == c_ // 8, 1.0, 0.0)
    m = jnp.dot(s, gpick, preferred_element_type=jnp.float32)
    e = jnp.exp(o - m)
    se = jnp.dot(e, gsum, preferred_element_type=jnp.float32)
    out_ref[...] = (o - m) - jnp.log(se)


def _call_a(x2, W1b, degv):
    return pl.pallas_call(
        _stage_a,
        grid=_grid,
        in_specs=[pl.BlockSpec((_BV, 8 * _DIN), lambda i: (i, 0)),
                  pl.BlockSpec((8 * _DIN, 128), lambda i: (0, 0)),
                  _degv_spec],
        out_specs=[_view_spec, _view_spec],
        out_shape=[jax.ShapeDtypeStruct((_RV, 128), jnp.float32),
                   jax.ShapeDtypeStruct((_RV, 128), jnp.float32)],
    )(x2, W1b, degv)


def _call_b(accv, hsv, disb, b1v):
    return pl.pallas_call(
        _stage_b,
        grid=_grid,
        in_specs=[_degv_spec, _view_spec, _view_spec,
                  pl.BlockSpec((128,), lambda i: (0,))],
        out_specs=_view_spec,
        out_shape=jax.ShapeDtypeStruct((_RV, 128), jnp.float32),
    )(accv, hsv, disb, b1v)


def _call_c(accv, hs2v, disb, W2b, b2b):
    return pl.pallas_call(
        _stage_c,
        grid=_grid,
        in_specs=[_degv_spec, _view_spec, _view_spec,
                  pl.BlockSpec((128, 64), lambda i: (0, 0)),
                  pl.BlockSpec((64,), lambda i: (0,))],
        out_specs=pl.BlockSpec((_BV, 64), lambda i: (i, 0)),
        out_shape=jax.ShapeDtypeStruct((_RV, 64), jnp.float32),
    )(accv, hs2v, disb, W2b, b2b)



def kernel(x, edge_index, W1, b1, W2, b2):
    src = edge_index[0]
    dst = edge_index[1]
    pad = _EP - _E
    pad_src = jnp.zeros((pad,), jnp.int32)
    pad_dst = _N + (jnp.arange(pad, dtype=jnp.int32) % 8)
    src3 = jnp.concatenate([src, pad_src]).reshape(_NW, _NCHUNK, _CH)
    dst3 = jnp.concatenate([dst, pad_dst]).reshape(_NW, _NCHUNK, _CH)
    x2 = jnp.pad(x, ((0, _RN - _N), (0, 0))).reshape(_RV, 8 * _DIN)
    zrow = jnp.zeros((_RPT,), jnp.float32)
    zrows = jnp.zeros((_RPT, _DH), jnp.float32)
    ridx = (jnp.arange(_NS, dtype=jnp.int32)[:, None, None] * _RPT
            + jnp.arange(_RCH, dtype=jnp.int32)[None, :, None] * 8
            + jnp.arange(_CH, dtype=jnp.int32)[None, None, :] // _DH)
    eye8 = jnp.eye(8, dtype=jnp.float32)
    W1b = jnp.kron(eye8, W1)
    W2b = jnp.kron(eye8, jnp.pad(W2, ((0, 0), (0, 3))))
    b2b = jnp.tile(jnp.concatenate([b2, jnp.full((3,), _NEG, jnp.float32)]), 8)

    degr = _deg_call(dst3, zrow, ridx)
    hsv, disb = _call_a(x2, W1b, degr)
    accp1 = _agg_call(hsv.reshape(_RN, _DH), src3, dst3, zrows)
    hs2v = _call_b(accp1.reshape(_NC, _RV, 128), hsv, disb, jnp.tile(b1, 8))
    accp2 = _agg_call(hs2v.reshape(_RN, _DH), src3, dst3, zrows)
    o2 = _call_c(accp2.reshape(_NC, _RV, 128), hs2v, disb, W2b, b2b)
    return o2.reshape(_RN, 8)[:_N, :_DO]

# --- scband reference (transcript-rebuilt; emitter-appended) ---
"""Pipeline reference for scband-gcn-1331439862510 (READ-ONLY COPY).

The authoritative reference and input builder live on the scoring server;
editing this copy changes nothing except your own understanding.
"""

import jax, jax.numpy as jnp
import numpy as np

N = 10000
E = 320000
D_IN = 128
D_HID = 16
D_OUT = 5


def setup_inputs(seed: int = 0) -> dict:
    key = jax.random.key(seed)
    ks = jax.random.split(key, 6)
    x = jax.random.normal(ks[0], (N, D_IN), dtype=jnp.float32)
    edge_index = jax.random.randint(ks[1], (2, E), 0, N, dtype=jnp.int32)
    W1 = jax.random.normal(ks[2], (D_IN, D_HID), dtype=jnp.float32) * (1.0 / np.sqrt(D_IN))
    b1 = jnp.zeros((D_HID,), dtype=jnp.float32)
    W2 = jax.random.normal(ks[3], (D_HID, D_OUT), dtype=jnp.float32) * (1.0 / np.sqrt(D_HID))
    b2 = jnp.zeros((D_OUT,), dtype=jnp.float32)
    return {"x": x, "edge_index": edge_index, "W1": W1, "b1": b1, "W2": W2, "b2": b2}


def _gcn_conv(x, edge_index, W, b, num_nodes):
    # GCNConv with added self-loops and symmetric normalization (PyG semantics)
    loop = jnp.arange(num_nodes, dtype=edge_index.dtype)
    src = jnp.concatenate([edge_index[0], loop])
    dst = jnp.concatenate([edge_index[1], loop])
    h = x @ W  # linear transform first (fewer features to gather)
    ones = jnp.ones(dst.shape[0], dtype=jnp.float32)
    deg = jnp.zeros((num_nodes,), dtype=jnp.float32).at[dst].add(ones)
    deg_inv_sqrt = jnp.where(deg > 0, jax.lax.rsqrt(jnp.maximum(deg, 1e-12)), 0.0)
    norm = deg_inv_sqrt[src] * deg_inv_sqrt[dst]
    msg = h[src] * norm[:, None]  # gather (SparseCore)
    out = jnp.zeros((num_nodes, W.shape[1]), dtype=jnp.float32).at[dst].add(msg)  # scatter-add
    return out + b


def reference(x, edge_index, W1, b1, W2, b2):
    h = jax.nn.relu(_gcn_conv(x, edge_index, W1, b1, N))
    # F.dropout(x, training=self.training) is identity in eval mode
    out = _gcn_conv(h, edge_index, W2, b2, N)
    return jax.nn.log_softmax(out, axis=1)

if __name__ == "__main__":
    import jax
    _d = setup_inputs()
    print(jax.jit(kernel)(*tuple(_d.values())))

</pallas_src>

<mosaic_0001>
#map = affine_map<(d0, d1) -> (0, 0, 0)>
#map1 = affine_map<(d0, d1) -> (0)>
module attributes {stable_mosaic.version = 14 : i64} {
  func.func @_deg_body(%arg0: i32, %arg1: i32, %arg2: memref<32x80x128xi32, #tpu.memory_space<hbm>>, %arg3: memref<640xf32, #tpu.memory_space<hbm>>, %arg4: memref<16x80x128xi32, #tpu.memory_space<hbm>>, %arg5: memref<2x1280x128xf32, #tpu.memory_space<hbm>>, %arg6: memref<80x128xi32, #tpu.memory_space<vmem>>, %arg7: memref<128xf32, #tpu.memory_space<vmem>>, %arg8: memref<80x128xi32, #tpu.memory_space<vmem>>, %arg9: memref<80x128xf32, #tpu.memory_space<vmem>>, %arg10: memref<10240xf32, #tpu.memory_space<vmem_shared>>, %arg11: memref<!tpu.dma_semaphore, #tpu.memory_space<semaphore_mem>>, %arg12: memref<!tpu.dma_semaphore, #tpu.memory_space<semaphore_mem>>, %arg13: memref<!tpu.dma_semaphore, #tpu.memory_space<semaphore_mem>>) attributes {dimension_semantics = [#tpu.dimension_semantics<core_parallel>, #tpu.dimension_semantics<subcore_parallel>], iteration_bounds = array<i64: 2, 16>, scalar_prefetch = 0 : i64, scratch_operands = 8 : i64, tpu.core_type = #tpu.core_type<sc_vector_subcore>, window_params = [{transform_indices = #map}, {transform_indices = #map1}, {transform_indices = #map}, {transform_indices = #map}]} {
    %mul3A = arith.constant 16 : i32
    %mul3A_0 = arith.muli %arg0, %mul3A : i32
    %add3A = arith.addi %mul3A_0, %arg1 : i32
    %mul3A_1 = arith.constant 640 : i32
    %mul3A_2 = arith.muli %arg1, %mul3A_1 : i32
    %broadcast_in_dim3A = arith.constant 1.000000e+00 : f32
    %broadcast_in_dim3A_3 = vector.broadcast %broadcast_in_dim3A : f32 to vector<16xf32>
    %swap3A = arith.constant 0 : index
    %swap3A_4 = tpu.vector_load %arg7[%swap3A] {strides = array<i32>} : memref<128xf32, #tpu.memory_space<vmem>>, vector<16xf32>,
    %swap3A_5 = vector.shape_cast %swap3A_4 : vector<16xf32> to vector<16xf32>
    %swap3A_6 = vector.shape_cast %broadcast_in_dim3A_3 : vector<16xf32> to vector<16xf32>
    tpu.vector_store %arg7[%swap3A], %swap3A_6 {strides = array<i32>} : memref<128xf32, #tpu.memory_space<vmem>>, vector<16xf32>,
    %broadcast_in_dim3A_7 = arith.constant 1.000000e+00 : f32
    %broadcast_in_dim3A_8 = vector.broadcast %broadcast_in_dim3A_7 : f32 to vector<16xf32>
    %swap3A_9 = arith.constant 16 : index
    %swap3A_10 = tpu.vector_load %arg7[%swap3A_9] {strides = array<i32>} : memref<128xf32, #tpu.memory_space<vmem>>, vector<16xf32>,
    %swap3A_11 = vector.shape_cast %swap3A_10 : vector<16xf32> to vector<16xf32>
    %swap3A_12 = vector.shape_cast %broadcast_in_dim3A_8 : vector<16xf32> to vector<16xf32>
    tpu.vector_store %arg7[%swap3A_9], %swap3A_12 {strides = array<i32>} : memref<128xf32, #tpu.memory_space<vmem>>, vector<16xf32>,
    %broadcast_in_dim3A_13 = arith.constant 1.000000e+00 : f32
    %broadcast_in_dim3A_14 = vector.broadcast %broadcast_in_dim3A_13 : f32 to vector<16xf32>
    %swap3A_15 = arith.constant 32 : index
    %swap3A_16 = tpu.vector_load %arg7[%swap3A_15] {strides = array<i32>} : memref<128xf32, #tpu.memory_space<vmem>>, vector<16xf32>,
    %swap3A_17 = vector.shape_cast %swap3A_16 : vector<16xf32> to vector<16xf32>
    %swap3A_18 = vector.shape_cast %broadcast_in_dim3A_14 : vector<16xf32> to vector<16xf32>
    tpu.vector_store %arg7[%swap3A_15], %swap3A_18 {strides = array<i32>} : memref<128xf32, #tpu.memory_space<vmem>>, vector<16xf32>,
    %broadcast_in_dim3A_19 = arith.constant 1.000000e+00 : f32
    %broadcast_in_dim3A_20 = vector.broadcast %broadcast_in_dim3A_19 : f32 to vector<16xf32>
    %swap3A_21 = arith.constant 48 : index
    %swap3A_22 = tpu.vector_load %arg7[%swap3A_21] {strides = array<i32>} : memref<128xf32, #tpu.memory_space<vmem>>, vector<16xf32>,
    %swap3A_23 = vector.shape_cast %swap3A_22 : vector<16xf32> to vector<16xf32>
    %swap3A_24 = vector.shape_cast %broadcast_in_dim3A_20 : vector<16xf32> to vector<16xf32>
    tpu.vector_store %arg7[%swap3A_21], %swap3A_24 {strides = array<i32>} : memref<128xf32, #tpu.memory_space<vmem>>, vector<16xf32>,
    %broadcast_in_dim3A_25 = arith.constant 1.000000e+00 : f32
    %broadcast_in_dim3A_26 = vector.broadcast %broadcast_in_dim3A_25 : f32 to vector<16xf32>
    %swap3A_27 = arith.constant 64 : index
    %swap3A_28 = tpu.vector_load %arg7[%swap3A_27] {strides = array<i32>} : memref<128xf32, #tpu.memory_space<vmem>>, vector<16xf32>,
    %swap3A_29 = vector.shape_cast %swap3A_28 : vector<16xf32> to vector<16xf32>
    %swap3A_30 = vector.shape_cast %broadcast_in_dim3A_26 : vector<16xf32> to vector<16xf32>
    tpu.vector_store %arg7[%swap3A_27], %swap3A_30 {strides = array<i32>} : memref<128xf32, #tpu.memory_space<vmem>>, vector<16xf32>,
    %broadcast_in_dim3A_31 = arith.constant 1.000000e+00 : f32
    %broadcast_in_dim3A_32 = vector.broadcast %broadcast_in_dim3A_31 : f32 to vector<16xf32>
    %swap3A_33 = arith.constant 80 : index
    %swap3A_34 = tpu.vector_load %arg7[%swap3A_33] {strides = array<i32>} : memref<128xf32, #tpu.memory_space<vmem>>, vector<16xf32>,
    %swap3A_35 = vector.shape_cast %swap3A_34 : vector<16xf32> to vector<16xf32>
    %swap3A_36 = vector.shape_cast %broadcast_in_dim3A_32 : vector<16xf32> to vector<16xf32>
    tpu.vector_store %arg7[%swap3A_33], %swap3A_36 {strides = array<i32>} : memref<128xf32, #tpu.memory_space<vmem>>, vector<16xf32>,
    %broadcast_in_dim3A_37 = arith.constant 1.000000e+00 : f32
    %broadcast_in_dim3A_38 = vector.broadcast %broadcast_in_dim3A_37 : f32 to vector<16xf32>
    %swap3A_39 = arith.constant 96 : index
    %swap3A_40 = tpu.vector_load %arg7[%swap3A_39] {strides = array<i32>} : memref<128xf32, #tpu.memory_space<vmem>>, vector<16xf32>,
    %swap3A_41 = vector.shape_cast %swap3A_40 : vector<16xf32> to vector<16xf32>
    %swap3A_42 = vector.shape_cast %broadcast_in_dim3A_38 : vector<16xf32> to vector<16xf32>
    tpu.vector_store %arg7[%swap3A_39], %swap3A_42 {strides = array<i32>} : memref<128xf32, #tpu.memory_space<vmem>>, vector<16xf32>,
    %broadcast_in_dim3A_43 = arith.constant 1.000000e+00 : f32
    %broadcast_in_dim3A_44 = vector.broadcast %broadcast_in_dim3A_43 : f32 to vector<16xf32>
    %swap3A_45 = arith.constant 112 : index
    %swap3A_46 = tpu.vector_load %arg7[%swap3A_45] {strides = array<i32>} : memref<128xf32, #tpu.memory_space<vmem>>, vector<16xf32>,
    %swap3A_47 = vector.shape_cast %swap3A_46 : vector<16xf32> to vector<16xf32>
    %swap3A_48 = vector.shape_cast %broadcast_in_dim3A_44 : vector<16xf32> to vector<16xf32>
    tpu.vector_store %arg7[%swap3A_45], %swap3A_48 {strides = array<i32>} : memref<128xf32, #tpu.memory_space<vmem>>, vector<16xf32>,
    "tpu.region"() ({
      %run_scoped3A = tpu.sem_alloc : memref<!tpu.dma_semaphore, #tpu.memory_space<semaphore_mem>>
      %dma_start3A_105 = tpu.memref_slice %arg10[%mul3A_2] : memref<10240xf32, #tpu.memory_space<vmem_shared>> -> memref<640xf32, #tpu.memory_space<vmem_shared>>
      tpu.enqueue_dma source(%arg3 : memref<640xf32, #tpu.memory_space<hbm>>) target(%dma_start3A_105 : memref<640xf32, #tpu.memory_space<vmem_shared>>) target_semaphore(%run_scoped3A : memref<!tpu.dma_semaphore, #tpu.memory_space<semaphore_mem>>)
      %dma_wait3A_106 = tpu.memref_slice %arg10[%mul3A_2] : memref<10240xf32, #tpu.memory_space<vmem_shared>> -> memref<640xf32, #tpu.memory_space<vmem_shared>>
      tpu.wait_dma2 semaphore(%run_scoped3A : memref<!tpu.dma_semaphore, #tpu.memory_space<semaphore_mem>>) src(%arg3 : memref<640xf32, #tpu.memory_space<hbm>>) dst(%dma_wait3A_106 : memref<640xf32, #tpu.memory_space<vmem_shared>>)
      tpu.yield
    }) : () -> ()
    %dma_start3A = arith.constant 0 : i32
    %dma_start3A_49 = arith.constant 0 : i32
    %dma_start3A_50 = tpu.memref_slice %arg2[%add3A, %dma_start3A, %dma_start3A_49] : memref<32x80x128xi32, #tpu.memory_space<hbm>> -> memref<1x80x128xi32, #tpu.memory_space<hbm>>
    %dma_start3A_51 = tpu.memref_squeeze %dma_start3A_50 : memref<1x80x128xi32, #tpu.memory_space<hbm>> -> memref<80x128xi32, #tpu.memory_space<hbm>>
    %dma_start3A_52 = arith.constant 0 : i32
    %dma_start3A_53 = arith.constant 0 : i32
    %dma_start3A_54 = tpu.memref_slice %arg2[%add3A, %dma_start3A_52, %dma_start3A_53] : memref<32x80x128xi32, #tpu.memory_space<hbm>> -> memref<1x80x128xi32, #tpu.memory_space<hbm>>
    %dma_start3A_55 = tpu.memref_squeeze %dma_start3A_54 : memref<1x80x128xi32, #tpu.memory_space<hbm>> -> memref<80x128xi32, #tpu.memory_space<hbm>>
    tpu.enqueue_dma source(%dma_start3A_55 : memref<80x128xi32, #tpu.memory_space<hbm>>) target(%arg6 : memref<80x128xi32, #tpu.memory_space<vmem>>) target_semaphore(%arg11 : memref<!tpu.dma_semaphore, #tpu.memory_space<semaphore_mem>>)
    %dma_wait3A = arith.constant 0 : i32
    %dma_wait3A_56 = arith.constant 0 : i32
    %dma_wait3A_57 = tpu.memref_slice %arg2[%add3A, %dma_wait3A, %dma_wait3A_56] : memref<32x80x128xi32, #tpu.memory_space<hbm>> -> memref<1x80x128xi32, #tpu.memory_space<hbm>>
    %dma_wait3A_58 = tpu.memref_squeeze %dma_wait3A_57 : memref<1x80x128xi32, #tpu.memory_space<hbm>> -> memref<80x128xi32, #tpu.memory_space<hbm>>
    %dma_wait3A_59 = arith.constant 0 : i32
    %dma_wait3A_60 = arith.constant 0 : i32
    %dma_wait3A_61 = tpu.memref_slice %arg2[%add3A, %dma_wait3A_59, %dma_wait3A_60] : memref<32x80x128xi32, #tpu.memory_space<hbm>> -> memref<1x80x128xi32, #tpu.memory_space<hbm>>
    %dma_wait3A_62 = tpu.memref_squeeze %dma_wait3A_61 : memref<1x80x128xi32, #tpu.memory_space<hbm>> -> memref<80x128xi32, #tpu.memory_space<hbm>>
    tpu.wait_dma2 semaphore(%arg11 : memref<!tpu.dma_semaphore, #tpu.memory_space<semaphore_mem>>) src(%dma_wait3A_62 : memref<80x128xi32, #tpu.memory_space<hbm>>) dst(%arg6 : memref<80x128xi32, #tpu.memory_space<vmem>>)
    %dma_start3A_63 = arith.constant 0 : i32
    %dma_start3A_64 = arith.constant 0 : i32
    %dma_start3A_65 = tpu.memref_slice %arg4[%arg1, %dma_start3A_63, %dma_start3A_64] : memref<16x80x128xi32, #tpu.memory_space<hbm>> -> memref<1x80x128xi32, #tpu.memory_space<hbm>>
    %dma_start3A_66 = tpu.memref_squeeze %dma_start3A_65 : memref<1x80x128xi32, #tpu.memory_space<hbm>> -> memref<80x128xi32, #tpu.memory_space<hbm>>
    %dma_start3A_67 = arith.constant 0 : i32
    %dma_start3A_68 = arith.constant 0 : i32
    %dma_start3A_69 = tpu.memref_slice %arg4[%arg1, %dma_start3A_67, %dma_start3A_68] : memref<16x80x128xi32, #tpu.memory_space<hbm>> -> memref<1x80x128xi32, #tpu.memory_space<hbm>>
    %dma_start3A_70 = tpu.memref_squeeze %dma_start3A_69 : memref<1x80x128xi32, #tpu.memory_space<hbm>> -> memref<80x128xi32, #tpu.memory_space<hbm>>
    tpu.enqueue_dma source(%dma_start3A_70 : memref<80x128xi32, #tpu.memory_space<hbm>>) target(%arg8 : memref<80x128xi32, #tpu.memory_space<vmem>>) target_semaphore(%arg11 : memref<!tpu.dma_semaphore, #tpu.memory_space<semaphore_mem>>)
    %dma_wait3A_71 = arith.constant 0 : i32
    %dma_wait3A_72 = arith.constant 0 : i32
    %dma_wait3A_73 = tpu.memref_slice %arg4[%arg1, %dma_wait3A_71, %dma_wait3A_72] : memref<16x80x128xi32, #tpu.memory_space<hbm>> -> memref<1x80x128xi32, #tpu.memory_space<hbm>>
    %dma_wait3A_74 = tpu.memref_squeeze %dma_wait3A_73 : memref<1x80x128xi32, #tpu.memory_space<hbm>> -> memref<80x128xi32, #tpu.memory_space<hbm>>
    %dma_wait3A_75 = arith.constant 0 : i32
    %dma_wait3A_76 = arith.constant 0 : i32
    %dma_wait3A_77 = tpu.memref_slice %arg4[%arg1, %dma_wait3A_75, %dma_wait3A_76] : memref<16x80x128xi32, #tpu.memory_space<hbm>> -> memref<1x80x128xi32, #tpu.memory_space<hbm>>
    %dma_wait3A_78 = tpu.memref_squeeze %dma_wait3A_77 : memref<1x80x128xi32, #tpu.memory_space<hbm>> -> memref<80x128xi32, #tpu.memory_space<hbm>>
    tpu.wait_dma2 semaphore(%arg11 : memref<!tpu.dma_semaphore, #tpu.memory_space<semaphore_mem>>) src(%dma_wait3A_78 : memref<80x128xi32, #tpu.memory_space<hbm>>) dst(%arg8 : memref<80x128xi32, #tpu.memory_space<vmem>>)
    %barrier3A = arith.constant 0 : index
    tpu.barrier barrier_id(%barrier3A)
    %scan3A = arith.constant 0 : i32
    %scan3A_79 = arith.constant 0 : i32
    %scan3A_80 = arith.constant 40 : i32
    %scan3A_81 = arith.addi %scan3A_79, %scan3A_80 : i32
    %scan3A_82 = arith.constant 1 : i32
    scf.for %scan3A_105 = %scan3A_79 to %scan3A_81 step %scan3A_82  : i32 {
      %mul3A_106 = arith.constant 2 : i32
      %mul3A_107 = arith.muli %mul3A_106, %scan3A_105 : i32
      %dma_start3A_108 = arith.constant 0 : i32
      %dma_start3A_109 = tpu.memref_slice %arg6[%mul3A_107, %dma_start3A_108] : memref<80x128xi32, #tpu.memory_space<vmem>> -> memref<1x128xi32, #tpu.memory_space<vmem>>
      %dma_start3A_110 = tpu.memref_squeeze %dma_start3A_109 : memref<1x128xi32, #tpu.memory_space<vmem>> -> memref<128xi32, #tpu.memory_space<vmem>>
      %dma_start3A_111 = arith.constant 0 : i32
      %dma_start3A_112 = tpu.memref_slice %arg10[%dma_start3A_111] : memref<10240xf32, #tpu.memory_space<vmem_shared>> -> memref<10240xf32, #tpu.memory_space<vmem_shared>>
      tpu.enqueue_indirect_dma source(%arg7 : memref<128xf32, #tpu.memory_space<vmem>>) target(%dma_start3A_112 : memref<10240xf32, #tpu.memory_space<vmem_shared>>) offsets(%dma_start3A_110 : memref<128xi32, #tpu.memory_space<vmem>>) semaphore(%arg12 : memref<!tpu.dma_semaphore, #tpu.memory_space<semaphore_mem>>) {add = true}
      %mul3A_113 = arith.constant 2 : i32
      %mul3A_114 = arith.muli %mul3A_113, %scan3A_105 : i32
      %add3A_115 = arith.constant 1 : i32
      %add3A_116 = arith.addi %mul3A_114, %add3A_115 : i32
      %dma_start3A_117 = arith.constant 0 : i32
      %dma_start3A_118 = tpu.memref_slice %arg6[%add3A_116, %dma_start3A_117] : memref<80x128xi32, #tpu.memory_space<vmem>> -> memref<1x128xi32, #tpu.memory_space<vmem>>
      %dma_start3A_119 = tpu.memref_squeeze %dma_start3A_118 : memref<1x128xi32, #tpu.memory_space<vmem>> -> memref<128xi32, #tpu.memory_space<vmem>>
      %dma_start3A_120 = arith.constant 0 : i32
      %dma_start3A_121 = tpu.memref_slice %arg10[%dma_start3A_120] : memref<10240xf32, #tpu.memory_space<vmem_shared>> -> memref<10240xf32, #tpu.memory_space<vmem_shared>>
      tpu.enqueue_indirect_dma source(%arg7 : memref<128xf32, #tpu.memory_space<vmem>>) target(%dma_start3A_121 : memref<10240xf32, #tpu.memory_space<vmem_shared>>) offsets(%dma_start3A_119 : memref<128xi32, #tpu.memory_space<vmem>>) semaphore(%arg13 : memref<!tpu.dma_semaphore, #tpu.memory_space<semaphore_mem>>) {add = true}
    }
    %scan3A_83 = arith.constant 40 : i32
    %scan3A_84 = arith.constant 0 : i32
    %scan3A_85 = arith.constant 0 : i32
    %scan3A_86 = arith.constant 40 : i32
    %scan3A_87 = arith.addi %scan3A_85, %scan3A_86 : i32
    %scan3A_88 = arith.constant 1 : i32
    scf.for %scan3A_105 = %scan3A_85 to %scan3A_87 step %scan3A_88  : i32 {
      %dma_wait3A_106 = arith.constant 0 : i32
      %dma_wait3A_107 = arith.constant 0 : i32
      %dma_wait3A_108 = tpu.memref_slice %arg6[%dma_wait3A_106, %dma_wait3A_107] : memref<80x128xi32, #tpu.memory_space<vmem>> -> memref<1x128xi32, #tpu.memory_space<vmem>>
      %dma_wait3A_109 = tpu.memref_squeeze %dma_wait3A_108 : memref<1x128xi32, #tpu.memory_space<vmem>> -> memref<128xi32, #tpu.memory_space<vmem>>
      %dma_wait3A_110 = arith.constant 0 : i32
      %dma_wait3A_111 = tpu.memref_slice %arg10[%dma_wait3A_110] : memref<10240xf32, #tpu.memory_space<vmem_shared>> -> memref<10240xf32, #tpu.memory_space<vmem_shared>>
      tpu.wait_indirect_dma semaphore(%arg12 : memref<!tpu.dma_semaphore, #tpu.memory_space<semaphore_mem>>) src(%arg7 : memref<128xf32, #tpu.memory_space<vmem>>) dst(%dma_wait3A_111 : memref<10240xf32, #tpu.memory_space<vmem_shared>>)
      %dma_wait3A_112 = arith.constant 0 : i32
      %dma_wait3A_113 = arith.constant 0 : i32
      %dma_wait3A_114 = tpu.memref_slice %arg6[%dma_wait3A_112, %dma_wait3A_113] : memref<80x128xi32, #tpu.memory_space<vmem>> -> memref<1x128xi32, #tpu.memory_space<vmem>>
      %dma_wait3A_115 = tpu.memref_squeeze %dma_wait3A_114 : memref<1x128xi32, #tpu.memory_space<vmem>> -> memref<128xi32, #tpu.memory_space<vmem>>
      %dma_wait3A_116 = arith.constant 0 : i32
      %dma_wait3A_117 = tpu.memref_slice %arg10[%dma_wait3A_116] : memref<10240xf32, #tpu.memory_space<vmem_shared>> -> memref<10240xf32, #tpu.memory_space<vmem_shared>>
      tpu.wait_indirect_dma semaphore(%arg13 : memref<!tpu.dma_semaphore, #tpu.memory_space<semaphore_mem>>) src(%arg7 : memref<128xf32, #tpu.memory_space<vmem>>) dst(%dma_wait3A_117 : memref<10240xf32, #tpu.memory_space<vmem_shared>>)
    }
    %scan3A_89 = arith.constant 40 : i32
    %barrier3A_90 = arith.constant 0 : index
    tpu.barrier barrier_id(%barrier3A_90)
    %scan3A_91 = arith.constant 0 : i32
    %scan3A_92 = arith.constant 0 : i32
    %scan3A_93 = arith.constant 40 : i32
    %scan3A_94 = arith.addi %scan3A_92, %scan3A_93 : i32
    %scan3A_95 = arith.constant 1 : i32
    scf.for %scan3A_105 = %scan3A_92 to %scan3A_94 step %scan3A_95  : i32 {
      %mul3A_106 = arith.constant 2 : i32
      %mul3A_107 = arith.muli %mul3A_106, %scan3A_105 : i32
      %mul3A_108 = arith.constant 2 : i32
      %mul3A_109 = arith.muli %mul3A_108, %scan3A_105 : i32
      %dma_start3A_110 = arith.constant 0 : i32
      %dma_start3A_111 = tpu.memref_slice %arg9[%mul3A_109, %dma_start3A_110] : memref<80x128xf32, #tpu.memory_space<vmem>> -> memref<1x128xf32, #tpu.memory_space<vmem>>
      %dma_start3A_112 = tpu.memref_squeeze %dma_start3A_111 : memref<1x128xf32, #tpu.memory_space<vmem>> -> memref<128xf32, #tpu.memory_space<vmem>>
      %dma_start3A_113 = arith.constant 0 : i32
      %dma_start3A_114 = tpu.memref_slice %arg8[%mul3A_107, %dma_start3A_113] : memref<80x128xi32, #tpu.memory_space<vmem>> -> memref<1x128xi32, #tpu.memory_space<vmem>>
      %dma_start3A_115 = tpu.memref_squeeze %dma_start3A_114 : memref<1x128xi32, #tpu.memory_space<vmem>> -> memref<128xi32, #tpu.memory_space<vmem>>
      %dma_start3A_116 = arith.constant 0 : i32
      %dma_start3A_117 = tpu.memref_slice %arg10[%dma_start3A_116] : memref<10240xf32, #tpu.memory_space<vmem_shared>> -> memref<10240xf32, #tpu.memory_space<vmem_shared>>
      tpu.enqueue_indirect_dma source(%dma_start3A_117 : memref<10240xf32, #tpu.memory_space<vmem_shared>>) target(%dma_start3A_112 : memref<128xf32, #tpu.memory_space<vmem>>) offsets(%dma_start3A_115 : memref<128xi32, #tpu.memory_space<vmem>>) semaphore(%arg12 : memref<!tpu.dma_semaphore, #tpu.memory_space<semaphore_mem>>)
      %mul3A_118 = arith.constant 2 : i32
      %mul3A_119 = arith.muli %mul3A_118, %scan3A_105 : i32
      %add3A_120 = arith.constant 1 : i32
      %add3A_121 = arith.addi %mul3A_119, %add3A_120 : i32
      %mul3A_122 = arith.constant 2 : i32
      %mul3A_123 = arith.muli %mul3A_122, %scan3A_105 : i32
      %add3A_124 = arith.constant 1 : i32
      %add3A_125 = arith.addi %mul3A_123, %add3A_124 : i32
      %dma_start3A_126 = arith.constant 0 : i32
      %dma_start3A_127 = tpu.memref_slice %arg9[%add3A_125, %dma_start3A_126] : memref<80x128xf32, #tpu.memory_space<vmem>> -> memref<1x128xf32, #tpu.memory_space<vmem>>
      %dma_start3A_128 = tpu.memref_squeeze %dma_start3A_127 : memref<1x128xf32, #tpu.memory_space<vmem>> -> memref<128xf32, #tpu.memory_space<vmem>>
      %dma_start3A_129 = arith.constant 0 : i32
      %dma_start3A_130 = tpu.memref_slice %arg8[%add3A_121, %dma_start3A_129] : memref<80x128xi32, #tpu.memory_space<vmem>> -> memref<1x128xi32, #tpu.memory_space<vmem>>
      %dma_start3A_131 = tpu.memref_squeeze %dma_start3A_130 : memref<1x128xi32, #tpu.memory_space<vmem>> -> memref<128xi32, #tpu.memory_space<vmem>>
      %dma_start3A_132 = arith.constant 0 : i32
      %dma_start3A_133 = tpu.memref_slice %arg10[%dma_start3A_132] : memref<10240xf32, #tpu.memory_space<vmem_shared>> -> memref<10240xf32, #tpu.memory_space<vmem_shared>>
      tpu.enqueue_indirect_dma source(%dma_start3A_133 : memref<10240xf32, #tpu.memory_space<vmem_shared>>) target(%dma_start3A_128 : memref<128xf32, #tpu.memory_space<vmem>>) offsets(%dma_start3A_131 : memref<128xi32, #tpu.memory_space<vmem>>) semaphore(%arg13 : memref<!tpu.dma_semaphore, #tpu.memory_space<semaphore_mem>>)
    }
    %scan3A_96 = arith.constant 40 : i32
    %scan3A_97 = arith.constant 0 : i32
    %scan3A_98 = arith.constant 0 : i32
    %scan3A_99 = arith.constant 40 : i32
    %scan3A_100 = arith.addi %scan3A_98, %scan3A_99 : i32
    %scan3A_101 = arith.constant 1 : i32
    scf.for %scan3A_105 = %scan3A_98 to %scan3A_100 step %scan3A_101  : i32 {
      %dma_wait3A_106 = arith.constant 0 : i32
      %dma_wait3A_107 = arith.constant 0 : i32
      %dma_wait3A_108 = arith.constant 0 : i32
      %dma_wait3A_109 = tpu.memref_slice %arg9[%dma_wait3A_107, %dma_wait3A_108] : memref<80x128xf32, #tpu.memory_space<vmem>> -> memref<1x128xf32, #tpu.memory_space<vmem>>
      %dma_wait3A_110 = tpu.memref_squeeze %dma_wait3A_109 : memref<1x128xf32, #tpu.memory_space<vmem>> -> memref<128xf32, #tpu.memory_space<vmem>>
      %dma_wait3A_111 = arith.constant 0 : i32
      %dma_wait3A_112 = tpu.memref_slice %arg8[%dma_wait3A_106, %dma_wait3A_111] : memref<80x128xi32, #tpu.memory_space<vmem>> -> memref<1x128xi32, #tpu.memory_space<vmem>>
      %dma_wait3A_113 = tpu.memref_squeeze %dma_wait3A_112 : memref<1x128xi32, #tpu.memory_space<vmem>> -> memref<128xi32, #tpu.memory_space<vmem>>
      %dma_wait3A_114 = arith.constant 0 : i32
      %dma_wait3A_115 = tpu.memref_slice %arg10[%dma_wait3A_114] : memref<10240xf32, #tpu.memory_space<vmem_shared>> -> memref<10240xf32, #tpu.memory_space<vmem_shared>>
      tpu.wait_indirect_dma semaphore(%arg12 : memref<!tpu.dma_semaphore, #tpu.memory_space<semaphore_mem>>) src(%dma_wait3A_115 : memref<10240xf32, #tpu.memory_space<vmem_shared>>) dst(%dma_wait3A_110 : memref<128xf32, #tpu.memory_space<vmem>>)
      %dma_wait3A_116 = arith.constant 0 : i32
      %dma_wait3A_117 = arith.constant 0 : i32
      %dma_wait3A_118 = arith.constant 0 : i32
      %dma_wait3A_119 = tpu.memref_slice %arg9[%dma_wait3A_117, %dma_wait3A_118] : memref<80x128xf32, #tpu.memory_space<vmem>> -> memref<1x128xf32, #tpu.memory_space<vmem>>
      %dma_wait3A_120 = tpu.memref_squeeze %dma_wait3A_119 : memref<1x128xf32, #tpu.memory_space<vmem>> -> memref<128xf32, #tpu.memory_space<vmem>>
      %dma_wait3A_121 = arith.constant 0 : i32
      %dma_wait3A_122 = tpu.memref_slice %arg8[%dma_wait3A_116, %dma_wait3A_121] : memref<80x128xi32, #tpu.memory_space<vmem>> -> memref<1x128xi32, #tpu.memory_space<vmem>>
      %dma_wait3A_123 = tpu.memref_squeeze %dma_wait3A_122 : memref<1x128xi32, #tpu.memory_space<vmem>> -> memref<128xi32, #tpu.memory_space<vmem>>
      %dma_wait3A_124 = arith.constant 0 : i32
      %dma_wait3A_125 = tpu.memref_slice %arg10[%dma_wait3A_124] : memref<10240xf32, #tpu.memory_space<vmem_shared>> -> memref<10240xf32, #tpu.memory_space<vmem_shared>>
      tpu.wait_indirect_dma semaphore(%arg13 : memref<!tpu.dma_semaphore, #tpu.memory_space<semaphore_mem>>) src(%dma_wait3A_125 : memref<10240xf32, #tpu.memory_space<vmem_shared>>) dst(%dma_wait3A_120 : memref<128xf32, #tpu.memory_space<vmem>>)
    }
    %scan3A_102 = arith.constant 40 : i32
    %mul3A_103 = arith.constant 80 : i32
    %mul3A_104 = arith.muli %arg1, %mul3A_103 : i32
    "tpu.region"() ({
      %run_scoped3A = tpu.sem_alloc : memref<!tpu.dma_semaphore, #tpu.memory_space<semaphore_mem>>
      %dma_start3A_105 = arith.constant 0 : i32
      %dma_start3A_106 = tpu.memref_slice %arg5[%arg0, %mul3A_104, %dma_start3A_105] : memref<2x1280x128xf32, #tpu.memory_space<hbm>> -> memref<1x80x128xf32, #tpu.memory_space<hbm>>
      %dma_start3A_107 = tpu.memref_squeeze %dma_start3A_106 : memref<1x80x128xf32, #tpu.memory_space<hbm>> -> memref<80x128xf32, #tpu.memory_space<hbm>>
      %dma_start3A_108 = arith.constant 0 : i32
      %dma_start3A_109 = tpu.memref_slice %arg5[%arg0, %mul3A_104, %dma_start3A_108] : memref<2x1280x128xf32, #tpu.memory_space<hbm>> -> memref<1x80x128xf32, #tpu.memory_space<hbm>>
      %dma_start3A_110 = tpu.memref_squeeze %dma_start3A_109 : memref<1x80x128xf32, #tpu.memory_space<hbm>> -> memref<80x128xf32, #tpu.memory_space<hbm>>
      tpu.enqueue_dma source(%arg9 : memref<80x128xf32, #tpu.memory_space<vmem>>) target(%dma_start3A_110 : memref<80x128xf32, #tpu.memory_space<hbm>>) target_semaphore(%run_scoped3A : memref<!tpu.dma_semaphore, #tpu.memory_space<semaphore_mem>>)
      %dma_wait3A_111 = arith.constant 0 : i32
      %dma_wait3A_112 = tpu.memref_slice %arg5[%arg0, %mul3A_104, %dma_wait3A_111] : memref<2x1280x128xf32, #tpu.memory_space<hbm>> -> memref<1x80x128xf32, #tpu.memory_space<hbm>>
      %dma_wait3A_113 = tpu.memref_squeeze %dma_wait3A_112 : memref<1x80x128xf32, #tpu.memory_space<hbm>> -> memref<80x128xf32, #tpu.memory_space<hbm>>
      %dma_wait3A_114 = arith.constant 0 : i32
      %dma_wait3A_115 = tpu.memref_slice %arg5[%arg0, %mul3A_104, %dma_wait3A_114] : memref<2x1280x128xf32, #tpu.memory_space<hbm>> -> memref<1x80x128xf32, #tpu.memory_space<hbm>>
      %dma_wait3A_116 = tpu.memref_squeeze %dma_wait3A_115 : memref<1x80x128xf32, #tpu.memory_space<hbm>> -> memref<80x128xf32, #tpu.memory_space<hbm>>
      tpu.wait_dma2 semaphore(%run_scoped3A : memref<!tpu.dma_semaphore, #tpu.memory_space<semaphore_mem>>) src(%arg9 : memref<80x128xf32, #tpu.memory_space<vmem>>) dst(%dma_wait3A_116 : memref<80x128xf32, #tpu.memory_space<hbm>>)
      tpu.yield
    }) : () -> ()
    return
  }
}

#map = affine_map<(d0, d1) -> (0, 0)>
#map1 = affine_map<(d0, d1) -> (0, 0, 0)>
module attributes {stable_mosaic.version = 14 : i64} {
  func.func @_agg_body(%arg0: i32, %arg1: i32, %arg2: memref<10240x16xf32, #tpu.memory_space<hbm>>, %arg3: memref<32x80x128xi32, #tpu.memory_space<hbm>>, %arg4: memref<32x80x128xi32, #tpu.memory_space<hbm>>, %arg5: memref<640x16xf32, #tpu.memory_space<hbm>>, %arg6: memref<2x10240x16xf32, #tpu.memory_space<hbm>>, %arg7: memref<80x128xi32, #tpu.memory_space<vmem>>, %arg8: memref<80x128xi32, #tpu.memory_space<vmem>>, %arg9: memref<8x128x16xf32, #tpu.memory_space<vmem>>, %arg10: memref<10240x16xf32, #tpu.memory_space<vmem_shared>>, %arg11: memref<10240x16xf32, #tpu.memory_space<vmem_shared>>, %arg12: memref<!tpu.dma_semaphore, #tpu.memory_space<semaphore_mem>>, %arg13: memref<!tpu.dma_semaphore, #tpu.memory_space<semaphore_mem>>, %arg14: memref<!tpu.dma_semaphore, #tpu.memory_space<semaphore_mem>>, %arg15: memref<!tpu.dma_semaphore, #tpu.memory_space<semaphore_mem>>, %arg16: memref<!tpu.dma_semaphore, #tpu.memory_space<semaphore_mem>>, %arg17: memref<!tpu.dma_semaphore, #tpu.memory_space<semaphore_mem>>, %arg18: memref<!tpu.dma_semaphore, #tpu.memory_space<semaphore_mem>>, %arg19: memref<!tpu.dma_semaphore, #tpu.memory_space<semaphore_mem>>, %arg20: memref<!tpu.dma_semaphore, #tpu.memory_space<semaphore_mem>>, %arg21: memref<!tpu.dma_semaphore, #tpu.memory_space<semaphore_mem>>, %arg22: memref<!tpu.dma_semaphore, #tpu.memory_space<semaphore_mem>>, %arg23: memref<!tpu.dma_semaphore, #tpu.memory_space<semaphore_mem>>, %arg24: memref<!tpu.dma_semaphore, #tpu.memory_space<semaphore_mem>>, %arg25: memref<!tpu.dma_semaphore, #tpu.memory_space<semaphore_mem>>, %arg26: memref<!tpu.dma_semaphore, #tpu.memory_space<semaphore_mem>>, %arg27: memref<!tpu.dma_semaphore, #tpu.memory_space<semaphore_mem>>, %arg28: memref<!tpu.dma_semaphore, #tpu.memory_space<semaphore_mem>>) attributes {dimension_semantics = [#tpu.dimension_semantics<core_parallel>, #tpu.dimension_semantics<subcore_parallel>], iteration_bounds = array<i64: 2, 16>, scalar_prefetch = 0 : i64, scratch_operands = 22 : i64, tpu.core_type = #tpu.core_type<sc_vector_subcore>, window_params = [{transform_indices = #map}, {transform_indices = #map1}, {transform_indices = #map1}, {transform_indices = #map}, {transform_indices = #map1}]} {
    %mul3A = arith.constant 16 : i32
    %mul3A_0 = arith.muli %arg0, %mul3A : i32
    %add3A = arith.addi %mul3A_0, %arg1 : i32
    %mul3A_1 = arith.constant 640 : i32
    %mul3A_2 = arith.muli %arg1, %mul3A_1 : i32
    %dma_start3A = arith.constant 0 : i32
    %dma_start3A_3 = arith.constant 0 : i32
    %dma_start3A_4 = tpu.memref_slice %arg3[%add3A, %dma_start3A, %dma_start3A_3] : memref<32x80x128xi32, #tpu.memory_space<hbm>> -> memref<1x80x128xi32, #tpu.memory_space<hbm>>
    %dma_start3A_5 = tpu.memref_squeeze %dma_start3A_4 : memref<1x80x128xi32, #tpu.memory_space<hbm>> -> memref<80x128xi32, #tpu.memory_space<hbm>>
    %dma_start3A_6 = arith.constant 0 : i32
    %dma_start3A_7 = arith.constant 0 : i32
    %dma_start3A_8 = tpu.memref_slice %arg3[%add3A, %dma_start3A_6, %dma_start3A_7] : memref<32x80x128xi32, #tpu.memory_space<hbm>> -> memref<1x80x128xi32, #tpu.memory_space<hbm>>
    %dma_start3A_9 = tpu.memref_squeeze %dma_start3A_8 : memref<1x80x128xi32, #tpu.memory_space<hbm>> -> memref<80x128xi32, #tpu.memory_space<hbm>>
    tpu.enqueue_dma source(%dma_start3A_9 : memref<80x128xi32, #tpu.memory_space<hbm>>) target(%arg7 : memref<80x128xi32, #tpu.memory_space<vmem>>) target_semaphore(%arg28 : memref<!tpu.dma_semaphore, #tpu.memory_space<semaphore_mem>>)
    %dma_start3A_10 = arith.constant 0 : i32
    %dma_start3A_11 = arith.constant 0 : i32
    %dma_start3A_12 = tpu.memref_slice %arg4[%add3A, %dma_start3A_10, %dma_start3A_11] : memref<32x80x128xi32, #tpu.memory_space<hbm>> -> memref<1x80x128xi32, #tpu.memory_space<hbm>>
    %dma_start3A_13 = tpu.memref_squeeze %dma_start3A_12 : memref<1x80x128xi32, #tpu.memory_space<hbm>> -> memref<80x128xi32, #tpu.memory_space<hbm>>
    %dma_start3A_14 = arith.constant 0 : i32
    %dma_start3A_15 = arith.constant 0 : i32
    %dma_start3A_16 = tpu.memref_slice %arg4[%add3A, %dma_start3A_14, %dma_start3A_15] : memref<32x80x128xi32, #tpu.memory_space<hbm>> -> memref<1x80x128xi32, #tpu.memory_space<hbm>>
    %dma_start3A_17 = tpu.memref_squeeze %dma_start3A_16 : memref<1x80x128xi32, #tpu.memory_space<hbm>> -> memref<80x128xi32, #tpu.memory_space<hbm>>
    tpu.enqueue_dma source(%dma_start3A_17 : memref<80x128xi32, #tpu.memory_space<hbm>>) target(%arg8 : memref<80x128xi32, #tpu.memory_space<vmem>>) target_semaphore(%arg28 : memref<!tpu.dma_semaphore, #tpu.memory_space<semaphore_mem>>)
    "tpu.region"() ({
      %run_scoped3A = tpu.sem_alloc : memref<!tpu.dma_semaphore, #tpu.memory_space<semaphore_mem>>
      %dma_start3A_183 = arith.constant 0 : i32
      %dma_start3A_184 = tpu.memref_slice %arg11[%mul3A_2, %dma_start3A_183] : memref<10240x16xf32, #tpu.memory_space<vmem_shared>> -> memref<640x16xf32, #tpu.memory_space<vmem_shared>>
      %dma_start3A_185 = arith.constant 0 : i32
      %dma_start3A_186 = tpu.memref_slice %arg2[%mul3A_2, %dma_start3A_185] : memref<10240x16xf32, #tpu.memory_space<hbm>> -> memref<640x16xf32, #tpu.memory_space<hbm>>
      tpu.enqueue_dma source(%dma_start3A_186 : memref<640x16xf32, #tpu.memory_space<hbm>>) target(%dma_start3A_184 : memref<640x16xf32, #tpu.memory_space<vmem_shared>>) target_semaphore(%run_scoped3A : memref<!tpu.dma_semaphore, #tpu.memory_space<semaphore_mem>>)
      %dma_wait3A_187 = arith.constant 0 : i32
      %dma_wait3A_188 = tpu.memref_slice %arg11[%mul3A_2, %dma_wait3A_187] : memref<10240x16xf32, #tpu.memory_space<vmem_shared>> -> memref<640x16xf32, #tpu.memory_space<vmem_shared>>
      %dma_wait3A_189 = arith.constant 0 : i32
      %dma_wait3A_190 = tpu.memref_slice %arg2[%mul3A_2, %dma_wait3A_189] : memref<10240x16xf32, #tpu.memory_space<hbm>> -> memref<640x16xf32, #tpu.memory_space<hbm>>
      tpu.wait_dma2 semaphore(%run_scoped3A : memref<!tpu.dma_semaphore, #tpu.memory_space<semaphore_mem>>) src(%dma_wait3A_190 : memref<640x16xf32, #tpu.memory_space<hbm>>) dst(%dma_wait3A_188 : memref<640x16xf32, #tpu.memory_space<vmem_shared>>)
      tpu.yield
    }) : () -> ()
    "tpu.region"() ({
      %run_scoped3A = tpu.sem_alloc : memref<!tpu.dma_semaphore, #tpu.memory_space<semaphore_mem>>
      %dma_start3A_183 = arith.constant 0 : i32
      %dma_start3A_184 = tpu.memref_slice %arg10[%mul3A_2, %dma_start3A_183] : memref<10240x16xf32, #tpu.memory_space<vmem_shared>> -> memref<640x16xf32, #tpu.memory_space<vmem_shared>>
      tpu.enqueue_dma source(%arg5 : memref<640x16xf32, #tpu.memory_space<hbm>>) target(%dma_start3A_184 : memref<640x16xf32, #tpu.memory_space<vmem_shared>>) target_semaphore(%run_scoped3A : memref<!tpu.dma_semaphore, #tpu.memory_space<semaphore_mem>>)
      %dma_wait3A_185 = arith.constant 0 : i32
      %dma_wait3A_186 = tpu.memref_slice %arg10[%mul3A_2, %dma_wait3A_185] : memref<10240x16xf32, #tpu.memory_space<vmem_shared>> -> memref<640x16xf32, #tpu.memory_space<vmem_shared>>
      tpu.wait_dma2 semaphore(%run_scoped3A : memref<!tpu.dma_semaphore, #tpu.memory_space<semaphore_mem>>) src(%arg5 : memref<640x16xf32, #tpu.memory_space<hbm>>) dst(%dma_wait3A_186 : memref<640x16xf32, #tpu.memory_space<vmem_shared>>)
      tpu.yield
    }) : () -> ()
    %dma_wait3A = arith.constant 0 : i32
    %dma_wait3A_18 = arith.constant 0 : i32
    %dma_wait3A_19 = tpu.memref_slice %arg3[%add3A, %dma_wait3A, %dma_wait3A_18] : memref<32x80x128xi32, #tpu.memory_space<hbm>> -> memref<1x80x128xi32, #tpu.memory_space<hbm>>
    %dma_wait3A_20 = tpu.memref_squeeze %dma_wait3A_19 : memref<1x80x128xi32, #tpu.memory_space<hbm>> -> memref<80x128xi32, #tpu.memory_space<hbm>>
    %dma_wait3A_21 = arith.constant 0 : i32
    %dma_wait3A_22 = arith.constant 0 : i32
    %dma_wait3A_23 = tpu.memref_slice %arg3[%add3A, %dma_wait3A_21, %dma_wait3A_22] : memref<32x80x128xi32, #tpu.memory_space<hbm>> -> memref<1x80x128xi32, #tpu.memory_space<hbm>>
    %dma_wait3A_24 = tpu.memref_squeeze %dma_wait3A_23 : memref<1x80x128xi32, #tpu.memory_space<hbm>> -> memref<80x128xi32, #tpu.memory_space<hbm>>
    tpu.wait_dma2 semaphore(%arg28 : memref<!tpu.dma_semaphore, #tpu.memory_space<semaphore_mem>>) src(%dma_wait3A_24 : memref<80x128xi32, #tpu.memory_space<hbm>>) dst(%arg7 : memref<80x128xi32, #tpu.memory_space<vmem>>)
    %dma_wait3A_25 = arith.constant 0 : i32
    %dma_wait3A_26 = arith.constant 0 : i32
    %dma_wait3A_27 = tpu.memref_slice %arg4[%add3A, %dma_wait3A_25, %dma_wait3A_26] : memref<32x80x128xi32, #tpu.memory_space<hbm>> -> memref<1x80x128xi32, #tpu.memory_space<hbm>>
    %dma_wait3A_28 = tpu.memref_squeeze %dma_wait3A_27 : memref<1x80x128xi32, #tpu.memory_space<hbm>> -> memref<80x128xi32, #tpu.memory_space<hbm>>
    %dma_wait3A_29 = arith.constant 0 : i32
    %dma_wait3A_30 = arith.constant 0 : i32
    %dma_wait3A_31 = tpu.memref_slice %arg4[%add3A, %dma_wait3A_29, %dma_wait3A_30] : memref<32x80x128xi32, #tpu.memory_space<hbm>> -> memref<1x80x128xi32, #tpu.memory_space<hbm>>
    %dma_wait3A_32 = tpu.memref_squeeze %dma_wait3A_31 : memref<1x80x128xi32, #tpu.memory_space<hbm>> -> memref<80x128xi32, #tpu.memory_space<hbm>>
    tpu.wait_dma2 semaphore(%arg28 : memref<!tpu.dma_semaphore, #tpu.memory_space<semaphore_mem>>) src(%dma_wait3A_32 : memref<80x128xi32, #tpu.memory_space<hbm>>) dst(%arg8 : memref<80x128xi32, #tpu.memory_space<vmem>>)
    %barrier3A = arith.constant 0 : index
    tpu.barrier barrier_id(%barrier3A)
    %dma_start3A_33 = arith.constant 0 : i32
    %dma_start3A_34 = arith.constant 0 : i32
    %dma_start3A_35 = arith.constant 0 : i32
    %dma_start3A_36 = arith.constant 0 : i32
    %dma_start3A_37 = tpu.memref_slice %arg9[%dma_start3A_34, %dma_start3A_35, %dma_start3A_36] : memref<8x128x16xf32, #tpu.memory_space<vmem>> -> memref<1x128x16xf32, #tpu.memory_space<vmem>>
    %dma_start3A_38 = tpu.memref_squeeze %dma_start3A_37 : memref<1x128x16xf32, #tpu.memory_space<vmem>> -> memref<128x16xf32, #tpu.memory_space<vmem>>
    %dma_start3A_39 = arith.constant 0 : i32
    %dma_start3A_40 = tpu.memref_slice %arg7[%dma_start3A_33, %dma_start3A_39] : memref<80x128xi32, #tpu.memory_space<vmem>> -> memref<1x128xi32, #tpu.memory_space<vmem>>
    %dma_start3A_41 = tpu.memref_squeeze %dma_start3A_40 : memref<1x128xi32, #tpu.memory_space<vmem>> -> memref<128xi32, #tpu.memory_space<vmem>>
    %dma_start3A_42 = arith.constant 0 : i32
    %dma_start3A_43 = arith.constant 0 : i32
    %dma_start3A_44 = tpu.memref_slice %arg11[%dma_start3A_42, %dma_start3A_43] : memref<10240x16xf32, #tpu.memory_space<vmem_shared>> -> memref<10240x16xf32, #tpu.memory_space<vmem_shared>>
    tpu.enqueue_indirect_dma source(%dma_start3A_44 : memref<10240x16xf32, #tpu.memory_space<vmem_shared>>) target(%dma_start3A_38 : memref<128x16xf32, #tpu.memory_space<vmem>>) offsets(%dma_start3A_41 : memref<128xi32, #tpu.memory_space<vmem>>) semaphore(%arg12 : memref<!tpu.dma_semaphore, #tpu.memory_space<semaphore_mem>>)
    %dma_start3A_45 = arith.constant 1 : i32
    %dma_start3A_46 = arith.constant 1 : i32
    %dma_start3A_47 = arith.constant 0 : i32
    %dma_start3A_48 = arith.constant 0 : i32
    %dma_start3A_49 = tpu.memref_slice %arg9[%dma_start3A_46, %dma_start3A_47, %dma_start3A_48] : memref<8x128x16xf32, #tpu.memory_space<vmem>> -> memref<1x128x16xf32, #tpu.memory_space<vmem>>
    %dma_start3A_50 = tpu.memref_squeeze %dma_start3A_49 : memref<1x128x16xf32, #tpu.memory_space<vmem>> -> memref<128x16xf32, #tpu.memory_space<vmem>>
    %dma_start3A_51 = arith.constant 0 : i32
    %dma_start3A_52 = tpu.memref_slice %arg7[%dma_start3A_45, %dma_start3A_51] : memref<80x128xi32, #tpu.memory_space<vmem>> -> memref<1x128xi32, #tpu.memory_space<vmem>>
    %dma_start3A_53 = tpu.memref_squeeze %dma_start3A_52 : memref<1x128xi32, #tpu.memory_space<vmem>> -> memref<128xi32, #tpu.memory_space<vmem>>
    %dma_start3A_54 = arith.constant 0 : i32
    %dma_start3A_55 = arith.constant 0 : i32
    %dma_start3A_56 = tpu.memref_slice %arg11[%dma_start3A_54, %dma_start3A_55] : memref<10240x16xf32, #tpu.memory_space<vmem_shared>> -> memref<10240x16xf32, #tpu.memory_space<vmem_shared>>
    tpu.enqueue_indirect_dma source(%dma_start3A_56 : memref<10240x16xf32, #tpu.memory_space<vmem_shared>>) target(%dma_start3A_50 : memref<128x16xf32, #tpu.memory_space<vmem>>) offsets(%dma_start3A_53 : memref<128xi32, #tpu.memory_space<vmem>>) semaphore(%arg13 : memref<!tpu.dma_semaphore, #tpu.memory_space<semaphore_mem>>)
    %dma_start3A_57 = arith.constant 2 : i32
    %dma_start3A_58 = arith.constant 2 : i32
    %dma_start3A_59 = arith.constant 0 : i32
    %dma_start3A_60 = arith.constant 0 : i32
    %dma_start3A_61 = tpu.memref_slice %arg9[%dma_start3A_58, %dma_start3A_59, %dma_start3A_60] : memref<8x128x16xf32, #tpu.memory_space<vmem>> -> memref<1x128x16xf32, #tpu.memory_space<vmem>>
    %dma_start3A_62 = tpu.memref_squeeze %dma_start3A_61 : memref<1x128x16xf32, #tpu.memory_space<vmem>> -> memref<128x16xf32, #tpu.memory_space<vmem>>
    %dma_start3A_63 = arith.constant 0 : i32
    %dma_start3A_64 = tpu.memref_slice %arg7[%dma_start3A_57, %dma_start3A_63] : memref<80x128xi32, #tpu.memory_space<vmem>> -> memref<1x128xi32, #tpu.memory_space<vmem>>
    %dma_start3A_65 = tpu.memref_squeeze %dma_start3A_64 : memref<1x128xi32, #tpu.memory_space<vmem>> -> memref<128xi32, #tpu.memory_space<vmem>>
    %dma_start3A_66 = arith.constant 0 : i32
    %dma_start3A_67 = arith.constant 0 : i32
    %dma_start3A_68 = tpu.memref_slice %arg11[%dma_start3A_66, %dma_start3A_67] : memref<10240x16xf32, #tpu.memory_space<vmem_shared>> -> memref<10240x16xf32, #tpu.memory_space<vmem_shared>>
    tpu.enqueue_indirect_dma source(%dma_start3A_68 : memref<10240x16xf32, #tpu.memory_space<vmem_shared>>) target(%dma_start3A_62 : memref<128x16xf32, #tpu.memory_space<vmem>>) offsets(%dma_start3A_65 : memref<128xi32, #tpu.memory_space<vmem>>) semaphore(%arg14 : memref<!tpu.dma_semaphore, #tpu.memory_space<semaphore_mem>>)
    %dma_start3A_69 = arith.constant 3 : i32
    %dma_start3A_70 = arith.constant 3 : i32
    %dma_start3A_71 = arith.constant 0 : i32
    %dma_start3A_72 = arith.constant 0 : i32
    %dma_start3A_73 = tpu.memref_slice %arg9[%dma_start3A_70, %dma_start3A_71, %dma_start3A_72] : memref<8x128x16xf32, #tpu.memory_space<vmem>> -> memref<1x128x16xf32, #tpu.memory_space<vmem>>
    %dma_start3A_74 = tpu.memref_squeeze %dma_start3A_73 : memref<1x128x16xf32, #tpu.memory_space<vmem>> -> memref<128x16xf32, #tpu.memory_space<vmem>>
    %dma_start3A_75 = arith.constant 0 : i32
    %dma_start3A_76 = tpu.memref_slice %arg7[%dma_start3A_69, %dma_start3A_75] : memref<80x128xi32, #tpu.memory_space<vmem>> -> memref<1x128xi32, #tpu.memory_space<vmem>>
    %dma_start3A_77 = tpu.memref_squeeze %dma_start3A_76 : memref<1x128xi32, #tpu.memory_space<vmem>> -> memref<128xi32, #tpu.memory_space<vmem>>
    %dma_start3A_78 = arith.constant 0 : i32
    %dma_start3A_79 = arith.constant 0 : i32
    %dma_start3A_80 = tpu.memref_slice %arg11[%dma_start3A_78, %dma_start3A_79] : memref<10240x16xf32, #tpu.memory_space<vmem_shared>> -> memref<10240x16xf32, #tpu.memory_space<vmem_shared>>
    tpu.enqueue_indirect_dma source(%dma_start3A_80 : memref<10240x16xf32, #tpu.memory_space<vmem_shared>>) target(%dma_start3A_74 : memref<128x16xf32, #tpu.memory_space<vmem>>) offsets(%dma_start3A_77 : memref<128xi32, #tpu.memory_space<vmem>>) semaphore(%arg15 : memref<!tpu.dma_semaphore, #tpu.memory_space<semaphore_mem>>)
    %scan3A = arith.constant 0 : i32
    %scan3A_81 = arith.constant 0 : i32
    %scan3A_82 = arith.constant 10 : i32
    %scan3A_83 = arith.addi %scan3A_81, %scan3A_82 : i32
    %scan3A_84 = arith.constant 1 : i32
    scf.for %scan3A_183 = %scan3A_81 to %scan3A_83 step %scan3A_84  : i32 {
      %mul3A_184 = arith.constant 8 : i32
      %mul3A_185 = arith.muli %scan3A_183, %mul3A_184 : i32
      %add3A_186 = arith.constant 0 : i32
      %add3A_187 = arith.addi %mul3A_185, %add3A_186 : i32
      %dma_wait3A_188 = arith.constant 0 : i32
      %dma_wait3A_189 = arith.constant 0 : i32
      %dma_wait3A_190 = arith.constant 0 : i32
      %dma_wait3A_191 = arith.constant 0 : i32
      %dma_wait3A_192 = tpu.memref_slice %arg9[%dma_wait3A_189, %dma_wait3A_190, %dma_wait3A_191] : memref<8x128x16xf32, #tpu.memory_space<vmem>> -> memref<1x128x16xf32, #tpu.memory_space<vmem>>
      %dma_wait3A_193 = tpu.memref_squeeze %dma_wait3A_192 : memref<1x128x16xf32, #tpu.memory_space<vmem>> -> memref<128x16xf32, #tpu.memory_space<vmem>>
      %dma_wait3A_194 = arith.constant 0 : i32
      %dma_wait3A_195 = tpu.memref_slice %arg7[%dma_wait3A_188, %dma_wait3A_194] : memref<80x128xi32, #tpu.memory_space<vmem>> -> memref<1x128xi32, #tpu.memory_space<vmem>>
      %dma_wait3A_196 = tpu.memref_squeeze %dma_wait3A_195 : memref<1x128xi32, #tpu.memory_space<vmem>> -> memref<128xi32, #tpu.memory_space<vmem>>
      %dma_wait3A_197 = arith.constant 0 : i32
      %dma_wait3A_198 = arith.constant 0 : i32
      %dma_wait3A_199 = tpu.memref_slice %arg2[%dma_wait3A_197, %dma_wait3A_198] : memref<10240x16xf32, #tpu.memory_space<hbm>> -> memref<10240x16xf32, #tpu.memory_space<hbm>>
      tpu.wait_indirect_dma semaphore(%arg12 : memref<!tpu.dma_semaphore, #tpu.memory_space<semaphore_mem>>) src(%dma_wait3A_199 : memref<10240x16xf32, #tpu.memory_space<hbm>>) dst(%dma_wait3A_193 : memref<128x16xf32, #tpu.memory_space<vmem>>)
      %dma_start3A_200 = arith.constant 0 : i32
      %dma_start3A_201 = arith.constant 0 : i32
      %dma_start3A_202 = arith.constant 0 : i32
      %dma_start3A_203 = tpu.memref_slice %arg9[%dma_start3A_200, %dma_start3A_201, %dma_start3A_202] : memref<8x128x16xf32, #tpu.memory_space<vmem>> -> memref<1x128x16xf32, #tpu.memory_space<vmem>>
      %dma_start3A_204 = tpu.memref_squeeze %dma_start3A_203 : memref<1x128x16xf32, #tpu.memory_space<vmem>> -> memref<128x16xf32, #tpu.memory_space<vmem>>
      %dma_start3A_205 = arith.constant 0 : i32
      %dma_start3A_206 = tpu.memref_slice %arg8[%add3A_187, %dma_start3A_205] : memref<80x128xi32, #tpu.memory_space<vmem>> -> memref<1x128xi32, #tpu.memory_space<vmem>>
      %dma_start3A_207 = tpu.memref_squeeze %dma_start3A_206 : memref<1x128xi32, #tpu.memory_space<vmem>> -> memref<128xi32, #tpu.memory_space<vmem>>
      %dma_start3A_208 = arith.constant 0 : i32
      %dma_start3A_209 = arith.constant 0 : i32
      %dma_start3A_210 = tpu.memref_slice %arg10[%dma_start3A_208, %dma_start3A_209] : memref<10240x16xf32, #tpu.memory_space<vmem_shared>> -> memref<10240x16xf32, #tpu.memory_space<vmem_shared>>
      tpu.enqueue_indirect_dma source(%dma_start3A_204 : memref<128x16xf32, #tpu.memory_space<vmem>>) target(%dma_start3A_210 : memref<10240x16xf32, #tpu.memory_space<vmem_shared>>) offsets(%dma_start3A_207 : memref<128xi32, #tpu.memory_space<vmem>>) semaphore(%arg20 : memref<!tpu.dma_semaphore, #tpu.memory_space<semaphore_mem>>) {add = true}
      %gt3A = arith.constant 0 : i32
      %gt3A_211 = arith.cmpi sgt, %scan3A_183, %gt3A : i32
      %convert_element_type3A = arith.extui %gt3A_211 : i1 to i32
      %cond3A = arith.constant 0 : i32
      %cond3A_212 = arith.cmpi ne, %convert_element_type3A, %cond3A : i32
      scf.if %cond3A_212 {
        %dma_wait3A_584 = arith.constant 4 : i32
        %dma_wait3A_585 = arith.constant 0 : i32
        %dma_wait3A_586 = arith.constant 0 : i32
        %dma_wait3A_587 = arith.constant 0 : i32
        %dma_wait3A_588 = tpu.memref_slice %arg9[%dma_wait3A_584, %dma_wait3A_586, %dma_wait3A_587] : memref<8x128x16xf32, #tpu.memory_space<vmem>> -> memref<1x128x16xf32, #tpu.memory_space<vmem>>
        %dma_wait3A_589 = tpu.memref_squeeze %dma_wait3A_588 : memref<1x128x16xf32, #tpu.memory_space<vmem>> -> memref<128x16xf32, #tpu.memory_space<vmem>>
        %dma_wait3A_590 = arith.constant 0 : i32
        %dma_wait3A_591 = tpu.memref_slice %arg8[%dma_wait3A_585, %dma_wait3A_590] : memref<80x128xi32, #tpu.memory_space<vmem>> -> memref<1x128xi32, #tpu.memory_space<vmem>>
        %dma_wait3A_592 = tpu.memref_squeeze %dma_wait3A_591 : memref<1x128xi32, #tpu.memory_space<vmem>> -> memref<128xi32, #tpu.memory_space<vmem>>
        %dma_wait3A_593 = arith.constant 0 : i32
        %dma_wait3A_594 = arith.constant 0 : i32
        %dma_wait3A_595 = tpu.memref_slice %arg10[%dma_wait3A_593, %dma_wait3A_594] : memref<10240x16xf32, #tpu.memory_space<vmem_shared>> -> memref<10240x16xf32, #tpu.memory_space<vmem_shared>>
        tpu.wait_indirect_dma semaphore(%arg24 : memref<!tpu.dma_semaphore, #tpu.memory_space<semaphore_mem>>) src(%dma_wait3A_589 : memref<128x16xf32, #tpu.memory_space<vmem>>) dst(%dma_wait3A_595 : memref<10240x16xf32, #tpu.memory_space<vmem_shared>>)
      } else {
      }
      %add3A_213 = arith.constant 4 : i32
      %add3A_214 = arith.addi %add3A_187, %add3A_213 : i32
      %min3A = arith.constant 79 : i32
      %min3A_215 = arith.minsi %add3A_214, %min3A : i32
      %dma_start3A_216 = arith.constant 4 : i32
      %dma_start3A_217 = arith.constant 0 : i32
      %dma_start3A_218 = arith.constant 0 : i32
      %dma_start3A_219 = tpu.memref_slice %arg9[%dma_start3A_216, %dma_start3A_217, %dma_start3A_218] : memref<8x128x16xf32, #tpu.memory_space<vmem>> -> memref<1x128x16xf32, #tpu.memory_space<vmem>>
      %dma_start3A_220 = tpu.memref_squeeze %dma_start3A_219 : memref<1x128x16xf32, #tpu.memory_space<vmem>> -> memref<128x16xf32, #tpu.memory_space<vmem>>
      %dma_start3A_221 = arith.constant 0 : i32
      %dma_start3A_222 = tpu.memref_slice %arg7[%min3A_215, %dma_start3A_221] : memref<80x128xi32, #tpu.memory_space<vmem>> -> memref<1x128xi32, #tpu.memory_space<vmem>>
      %dma_start3A_223 = tpu.memref_squeeze %dma_start3A_222 : memref<1x128xi32, #tpu.memory_space<vmem>> -> memref<128xi32, #tpu.memory_space<vmem>>
      %dma_start3A_224 = arith.constant 0 : i32
      %dma_start3A_225 = arith.constant 0 : i32
      %dma_start3A_226 = tpu.memref_slice %arg11[%dma_start3A_224, %dma_start3A_225] : memref<10240x16xf32, #tpu.memory_space<vmem_shared>> -> memref<10240x16xf32, #tpu.memory_space<vmem_shared>>
      tpu.enqueue_indirect_dma source(%dma_start3A_226 : memref<10240x16xf32, #tpu.memory_space<vmem_shared>>) target(%dma_start3A_220 : memref<128x16xf32, #tpu.memory_space<vmem>>) offsets(%dma_start3A_223 : memref<128xi32, #tpu.memory_space<vmem>>) semaphore(%arg16 : memref<!tpu.dma_semaphore, #tpu.memory_space<semaphore_mem>>)
      %mul3A_227 = arith.constant 8 : i32
      %mul3A_228 = arith.muli %scan3A_183, %mul3A_227 : i32
      %add3A_229 = arith.constant 1 : i32
      %add3A_230 = arith.addi %mul3A_228, %add3A_229 : i32
      %dma_wait3A_231 = arith.constant 0 : i32
      %dma_wait3A_232 = arith.constant 1 : i32
      %dma_wait3A_233 = arith.constant 0 : i32
      %dma_wait3A_234 = arith.constant 0 : i32
      %dma_wait3A_235 = tpu.memref_slice %arg9[%dma_wait3A_232, %dma_wait3A_233, %dma_wait3A_234] : memref<8x128x16xf32, #tpu.memory_space<vmem>> -> memref<1x128x16xf32, #tpu.memory_space<vmem>>
      %dma_wait3A_236 = tpu.memref_squeeze %dma_wait3A_235 : memref<1x128x16xf32, #tpu.memory_space<vmem>> -> memref<128x16xf32, #tpu.memory_space<vmem>>
      %dma_wait3A_237 = arith.constant 0 : i32
      %dma_wait3A_238 = tpu.memref_slice %arg7[%dma_wait3A_231, %dma_wait3A_237] : memref<80x128xi32, #tpu.memory_space<vmem>> -> memref<1x128xi32, #tpu.memory_space<vmem>>
      %dma_wait3A_239 = tpu.memref_squeeze %dma_wait3A_238 : memref<1x128xi32, #tpu.memory_space<vmem>> -> memref<128xi32, #tpu.memory_space<vmem>>
      %dma_wait3A_240 = arith.constant 0 : i32
      %dma_wait3A_241 = arith.constant 0 : i32
      %dma_wait3A_242 = tpu.memref_slice %arg2[%dma_wait3A_240, %dma_wait3A_241] : memref<10240x16xf32, #tpu.memory_space<hbm>> -> memref<10240x16xf32, #tpu.memory_space<hbm>>
      tpu.wait_indirect_dma semaphore(%arg13 : memref<!tpu.dma_semaphore, #tpu.memory_space<semaphore_mem>>) src(%dma_wait3A_242 : memref<10240x16xf32, #tpu.memory_space<hbm>>) dst(%dma_wait3A_236 : memref<128x16xf32, #tpu.memory_space<vmem>>)
      %dma_start3A_243 = arith.constant 1 : i32
      %dma_start3A_244 = arith.constant 0 : i32
      %dma_start3A_245 = arith.constant 0 : i32
      %dma_start3A_246 = tpu.memref_slice %arg9[%dma_start3A_243, %dma_start3A_244, %dma_start3A_245] : memref<8x128x16xf32, #tpu.memory_space<vmem>> -> memref<1x128x16xf32, #tpu.memory_space<vmem>>
      %dma_start3A_247 = tpu.memref_squeeze %dma_start3A_246 : memref<1x128x16xf32, #tpu.memory_space<vmem>> -> memref<128x16xf32, #tpu.memory_space<vmem>>
      %dma_start3A_248 = arith.constant 0 : i32
      %dma_start3A_249 = tpu.memref_slice %arg8[%add3A_230, %dma_start3A_248] : memref<80x128xi32, #tpu.memory_space<vmem>> -> memref<1x128xi32, #tpu.memory_space<vmem>>
      %dma_start3A_250 = tpu.memref_squeeze %dma_start3A_249 : memref<1x128xi32, #tpu.memory_space<vmem>> -> memref<128xi32, #tpu.memory_space<vmem>>
      %dma_start3A_251 = arith.constant 0 : i32
      %dma_start3A_252 = arith.constant 0 : i32
      %dma_start3A_253 = tpu.memref_slice %arg10[%dma_start3A_251, %dma_start3A_252] : memref<10240x16xf32, #tpu.memory_space<vmem_shared>> -> memref<10240x16xf32, #tpu.memory_space<vmem_shared>>
      tpu.enqueue_indirect_dma source(%dma_start3A_247 : memref<128x16xf32, #tpu.memory_space<vmem>>) target(%dma_start3A_253 : memref<10240x16xf32, #tpu.memory_space<vmem_shared>>) offsets(%dma_start3A_250 : memref<128xi32, #tpu.memory_space<vmem>>) semaphore(%arg21 : memref<!tpu.dma_semaphore, #tpu.memory_space<semaphore_mem>>) {add = true}
      %gt3A_254 = arith.constant 0 : i32
      %gt3A_255 = arith.cmpi sgt, %scan3A_183, %gt3A_254 : i32
      %convert_element_type3A_256 = arith.extui %gt3A_255 : i1 to i32
      %cond3A_257 = arith.constant 0 : i32
      %cond3A_258 = arith.cmpi ne, %convert_element_type3A_256, %cond3A_257 : i32
      scf.if %cond3A_258 {
        %dma_wait3A_584 = arith.constant 5 : i32
        %dma_wait3A_585 = arith.constant 0 : i32
        %dma_wait3A_586 = arith.constant 0 : i32
        %dma_wait3A_587 = arith.constant 0 : i32
        %dma_wait3A_588 = tpu.memref_slice %arg9[%dma_wait3A_584, %dma_wait3A_586, %dma_wait3A_587] : memref<8x128x16xf32, #tpu.memory_space<vmem>> -> memref<1x128x16xf32, #tpu.memory_space<vmem>>
        %dma_wait3A_589 = tpu.memref_squeeze %dma_wait3A_588 : memref<1x128x16xf32, #tpu.memory_space<vmem>> -> memref<128x16xf32, #tpu.memory_space<vmem>>
        %dma_wait3A_590 = arith.constant 0 : i32
        %dma_wait3A_591 = tpu.memref_slice %arg8[%dma_wait3A_585, %dma_wait3A_590] : memref<80x128xi32, #tpu.memory_space<vmem>> -> memref<1x128xi32, #tpu.memory_space<vmem>>
        %dma_wait3A_592 = tpu.memref_squeeze %dma_wait3A_591 : memref<1x128xi32, #tpu.memory_space<vmem>> -> memref<128xi32, #tpu.memory_space<vmem>>
        %dma_wait3A_593 = arith.constant 0 : i32
        %dma_wait3A_594 = arith.constant 0 : i32
        %dma_wait3A_595 = tpu.memref_slice %arg10[%dma_wait3A_593, %dma_wait3A_594] : memref<10240x16xf32, #tpu.memory_space<vmem_shared>> -> memref<10240x16xf32, #tpu.memory_space<vmem_shared>>
        tpu.wait_indirect_dma semaphore(%arg25 : memref<!tpu.dma_semaphore, #tpu.memory_space<semaphore_mem>>) src(%dma_wait3A_589 : memref<128x16xf32, #tpu.memory_space<vmem>>) dst(%dma_wait3A_595 : memref<10240x16xf32, #tpu.memory_space<vmem_shared>>)
      } else {
      }
      %add3A_259 = arith.constant 4 : i32
      %add3A_260 = arith.addi %add3A_230, %add3A_259 : i32
      %min3A_261 = arith.constant 79 : i32
      %min3A_262 = arith.minsi %add3A_260, %min3A_261 : i32
      %dma_start3A_263 = arith.constant 5 : i32
      %dma_start3A_264 = arith.constant 0 : i32
      %dma_start3A_265 = arith.constant 0 : i32
      %dma_start3A_266 = tpu.memref_slice %arg9[%dma_start3A_263, %dma_start3A_264, %dma_start3A_265] : memref<8x128x16xf32, #tpu.memory_space<vmem>> -> memref<1x128x16xf32, #tpu.memory_space<vmem>>
      %dma_start3A_267 = tpu.memref_squeeze %dma_start3A_266 : memref<1x128x16xf32, #tpu.memory_space<vmem>> -> memref<128x16xf32, #tpu.memory_space<vmem>>
      %dma_start3A_268 = arith.constant 0 : i32
      %dma_start3A_269 = tpu.memref_slice %arg7[%min3A_262, %dma_start3A_268] : memref<80x128xi32, #tpu.memory_space<vmem>> -> memref<1x128xi32, #tpu.memory_space<vmem>>
      %dma_start3A_270 = tpu.memref_squeeze %dma_start3A_269 : memref<1x128xi32, #tpu.memory_space<vmem>> -> memref<128xi32, #tpu.memory_space<vmem>>
      %dma_start3A_271 = arith.constant 0 : i32
      %dma_start3A_272 = arith.constant 0 : i32
      %dma_start3A_273 = tpu.memref_slice %arg11[%dma_start3A_271, %dma_start3A_272] : memref<10240x16xf32, #tpu.memory_space<vmem_shared>> -> memref<10240x16xf32, #tpu.memory_space<vmem_shared>>
      tpu.enqueue_indirect_dma source(%dma_start3A_273 : memref<10240x16xf32, #tpu.memory_space<vmem_shared>>) target(%dma_start3A_267 : memref<128x16xf32, #tpu.memory_space<vmem>>) offsets(%dma_start3A_270 : memref<128xi32, #tpu.memory_space<vmem>>) semaphore(%arg17 : memref<!tpu.dma_semaphore, #tpu.memory_space<semaphore_mem>>)
      %mul3A_274 = arith.constant 8 : i32
      %mul3A_275 = arith.muli %scan3A_183, %mul3A_274 : i32
      %add3A_276 = arith.constant 2 : i32
      %add3A_277 = arith.addi %mul3A_275, %add3A_276 : i32
      %dma_wait3A_278 = arith.constant 0 : i32
      %dma_wait3A_279 = arith.constant 2 : i32
      %dma_wait3A_280 = arith.constant 0 : i32
      %dma_wait3A_281 = arith.constant 0 : i32
      %dma_wait3A_282 = tpu.memref_slice %arg9[%dma_wait3A_279, %dma_wait3A_280, %dma_wait3A_281] : memref<8x128x16xf32, #tpu.memory_space<vmem>> -> memref<1x128x16xf32, #tpu.memory_space<vmem>>
      %dma_wait3A_283 = tpu.memref_squeeze %dma_wait3A_282 : memref<1x128x16xf32, #tpu.memory_space<vmem>> -> memref<128x16xf32, #tpu.memory_space<vmem>>
      %dma_wait3A_284 = arith.constant 0 : i32
      %dma_wait3A_285 = tpu.memref_slice %arg7[%dma_wait3A_278, %dma_wait3A_284] : memref<80x128xi32, #tpu.memory_space<vmem>> -> memref<1x128xi32, #tpu.memory_space<vmem>>
      %dma_wait3A_286 = tpu.memref_squeeze %dma_wait3A_285 : memref<1x128xi32, #tpu.memory_space<vmem>> -> memref<128xi32, #tpu.memory_space<vmem>>
      %dma_wait3A_287 = arith.constant 0 : i32
      %dma_wait3A_288 = arith.constant 0 : i32
      %dma_wait3A_289 = tpu.memref_slice %arg2[%dma_wait3A_287, %dma_wait3A_288] : memref<10240x16xf32, #tpu.memory_space<hbm>> -> memref<10240x16xf32, #tpu.memory_space<hbm>>
      tpu.wait_indirect_dma semaphore(%arg14 : memref<!tpu.dma_semaphore, #tpu.memory_space<semaphore_mem>>) src(%dma_wait3A_289 : memref<10240x16xf32, #tpu.memory_space<hbm>>) dst(%dma_wait3A_283 : memref<128x16xf32, #tpu.memory_space<vmem>>)
      %dma_start3A_290 = arith.constant 2 : i32
      %dma_start3A_291 = arith.constant 0 : i32
      %dma_start3A_292 = arith.constant 0 : i32
      %dma_start3A_293 = tpu.memref_slice %arg9[%dma_start3A_290, %dma_start3A_291, %dma_start3A_292] : memref<8x128x16xf32, #tpu.memory_space<vmem>> -> memref<1x128x16xf32, #tpu.memory_space<vmem>>
      %dma_start3A_294 = tpu.memref_squeeze %dma_start3A_293 : memref<1x128x16xf32, #tpu.memory_space<vmem>> -> memref<128x16xf32, #tpu.memory_space<vmem>>
      %dma_start3A_295 = arith.constant 0 : i32
      %dma_start3A_296 = tpu.memref_slice %arg8[%add3A_277, %dma_start3A_295] : memref<80x128xi32, #tpu.memory_space<vmem>> -> memref<1x128xi32, #tpu.memory_space<vmem>>
      %dma_start3A_297 = tpu.memref_squeeze %dma_start3A_296 : memref<1x128xi32, #tpu.memory_space<vmem>> -> memref<128xi32, #tpu.memory_space<vmem>>
      %dma_start3A_298 = arith.constant 0 : i32
      %dma_start3A_299 = arith.constant 0 : i32
      %dma_start3A_300 = tpu.memref_slice %arg10[%dma_start3A_298, %dma_start3A_299] : memref<10240x16xf32, #tpu.memory_space<vmem_shared>> -> memref<10240x16xf32, #tpu.memory_space<vmem_shared>>
      tpu.enqueue_indirect_dma source(%dma_start3A_294 : memref<128x16xf32, #tpu.memory_space<vmem>>) target(%dma_start3A_300 : memref<10240x16xf32, #tpu.memory_space<vmem_shared>>) offsets(%dma_start3A_297 : memref<128xi32, #tpu.memory_space<vmem>>) semaphore(%arg22 : memref<!tpu.dma_semaphore, #tpu.memory_space<semaphore_mem>>) {add = true}
      %gt3A_301 = arith.constant 0 : i32
      %gt3A_302 = arith.cmpi sgt, %scan3A_183, %gt3A_301 : i32
      %convert_element_type3A_303 = arith.extui %gt3A_302 : i1 to i32
      %cond3A_304 = arith.constant 0 : i32
      %cond3A_305 = arith.cmpi ne, %convert_element_type3A_303, %cond3A_304 : i32
      scf.if %cond3A_305 {
        %dma_wait3A_584 = arith.constant 6 : i32
        %dma_wait3A_585 = arith.constant 0 : i32
        %dma_wait3A_586 = arith.constant 0 : i32
        %dma_wait3A_587 = arith.constant 0 : i32
        %dma_wait3A_588 = tpu.memref_slice %arg9[%dma_wait3A_584, %dma_wait3A_586, %dma_wait3A_587] : memref<8x128x16xf32, #tpu.memory_space<vmem>> -> memref<1x128x16xf32, #tpu.memory_space<vmem>>
        %dma_wait3A_589 = tpu.memref_squeeze %dma_wait3A_588 : memref<1x128x16xf32, #tpu.memory_space<vmem>> -> memref<128x16xf32, #tpu.memory_space<vmem>>
        %dma_wait3A_590 = arith.constant 0 : i32
        %dma_wait3A_591 = tpu.memref_slice %arg8[%dma_wait3A_585, %dma_wait3A_590] : memref<80x128xi32, #tpu.memory_space<vmem>> -> memref<1x128xi32, #tpu.memory_space<vmem>>
        %dma_wait3A_592 = tpu.memref_squeeze %dma_wait3A_591 : memref<1x128xi32, #tpu.memory_space<vmem>> -> memref<128xi32, #tpu.memory_space<vmem>>
        %dma_wait3A_593 = arith.constant 0 : i32
        %dma_wait3A_594 = arith.constant 0 : i32
        %dma_wait3A_595 = tpu.memref_slice %arg10[%dma_wait3A_593, %dma_wait3A_594] : memref<10240x16xf32, #tpu.memory_space<vmem_shared>> -> memref<10240x16xf32, #tpu.memory_space<vmem_shared>>
        tpu.wait_indirect_dma semaphore(%arg26 : memref<!tpu.dma_semaphore, #tpu.memory_space<semaphore_mem>>) src(%dma_wait3A_589 : memref<128x16xf32, #tpu.memory_space<vmem>>) dst(%dma_wait3A_595 : memref<10240x16xf32, #tpu.memory_space<vmem_shared>>)
      } else {
      }
      %add3A_306 = arith.constant 4 : i32
      %add3A_307 = arith.addi %add3A_277, %add3A_306 : i32
      %min3A_308 = arith.constant 79 : i32
      %min3A_309 = arith.minsi %add3A_307, %min3A_308 : i32
      %dma_start3A_310 = arith.constant 6 : i32
      %dma_start3A_311 = arith.constant 0 : i32
      %dma_start3A_312 = arith.constant 0 : i32
      %dma_start3A_313 = tpu.memref_slice %arg9[%dma_start3A_310, %dma_start3A_311, %dma_start3A_312] : memref<8x128x16xf32, #tpu.memory_space<vmem>> -> memref<1x128x16xf32, #tpu.memory_space<vmem>>
      %dma_start3A_314 = tpu.memref_squeeze %dma_start3A_313 : memref<1x128x16xf32, #tpu.memory_space<vmem>> -> memref<128x16xf32, #tpu.memory_space<vmem>>
      %dma_start3A_315 = arith.constant 0 : i32
      %dma_start3A_316 = tpu.memref_slice %arg7[%min3A_309, %dma_start3A_315] : memref<80x128xi32, #tpu.memory_space<vmem>> -> memref<1x128xi32, #tpu.memory_space<vmem>>
      %dma_start3A_317 = tpu.memref_squeeze %dma_start3A_316 : memref<1x128xi32, #tpu.memory_space<vmem>> -> memref<128xi32, #tpu.memory_space<vmem>>
      %dma_start3A_318 = arith.constant 0 : i32
      %dma_start3A_319 = arith.constant 0 : i32
      %dma_start3A_320 = tpu.memref_slice %arg11[%dma_start3A_318, %dma_start3A_319] : memref<10240x16xf32, #tpu.memory_space<vmem_shared>> -> memref<10240x16xf32, #tpu.memory_space<vmem_shared>>
      tpu.enqueue_indirect_dma source(%dma_start3A_320 : memref<10240x16xf32, #tpu.memory_space<vmem_shared>>) target(%dma_start3A_314 : memref<128x16xf32, #tpu.memory_space<vmem>>) offsets(%dma_start3A_317 : memref<128xi32, #tpu.memory_space<vmem>>) semaphore(%arg18 : memref<!tpu.dma_semaphore, #tpu.memory_space<semaphore_mem>>)
      %mul3A_321 = arith.constant 8 : i32
      %mul3A_322 = arith.muli %scan3A_183, %mul3A_321 : i32
      %add3A_323 = arith.constant 3 : i32
      %add3A_324 = arith.addi %mul3A_322, %add3A_323 : i32
      %dma_wait3A_325 = arith.constant 0 : i32
      %dma_wait3A_326 = arith.constant 3 : i32
      %dma_wait3A_327 = arith.constant 0 : i32
      %dma_wait3A_328 = arith.constant 0 : i32
      %dma_wait3A_329 = tpu.memref_slice %arg9[%dma_wait3A_326, %dma_wait3A_327, %dma_wait3A_328] : memref<8x128x16xf32, #tpu.memory_space<vmem>> -> memref<1x128x16xf32, #tpu.memory_space<vmem>>
      %dma_wait3A_330 = tpu.memref_squeeze %dma_wait3A_329 : memref<1x128x16xf32, #tpu.memory_space<vmem>> -> memref<128x16xf32, #tpu.memory_space<vmem>>
      %dma_wait3A_331 = arith.constant 0 : i32
      %dma_wait3A_332 = tpu.memref_slice %arg7[%dma_wait3A_325, %dma_wait3A_331] : memref<80x128xi32, #tpu.memory_space<vmem>> -> memref<1x128xi32, #tpu.memory_space<vmem>>
      %dma_wait3A_333 = tpu.memref_squeeze %dma_wait3A_332 : memref<1x128xi32, #tpu.memory_space<vmem>> -> memref<128xi32, #tpu.memory_space<vmem>>
      %dma_wait3A_334 = arith.constant 0 : i32
      %dma_wait3A_335 = arith.constant 0 : i32
      %dma_wait3A_336 = tpu.memref_slice %arg2[%dma_wait3A_334, %dma_wait3A_335] : memref<10240x16xf32, #tpu.memory_space<hbm>> -> memref<10240x16xf32, #tpu.memory_space<hbm>>
      tpu.wait_indirect_dma semaphore(%arg15 : memref<!tpu.dma_semaphore, #tpu.memory_space<semaphore_mem>>) src(%dma_wait3A_336 : memref<10240x16xf32, #tpu.memory_space<hbm>>) dst(%dma_wait3A_330 : memref<128x16xf32, #tpu.memory_space<vmem>>)
      %dma_start3A_337 = arith.constant 3 : i32
      %dma_start3A_338 = arith.constant 0 : i32
      %dma_start3A_339 = arith.constant 0 : i32
      %dma_start3A_340 = tpu.memref_slice %arg9[%dma_start3A_337, %dma_start3A_338, %dma_start3A_339] : memref<8x128x16xf32, #tpu.memory_space<vmem>> -> memref<1x128x16xf32, #tpu.memory_space<vmem>>
      %dma_start3A_341 = tpu.memref_squeeze %dma_start3A_340 : memref<1x128x16xf32, #tpu.memory_space<vmem>> -> memref<128x16xf32, #tpu.memory_space<vmem>>
      %dma_start3A_342 = arith.constant 0 : i32
      %dma_start3A_343 = tpu.memref_slice %arg8[%add3A_324, %dma_start3A_342] : memref<80x128xi32, #tpu.memory_space<vmem>> -> memref<1x128xi32, #tpu.memory_space<vmem>>
      %dma_start3A_344 = tpu.memref_squeeze %dma_start3A_343 : memref<1x128xi32, #tpu.memory_space<vmem>> -> memref<128xi32, #tpu.memory_space<vmem>>
      %dma_start3A_345 = arith.constant 0 : i32
      %dma_start3A_346 = arith.constant 0 : i32
      %dma_start3A_347 = tpu.memref_slice %arg10[%dma_start3A_345, %dma_start3A_346] : memref<10240x16xf32, #tpu.memory_space<vmem_shared>> -> memref<10240x16xf32, #tpu.memory_space<vmem_shared>>
      tpu.enqueue_indirect_dma source(%dma_start3A_341 : memref<128x16xf32, #tpu.memory_space<vmem>>) target(%dma_start3A_347 : memref<10240x16xf32, #tpu.memory_space<vmem_shared>>) offsets(%dma_start3A_344 : memref<128xi32, #tpu.memory_space<vmem>>) semaphore(%arg23 : memref<!tpu.dma_semaphore, #tpu.memory_space<semaphore_mem>>) {add = true}
      %gt3A_348 = arith.constant 0 : i32
      %gt3A_349 = arith.cmpi sgt, %scan3A_183, %gt3A_348 : i32
      %convert_element_type3A_350 = arith.extui %gt3A_349 : i1 to i32
      %cond3A_351 = arith.constant 0 : i32
      %cond3A_352 = arith.cmpi ne, %convert_element_type3A_350, %cond3A_351 : i32
      scf.if %cond3A_352 {
        %dma_wait3A_584 = arith.constant 7 : i32
        %dma_wait3A_585 = arith.constant 0 : i32
        %dma_wait3A_586 = arith.constant 0 : i32
        %dma_wait3A_587 = arith.constant 0 : i32
        %dma_wait3A_588 = tpu.memref_slice %arg9[%dma_wait3A_584, %dma_wait3A_586, %dma_wait3A_587] : memref<8x128x16xf32, #tpu.memory_space<vmem>> -> memref<1x128x16xf32, #tpu.memory_space<vmem>>
        %dma_wait3A_589 = tpu.memref_squeeze %dma_wait3A_588 : memref<1x128x16xf32, #tpu.memory_space<vmem>> -> memref<128x16xf32, #tpu.memory_space<vmem>>
        %dma_wait3A_590 = arith.constant 0 : i32
        %dma_wait3A_591 = tpu.memref_slice %arg8[%dma_wait3A_585, %dma_wait3A_590] : memref<80x128xi32, #tpu.memory_space<vmem>> -> memref<1x128xi32, #tpu.memory_space<vmem>>
        %dma_wait3A_592 = tpu.memref_squeeze %dma_wait3A_591 : memref<1x128xi32, #tpu.memory_space<vmem>> -> memref<128xi32, #tpu.memory_space<vmem>>
        %dma_wait3A_593 = arith.constant 0 : i32
        %dma_wait3A_594 = arith.constant 0 : i32
        %dma_wait3A_595 = tpu.memref_slice %arg10[%dma_wait3A_593, %dma_wait3A_594] : memref<10240x16xf32, #tpu.memory_space<vmem_shared>> -> memref<10240x16xf32, #tpu.memory_space<vmem_shared>>
        tpu.wait_indirect_dma semaphore(%arg27 : memref<!tpu.dma_semaphore, #tpu.memory_space<semaphore_mem>>) src(%dma_wait3A_589 : memref<128x16xf32, #tpu.memory_space<vmem>>) dst(%dma_wait3A_595 : memref<10240x16xf32, #tpu.memory_space<vmem_shared>>)
      } else {
      }
      %add3A_353 = arith.constant 4 : i32
      %add3A_354 = arith.addi %add3A_324, %add3A_353 : i32
      %min3A_355 = arith.constant 79 : i32
      %min3A_356 = arith.minsi %add3A_354, %min3A_355 : i32
      %dma_start3A_357 = arith.constant 7 : i32
      %dma_start3A_358 = arith.constant 0 : i32
      %dma_start3A_359 = arith.constant 0 : i32
      %dma_start3A_360 = tpu.memref_slice %arg9[%dma_start3A_357, %dma_start3A_358, %dma_start3A_359] : memref<8x128x16xf32, #tpu.memory_space<vmem>> -> memref<1x128x16xf32, #tpu.memory_space<vmem>>
      %dma_start3A_361 = tpu.memref_squeeze %dma_start3A_360 : memref<1x128x16xf32, #tpu.memory_space<vmem>> -> memref<128x16xf32, #tpu.memory_space<vmem>>
      %dma_start3A_362 = arith.constant 0 : i32
      %dma_start3A_363 = tpu.memref_slice %arg7[%min3A_356, %dma_start3A_362] : memref<80x128xi32, #tpu.memory_space<vmem>> -> memref<1x128xi32, #tpu.memory_space<vmem>>
      %dma_start3A_364 = tpu.memref_squeeze %dma_start3A_363 : memref<1x128xi32, #tpu.memory_space<vmem>> -> memref<128xi32, #tpu.memory_space<vmem>>
      %dma_start3A_365 = arith.constant 0 : i32
      %dma_start3A_366 = arith.constant 0 : i32
      %dma_start3A_367 = tpu.memref_slice %arg11[%dma_start3A_365, %dma_start3A_366] : memref<10240x16xf32, #tpu.memory_space<vmem_shared>> -> memref<10240x16xf32, #tpu.memory_space<vmem_shared>>
      tpu.enqueue_indirect_dma source(%dma_start3A_367 : memref<10240x16xf32, #tpu.memory_space<vmem_shared>>) target(%dma_start3A_361 : memref<128x16xf32, #tpu.memory_space<vmem>>) offsets(%dma_start3A_364 : memref<128xi32, #tpu.memory_space<vmem>>) semaphore(%arg19 : memref<!tpu.dma_semaphore, #tpu.memory_space<semaphore_mem>>)
      %mul3A_368 = arith.constant 8 : i32
      %mul3A_369 = arith.muli %scan3A_183, %mul3A_368 : i32
      %add3A_370 = arith.constant 4 : i32
      %add3A_371 = arith.addi %mul3A_369, %add3A_370 : i32
      %dma_wait3A_372 = arith.constant 0 : i32
      %dma_wait3A_373 = arith.constant 4 : i32
      %dma_wait3A_374 = arith.constant 0 : i32
      %dma_wait3A_375 = arith.constant 0 : i32
      %dma_wait3A_376 = tpu.memref_slice %arg9[%dma_wait3A_373, %dma_wait3A_374, %dma_wait3A_375] : memref<8x128x16xf32, #tpu.memory_space<vmem>> -> memref<1x128x16xf32, #tpu.memory_space<vmem>>
      %dma_wait3A_377 = tpu.memref_squeeze %dma_wait3A_376 : memref<1x128x16xf32, #tpu.memory_space<vmem>> -> memref<128x16xf32, #tpu.memory_space<vmem>>
      %dma_wait3A_378 = arith.constant 0 : i32
      %dma_wait3A_379 = tpu.memref_slice %arg7[%dma_wait3A_372, %dma_wait3A_378] : memref<80x128xi32, #tpu.memory_space<vmem>> -> memref<1x128xi32, #tpu.memory_space<vmem>>
      %dma_wait3A_380 = tpu.memref_squeeze %dma_wait3A_379 : memref<1x128xi32, #tpu.memory_space<vmem>> -> memref<128xi32, #tpu.memory_space<vmem>>
      %dma_wait3A_381 = arith.constant 0 : i32
      %dma_wait3A_382 = arith.constant 0 : i32
      %dma_wait3A_383 = tpu.memref_slice %arg2[%dma_wait3A_381, %dma_wait3A_382] : memref<10240x16xf32, #tpu.memory_space<hbm>> -> memref<10240x16xf32, #tpu.memory_space<hbm>>
      tpu.wait_indirect_dma semaphore(%arg16 : memref<!tpu.dma_semaphore, #tpu.memory_space<semaphore_mem>>) src(%dma_wait3A_383 : memref<10240x16xf32, #tpu.memory_space<hbm>>) dst(%dma_wait3A_377 : memref<128x16xf32, #tpu.memory_space<vmem>>)
      %dma_start3A_384 = arith.constant 4 : i32
      %dma_start3A_385 = arith.constant 0 : i32
      %dma_start3A_386 = arith.constant 0 : i32
      %dma_start3A_387 = tpu.memref_slice %arg9[%dma_start3A_384, %dma_start3A_385, %dma_start3A_386] : memref<8x128x16xf32, #tpu.memory_space<vmem>> -> memref<1x128x16xf32, #tpu.memory_space<vmem>>
      %dma_start3A_388 = tpu.memref_squeeze %dma_start3A_387 : memref<1x128x16xf32, #tpu.memory_space<vmem>> -> memref<128x16xf32, #tpu.memory_space<vmem>>
      %dma_start3A_389 = arith.constant 0 : i32
      %dma_start3A_390 = tpu.memref_slice %arg8[%add3A_371, %dma_start3A_389] : memref<80x128xi32, #tpu.memory_space<vmem>> -> memref<1x128xi32, #tpu.memory_space<vmem>>
      %dma_start3A_391 = tpu.memref_squeeze %dma_start3A_390 : memref<1x128xi32, #tpu.memory_space<vmem>> -> memref<128xi32, #tpu.memory_space<vmem>>
      %dma_start3A_392 = arith.constant 0 : i32
      %dma_start3A_393 = arith.constant 0 : i32
      %dma_start3A_394 = tpu.memref_slice %arg10[%dma_start3A_392, %dma_start3A_393] : memref<10240x16xf32, #tpu.memory_space<vmem_shared>> -> memref<10240x16xf32, #tpu.memory_space<vmem_shared>>
      tpu.enqueue_indirect_dma source(%dma_start3A_388 : memref<128x16xf32, #tpu.memory_space<vmem>>) target(%dma_start3A_394 : memref<10240x16xf32, #tpu.memory_space<vmem_shared>>) offsets(%dma_start3A_391 : memref<128xi32, #tpu.memory_space<vmem>>) semaphore(%arg24 : memref<!tpu.dma_semaphore, #tpu.memory_space<semaphore_mem>>) {add = true}
      %dma_wait3A_395 = arith.constant 0 : i32
      %dma_wait3A_396 = arith.constant 0 : i32
      %dma_wait3A_397 = arith.constant 0 : i32
      %dma_wait3A_398 = arith.constant 0 : i32
      %dma_wait3A_399 = tpu.memref_slice %arg9[%dma_wait3A_395, %dma_wait3A_397, %dma_wait3A_398] : memref<8x128x16xf32, #tpu.memory_space<vmem>> -> memref<1x128x16xf32, #tpu.memory_space<vmem>>
      %dma_wait3A_400 = tpu.memref_squeeze %dma_wait3A_399 : memref<1x128x16xf32, #tpu.memory_space<vmem>> -> memref<128x16xf32, #tpu.memory_space<vmem>>
      %dma_wait3A_401 = arith.constant 0 : i32
      %dma_wait3A_402 = tpu.memref_slice %arg8[%dma_wait3A_396, %dma_wait3A_401] : memref<80x128xi32, #tpu.memory_space<vmem>> -> memref<1x128xi32, #tpu.memory_space<vmem>>
      %dma_wait3A_403 = tpu.memref_squeeze %dma_wait3A_402 : memref<1x128xi32, #tpu.memory_space<vmem>> -> memref<128xi32, #tpu.memory_space<vmem>>
      %dma_wait3A_404 = arith.constant 0 : i32
      %dma_wait3A_405 = arith.constant 0 : i32
      %dma_wait3A_406 = tpu.memref_slice %arg10[%dma_wait3A_404, %dma_wait3A_405] : memref<10240x16xf32, #tpu.memory_space<vmem_shared>> -> memref<10240x16xf32, #tpu.memory_space<vmem_shared>>
      tpu.wait_indirect_dma semaphore(%arg20 : memref<!tpu.dma_semaphore, #tpu.memory_space<semaphore_mem>>) src(%dma_wait3A_400 : memref<128x16xf32, #tpu.memory_space<vmem>>) dst(%dma_wait3A_406 : memref<10240x16xf32, #tpu.memory_space<vmem_shared>>)
      %add3A_407 = arith.constant 4 : i32
      %add3A_408 = arith.addi %add3A_371, %add3A_407 : i32
      %min3A_409 = arith.constant 79 : i32
      %min3A_410 = arith.minsi %add3A_408, %min3A_409 : i32
      %dma_start3A_411 = arith.constant 0 : i32
      %dma_start3A_412 = arith.constant 0 : i32
      %dma_start3A_413 = arith.constant 0 : i32
      %dma_start3A_414 = tpu.memref_slice %arg9[%dma_start3A_411, %dma_start3A_412, %dma_start3A_413] : memref<8x128x16xf32, #tpu.memory_space<vmem>> -> memref<1x128x16xf32, #tpu.memory_space<vmem>>
      %dma_start3A_415 = tpu.memref_squeeze %dma_start3A_414 : memref<1x128x16xf32, #tpu.memory_space<vmem>> -> memref<128x16xf32, #tpu.memory_space<vmem>>
      %dma_start3A_416 = arith.constant 0 : i32
      %dma_start3A_417 = tpu.memref_slice %arg7[%min3A_410, %dma_start3A_416] : memref<80x128xi32, #tpu.memory_space<vmem>> -> memref<1x128xi32, #tpu.memory_space<vmem>>
      %dma_start3A_418 = tpu.memref_squeeze %dma_start3A_417 : memref<1x128xi32, #tpu.memory_space<vmem>> -> memref<128xi32, #tpu.memory_space<vmem>>
      %dma_start3A_419 = arith.constant 0 : i32
      %dma_start3A_420 = arith.constant 0 : i32
      %dma_start3A_421 = tpu.memref_slice %arg11[%dma_start3A_419, %dma_start3A_420] : memref<10240x16xf32, #tpu.memory_space<vmem_shared>> -> memref<10240x16xf32, #tpu.memory_space<vmem_shared>>
      tpu.enqueue_indirect_dma source(%dma_start3A_421 : memref<10240x16xf32, #tpu.memory_space<vmem_shared>>) target(%dma_start3A_415 : memref<128x16xf32, #tpu.memory_space<vmem>>) offsets(%dma_start3A_418 : memref<128xi32, #tpu.memory_space<vmem>>) semaphore(%arg12 : memref<!tpu.dma_semaphore, #tpu.memory_space<semaphore_mem>>)
      %mul3A_422 = arith.constant 8 : i32
      %mul3A_423 = arith.muli %scan3A_183, %mul3A_422 : i32
      %add3A_424 = arith.constant 5 : i32
      %add3A_425 = arith.addi %mul3A_423, %add3A_424 : i32
      %dma_wait3A_426 = arith.constant 0 : i32
      %dma_wait3A_427 = arith.constant 5 : i32
      %dma_wait3A_428 = arith.constant 0 : i32
      %dma_wait3A_429 = arith.constant 0 : i32
      %dma_wait3A_430 = tpu.memref_slice %arg9[%dma_wait3A_427, %dma_wait3A_428, %dma_wait3A_429] : memref<8x128x16xf32, #tpu.memory_space<vmem>> -> memref<1x128x16xf32, #tpu.memory_space<vmem>>
      %dma_wait3A_431 = tpu.memref_squeeze %dma_wait3A_430 : memref<1x128x16xf32, #tpu.memory_space<vmem>> -> memref<128x16xf32, #tpu.memory_space<vmem>>
      %dma_wait3A_432 = arith.constant 0 : i32
      %dma_wait3A_433 = tpu.memref_slice %arg7[%dma_wait3A_426, %dma_wait3A_432] : memref<80x128xi32, #tpu.memory_space<vmem>> -> memref<1x128xi32, #tpu.memory_space<vmem>>
      %dma_wait3A_434 = tpu.memref_squeeze %dma_wait3A_433 : memref<1x128xi32, #tpu.memory_space<vmem>> -> memref<128xi32, #tpu.memory_space<vmem>>
      %dma_wait3A_435 = arith.constant 0 : i32
      %dma_wait3A_436 = arith.constant 0 : i32
      %dma_wait3A_437 = tpu.memref_slice %arg2[%dma_wait3A_435, %dma_wait3A_436] : memref<10240x16xf32, #tpu.memory_space<hbm>> -> memref<10240x16xf32, #tpu.memory_space<hbm>>
      tpu.wait_indirect_dma semaphore(%arg17 : memref<!tpu.dma_semaphore, #tpu.memory_space<semaphore_mem>>) src(%dma_wait3A_437 : memref<10240x16xf32, #tpu.memory_space<hbm>>) dst(%dma_wait3A_431 : memref<128x16xf32, #tpu.memory_space<vmem>>)
      %dma_start3A_438 = arith.constant 5 : i32
      %dma_start3A_439 = arith.constant 0 : i32
      %dma_start3A_440 = arith.constant 0 : i32
      %dma_start3A_441 = tpu.memref_slice %arg9[%dma_start3A_438, %dma_start3A_439, %dma_start3A_440] : memref<8x128x16xf32, #tpu.memory_space<vmem>> -> memref<1x128x16xf32, #tpu.memory_space<vmem>>
      %dma_start3A_442 = tpu.memref_squeeze %dma_start3A_441 : memref<1x128x16xf32, #tpu.memory_space<vmem>> -> memref<128x16xf32, #tpu.memory_space<vmem>>
      %dma_start3A_443 = arith.constant 0 : i32
      %dma_start3A_444 = tpu.memref_slice %arg8[%add3A_425, %dma_start3A_443] : memref<80x128xi32, #tpu.memory_space<vmem>> -> memref<1x128xi32, #tpu.memory_space<vmem>>
      %dma_start3A_445 = tpu.memref_squeeze %dma_start3A_444 : memref<1x128xi32, #tpu.memory_space<vmem>> -> memref<128xi32, #tpu.memory_space<vmem>>
      %dma_start3A_446 = arith.constant 0 : i32
      %dma_start3A_447 = arith.constant 0 : i32
      %dma_start3A_448 = tpu.memref_slice %arg10[%dma_start3A_446, %dma_start3A_447] : memref<10240x16xf32, #tpu.memory_space<vmem_shared>> -> memref<10240x16xf32, #tpu.memory_space<vmem_shared>>
      tpu.enqueue_indirect_dma source(%dma_start3A_442 : memref<128x16xf32, #tpu.memory_space<vmem>>) target(%dma_start3A_448 : memref<10240x16xf32, #tpu.memory_space<vmem_shared>>) offsets(%dma_start3A_445 : memref<128xi32, #tpu.memory_space<vmem>>) semaphore(%arg25 : memref<!tpu.dma_semaphore, #tpu.memory_space<semaphore_mem>>) {add = true}
      %dma_wait3A_449 = arith.constant 1 : i32
      %dma_wait3A_450 = arith.constant 0 : i32
      %dma_wait3A_451 = arith.constant 0 : i32
      %dma_wait3A_452 = arith.constant 0 : i32
      %dma_wait3A_453 = tpu.memref_slice %arg9[%dma_wait3A_449, %dma_wait3A_451, %dma_wait3A_452] : memref<8x128x16xf32, #tpu.memory_space<vmem>> -> memref<1x128x16xf32, #tpu.memory_space<vmem>>
      %dma_wait3A_454 = tpu.memref_squeeze %dma_wait3A_453 : memref<1x128x16xf32, #tpu.memory_space<vmem>> -> memref<128x16xf32, #tpu.memory_space<vmem>>
      %dma_wait3A_455 = arith.constant 0 : i32
      %dma_wait3A_456 = tpu.memref_slice %arg8[%dma_wait3A_450, %dma_wait3A_455] : memref<80x128xi32, #tpu.memory_space<vmem>> -> memref<1x128xi32, #tpu.memory_space<vmem>>
      %dma_wait3A_457 = tpu.memref_squeeze %dma_wait3A_456 : memref<1x128xi32, #tpu.memory_space<vmem>> -> memref<128xi32, #tpu.memory_space<vmem>>
      %dma_wait3A_458 = arith.constant 0 : i32
      %dma_wait3A_459 = arith.constant 0 : i32
      %dma_wait3A_460 = tpu.memref_slice %arg10[%dma_wait3A_458, %dma_wait3A_459] : memref<10240x16xf32, #tpu.memory_space<vmem_shared>> -> memref<10240x16xf32, #tpu.memory_space<vmem_shared>>
      tpu.wait_indirect_dma semaphore(%arg21 : memref<!tpu.dma_semaphore, #tpu.memory_space<semaphore_mem>>) src(%dma_wait3A_454 : memref<128x16xf32, #tpu.memory_space<vmem>>) dst(%dma_wait3A_460 : memref<10240x16xf32, #tpu.memory_space<vmem_shared>>)
      %add3A_461 = arith.constant 4 : i32
      %add3A_462 = arith.addi %add3A_425, %add3A_461 : i32
      %min3A_463 = arith.constant 79 : i32
      %min3A_464 = arith.minsi %add3A_462, %min3A_463 : i32
      %dma_start3A_465 = arith.constant 1 : i32
      %dma_start3A_466 = arith.constant 0 : i32
      %dma_start3A_467 = arith.constant 0 : i32
      %dma_start3A_468 = tpu.memref_slice %arg9[%dma_start3A_465, %dma_start3A_466, %dma_start3A_467] : memref<8x128x16xf32, #tpu.memory_space<vmem>> -> memref<1x128x16xf32, #tpu.memory_space<vmem>>
      %dma_start3A_469 = tpu.memref_squeeze %dma_start3A_468 : memref<1x128x16xf32, #tpu.memory_space<vmem>> -> memref<128x16xf32, #tpu.memory_space<vmem>>
      %dma_start3A_470 = arith.constant 0 : i32
      %dma_start3A_471 = tpu.memref_slice %arg7[%min3A_464, %dma_start3A_470] : memref<80x128xi32, #tpu.memory_space<vmem>> -> memref<1x128xi32, #tpu.memory_space<vmem>>
      %dma_start3A_472 = tpu.memref_squeeze %dma_start3A_471 : memref<1x128xi32, #tpu.memory_space<vmem>> -> memref<128xi32, #tpu.memory_space<vmem>>
      %dma_start3A_473 = arith.constant 0 : i32
      %dma_start3A_474 = arith.constant 0 : i32
      %dma_start3A_475 = tpu.memref_slice %arg11[%dma_start3A_473, %dma_start3A_474] : memref<10240x16xf32, #tpu.memory_space<vmem_shared>> -> memref<10240x16xf32, #tpu.memory_space<vmem_shared>>
      tpu.enqueue_indirect_dma source(%dma_start3A_475 : memref<10240x16xf32, #tpu.memory_space<vmem_shared>>) target(%dma_start3A_469 : memref<128x16xf32, #tpu.memory_space<vmem>>) offsets(%dma_start3A_472 : memref<128xi32, #tpu.memory_space<vmem>>) semaphore(%arg13 : memref<!tpu.dma_semaphore, #tpu.memory_space<semaphore_mem>>)
      %mul3A_476 = arith.constant 8 : i32
      %mul3A_477 = arith.muli %scan3A_183, %mul3A_476 : i32
      %add3A_478 = arith.constant 6 : i32
      %add3A_479 = arith.addi %mul3A_477, %add3A_478 : i32
      %dma_wait3A_480 = arith.constant 0 : i32
      %dma_wait3A_481 = arith.constant 6 : i32
      %dma_wait3A_482 = arith.constant 0 : i32
      %dma_wait3A_483 = arith.constant 0 : i32
      %dma_wait3A_484 = tpu.memref_slice %arg9[%dma_wait3A_481, %dma_wait3A_482, %dma_wait3A_483] : memref<8x128x16xf32, #tpu.memory_space<vmem>> -> memref<1x128x16xf32, #tpu.memory_space<vmem>>
      %dma_wait3A_485 = tpu.memref_squeeze %dma_wait3A_484 : memref<1x128x16xf32, #tpu.memory_space<vmem>> -> memref<128x16xf32, #tpu.memory_space<vmem>>
      %dma_wait3A_486 = arith.constant 0 : i32
      %dma_wait3A_487 = tpu.memref_slice %arg7[%dma_wait3A_480, %dma_wait3A_486] : memref<80x128xi32, #tpu.memory_space<vmem>> -> memref<1x128xi32, #tpu.memory_space<vmem>>
      %dma_wait3A_488 = tpu.memref_squeeze %dma_wait3A_487 : memref<1x128xi32, #tpu.memory_space<vmem>> -> memref<128xi32, #tpu.memory_space<vmem>>
      %dma_wait3A_489 = arith.constant 0 : i32
      %dma_wait3A_490 = arith.constant 0 : i32
      %dma_wait3A_491 = tpu.memref_slice %arg2[%dma_wait3A_489, %dma_wait3A_490] : memref<10240x16xf32, #tpu.memory_space<hbm>> -> memref<10240x16xf32, #tpu.memory_space<hbm>>
      tpu.wait_indirect_dma semaphore(%arg18 : memref<!tpu.dma_semaphore, #tpu.memory_space<semaphore_mem>>) src(%dma_wait3A_491 : memref<10240x16xf32, #tpu.memory_space<hbm>>) dst(%dma_wait3A_485 : memref<128x16xf32, #tpu.memory_space<vmem>>)
      %dma_start3A_492 = arith.constant 6 : i32
      %dma_start3A_493 = arith.constant 0 : i32
      %dma_start3A_494 = arith.constant 0 : i32
      %dma_start3A_495 = tpu.memref_slice %arg9[%dma_start3A_492, %dma_start3A_493, %dma_start3A_494] : memref<8x128x16xf32, #tpu.memory_space<vmem>> -> memref<1x128x16xf32, #tpu.memory_space<vmem>>
      %dma_start3A_496 = tpu.memref_squeeze %dma_start3A_495 : memref<1x128x16xf32, #tpu.memory_space<vmem>> -> memref<128x16xf32, #tpu.memory_space<vmem>>
      %dma_start3A_497 = arith.constant 0 : i32
      %dma_start3A_498 = tpu.memref_slice %arg8[%add3A_479, %dma_start3A_497] : memref<80x128xi32, #tpu.memory_space<vmem>> -> memref<1x128xi32, #tpu.memory_space<vmem>>
      %dma_start3A_499 = tpu.memref_squeeze %dma_start3A_498 : memref<1x128xi32, #tpu.memory_space<vmem>> -> memref<128xi32, #tpu.memory_space<vmem>>
      %dma_start3A_500 = arith.constant 0 : i32
      %dma_start3A_501 = arith.constant 0 : i32
      %dma_start3A_502 = tpu.memref_slice %arg10[%dma_start3A_500, %dma_start3A_501] : memref<10240x16xf32, #tpu.memory_space<vmem_shared>> -> memref<10240x16xf32, #tpu.memory_space<vmem_shared>>
      tpu.enqueue_indirect_dma source(%dma_start3A_496 : memref<128x16xf32, #tpu.memory_space<vmem>>) target(%dma_start3A_502 : memref<10240x16xf32, #tpu.memory_space<vmem_shared>>) offsets(%dma_start3A_499 : memref<128xi32, #tpu.memory_space<vmem>>) semaphore(%arg26 : memref<!tpu.dma_semaphore, #tpu.memory_space<semaphore_mem>>) {add = true}
      %dma_wait3A_503 = arith.constant 2 : i32
      %dma_wait3A_504 = arith.constant 0 : i32
      %dma_wait3A_505 = arith.constant 0 : i32
      %dma_wait3A_506 = arith.constant 0 : i32
      %dma_wait3A_507 = tpu.memref_slice %arg9[%dma_wait3A_503, %dma_wait3A_505, %dma_wait3A_506] : memref<8x128x16xf32, #tpu.memory_space<vmem>> -> memref<1x128x16xf32, #tpu.memory_space<vmem>>
      %dma_wait3A_508 = tpu.memref_squeeze %dma_wait3A_507 : memref<1x128x16xf32, #tpu.memory_space<vmem>> -> memref<128x16xf32, #tpu.memory_space<vmem>>
      %dma_wait3A_509 = arith.constant 0 : i32
      %dma_wait3A_510 = tpu.memref_slice %arg8[%dma_wait3A_504, %dma_wait3A_509] : memref<80x128xi32, #tpu.memory_space<vmem>> -> memref<1x128xi32, #tpu.memory_space<vmem>>
      %dma_wait3A_511 = tpu.memref_squeeze %dma_wait3A_510 : memref<1x128xi32, #tpu.memory_space<vmem>> -> memref<128xi32, #tpu.memory_space<vmem>>
      %dma_wait3A_512 = arith.constant 0 : i32
      %dma_wait3A_513 = arith.constant 0 : i32
      %dma_wait3A_514 = tpu.memref_slice %arg10[%dma_wait3A_512, %dma_wait3A_513] : memref<10240x16xf32, #tpu.memory_space<vmem_shared>> -> memref<10240x16xf32, #tpu.memory_space<vmem_shared>>
      tpu.wait_indirect_dma semaphore(%arg22 : memref<!tpu.dma_semaphore, #tpu.memory_space<semaphore_mem>>) src(%dma_wait3A_508 : memref<128x16xf32, #tpu.memory_space<vmem>>) dst(%dma_wait3A_514 : memref<10240x16xf32, #tpu.memory_space<vmem_shared>>)
      %add3A_515 = arith.constant 4 : i32
      %add3A_516 = arith.addi %add3A_479, %add3A_515 : i32
      %min3A_517 = arith.constant 79 : i32
      %min3A_518 = arith.minsi %add3A_516, %min3A_517 : i32
      %dma_start3A_519 = arith.constant 2 : i32
      %dma_start3A_520 = arith.constant 0 : i32
      %dma_start3A_521 = arith.constant 0 : i32
      %dma_start3A_522 = tpu.memref_slice %arg9[%dma_start3A_519, %dma_start3A_520, %dma_start3A_521] : memref<8x128x16xf32, #tpu.memory_space<vmem>> -> memref<1x128x16xf32, #tpu.memory_space<vmem>>
      %dma_start3A_523 = tpu.memref_squeeze %dma_start3A_522 : memref<1x128x16xf32, #tpu.memory_space<vmem>> -> memref<128x16xf32, #tpu.memory_space<vmem>>
      %dma_start3A_524 = arith.constant 0 : i32
      %dma_start3A_525 = tpu.memref_slice %arg7[%min3A_518, %dma_start3A_524] : memref<80x128xi32, #tpu.memory_space<vmem>> -> memref<1x128xi32, #tpu.memory_space<vmem>>
      %dma_start3A_526 = tpu.memref_squeeze %dma_start3A_525 : memref<1x128xi32, #tpu.memory_space<vmem>> -> memref<128xi32, #tpu.memory_space<vmem>>
      %dma_start3A_527 = arith.constant 0 : i32
      %dma_start3A_528 = arith.constant 0 : i32
      %dma_start3A_529 = tpu.memref_slice %arg11[%dma_start3A_527, %dma_start3A_528] : memref<10240x16xf32, #tpu.memory_space<vmem_shared>> -> memref<10240x16xf32, #tpu.memory_space<vmem_shared>>
      tpu.enqueue_indirect_dma source(%dma_start3A_529 : memref<10240x16xf32, #tpu.memory_space<vmem_shared>>) target(%dma_start3A_523 : memref<128x16xf32, #tpu.memory_space<vmem>>) offsets(%dma_start3A_526 : memref<128xi32, #tpu.memory_space<vmem>>) semaphore(%arg14 : memref<!tpu.dma_semaphore, #tpu.memory_space<semaphore_mem>>)
      %mul3A_530 = arith.constant 8 : i32
      %mul3A_531 = arith.muli %scan3A_183, %mul3A_530 : i32
      %add3A_532 = arith.constant 7 : i32
      %add3A_533 = arith.addi %mul3A_531, %add3A_532 : i32
      %dma_wait3A_534 = arith.constant 0 : i32
      %dma_wait3A_535 = arith.constant 7 : i32
      %dma_wait3A_536 = arith.constant 0 : i32
      %dma_wait3A_537 = arith.constant 0 : i32
      %dma_wait3A_538 = tpu.memref_slice %arg9[%dma_wait3A_535, %dma_wait3A_536, %dma_wait3A_537] : memref<8x128x16xf32, #tpu.memory_space<vmem>> -> memref<1x128x16xf32, #tpu.memory_space<vmem>>
      %dma_wait3A_539 = tpu.memref_squeeze %dma_wait3A_538 : memref<1x128x16xf32, #tpu.memory_space<vmem>> -> memref<128x16xf32, #tpu.memory_space<vmem>>
      %dma_wait3A_540 = arith.constant 0 : i32
      %dma_wait3A_541 = tpu.memref_slice %arg7[%dma_wait3A_534, %dma_wait3A_540] : memref<80x128xi32, #tpu.memory_space<vmem>> -> memref<1x128xi32, #tpu.memory_space<vmem>>
      %dma_wait3A_542 = tpu.memref_squeeze %dma_wait3A_541 : memref<1x128xi32, #tpu.memory_space<vmem>> -> memref<128xi32, #tpu.memory_space<vmem>>
      %dma_wait3A_543 = arith.constant 0 : i32
      %dma_wait3A_544 = arith.constant 0 : i32
      %dma_wait3A_545 = tpu.memref_slice %arg2[%dma_wait3A_543, %dma_wait3A_544] : memref<10240x16xf32, #tpu.memory_space<hbm>> -> memref<10240x16xf32, #tpu.memory_space<hbm>>
      tpu.wait_indirect_dma semaphore(%arg19 : memref<!tpu.dma_semaphore, #tpu.memory_space<semaphore_mem>>) src(%dma_wait3A_545 : memref<10240x16xf32, #tpu.memory_space<hbm>>) dst(%dma_wait3A_539 : memref<128x16xf32, #tpu.memory_space<vmem>>)
      %dma_start3A_546 = arith.constant 7 : i32
      %dma_start3A_547 = arith.constant 0 : i32
      %dma_start3A_548 = arith.constant 0 : i32
      %dma_start3A_549 = tpu.memref_slice %arg9[%dma_start3A_546, %dma_start3A_547, %dma_start3A_548] : memref<8x128x16xf32, #tpu.memory_space<vmem>> -> memref<1x128x16xf32, #tpu.memory_space<vmem>>
      %dma_start3A_550 = tpu.memref_squeeze %dma_start3A_549 : memref<1x128x16xf32, #tpu.memory_space<vmem>> -> memref<128x16xf32, #tpu.memory_space<vmem>>
      %dma_start3A_551 = arith.constant 0 : i32
      %dma_start3A_552 = tpu.memref_slice %arg8[%add3A_533, %dma_start3A_551] : memref<80x128xi32, #tpu.memory_space<vmem>> -> memref<1x128xi32, #tpu.memory_space<vmem>>
      %dma_start3A_553 = tpu.memref_squeeze %dma_start3A_552 : memref<1x128xi32, #tpu.memory_space<vmem>> -> memref<128xi32, #tpu.memory_space<vmem>>
      %dma_start3A_554 = arith.constant 0 : i32
      %dma_start3A_555 = arith.constant 0 : i32
      %dma_start3A_556 = tpu.memref_slice %arg10[%dma_start3A_554, %dma_start3A_555] : memref<10240x16xf32, #tpu.memory_space<vmem_shared>> -> memref<10240x16xf32, #tpu.memory_space<vmem_shared>>
      tpu.enqueue_indirect_dma source(%dma_start3A_550 : memref<128x16xf32, #tpu.memory_space<vmem>>) target(%dma_start3A_556 : memref<10240x16xf32, #tpu.memory_space<vmem_shared>>) offsets(%dma_start3A_553 : memref<128xi32, #tpu.memory_space<vmem>>) semaphore(%arg27 : memref<!tpu.dma_semaphore, #tpu.memory_space<semaphore_mem>>) {add = true}
      %dma_wait3A_557 = arith.constant 3 : i32
      %dma_wait3A_558 = arith.constant 0 : i32
      %dma_wait3A_559 = arith.constant 0 : i32
      %dma_wait3A_560 = arith.constant 0 : i32
      %dma_wait3A_561 = tpu.memref_slice %arg9[%dma_wait3A_557, %dma_wait3A_559, %dma_wait3A_560] : memref<8x128x16xf32, #tpu.memory_space<vmem>> -> memref<1x128x16xf32, #tpu.memory_space<vmem>>
      %dma_wait3A_562 = tpu.memref_squeeze %dma_wait3A_561 : memref<1x128x16xf32, #tpu.memory_space<vmem>> -> memref<128x16xf32, #tpu.memory_space<vmem>>
      %dma_wait3A_563 = arith.constant 0 : i32
      %dma_wait3A_564 = tpu.memref_slice %arg8[%dma_wait3A_558, %dma_wait3A_563] : memref<80x128xi32, #tpu.memory_space<vmem>> -> memref<1x128xi32, #tpu.memory_space<vmem>>
      %dma_wait3A_565 = tpu.memref_squeeze %dma_wait3A_564 : memref<1x128xi32, #tpu.memory_space<vmem>> -> memref<128xi32, #tpu.memory_space<vmem>>
      %dma_wait3A_566 = arith.constant 0 : i32
      %dma_wait3A_567 = arith.constant 0 : i32
      %dma_wait3A_568 = tpu.memref_slice %arg10[%dma_wait3A_566, %dma_wait3A_567] : memref<10240x16xf32, #tpu.memory_space<vmem_shared>> -> memref<10240x16xf32, #tpu.memory_space<vmem_shared>>
      tpu.wait_indirect_dma semaphore(%arg23 : memref<!tpu.dma_semaphore, #tpu.memory_space<semaphore_mem>>) src(%dma_wait3A_562 : memref<128x16xf32, #tpu.memory_space<vmem>>) dst(%dma_wait3A_568 : memref<10240x16xf32, #tpu.memory_space<vmem_shared>>)
      %add3A_569 = arith.constant 4 : i32
      %add3A_570 = arith.addi %add3A_533, %add3A_569 : i32
      %min3A_571 = arith.constant 79 : i32
      %min3A_572 = arith.minsi %add3A_570, %min3A_571 : i32
      %dma_start3A_573 = arith.constant 3 : i32
      %dma_start3A_574 = arith.constant 0 : i32
      %dma_start3A_575 = arith.constant 0 : i32
      %dma_start3A_576 = tpu.memref_slice %arg9[%dma_start3A_573, %dma_start3A_574, %dma_start3A_575] : memref<8x128x16xf32, #tpu.memory_space<vmem>> -> memref<1x128x16xf32, #tpu.memory_space<vmem>>
      %dma_start3A_577 = tpu.memref_squeeze %dma_start3A_576 : memref<1x128x16xf32, #tpu.memory_space<vmem>> -> memref<128x16xf32, #tpu.memory_space<vmem>>
      %dma_start3A_578 = arith.constant 0 : i32
      %dma_start3A_579 = tpu.memref_slice %arg7[%min3A_572, %dma_start3A_578] : memref<80x128xi32, #tpu.memory_space<vmem>> -> memref<1x128xi32, #tpu.memory_space<vmem>>
      %dma_start3A_580 = tpu.memref_squeeze %dma_start3A_579 : memref<1x128xi32, #tpu.memory_space<vmem>> -> memref<128xi32, #tpu.memory_space<vmem>>
      %dma_start3A_581 = arith.constant 0 : i32
      %dma_start3A_582 = arith.constant 0 : i32
      %dma_start3A_583 = tpu.memref_slice %arg11[%dma_start3A_581, %dma_start3A_582] : memref<10240x16xf32, #tpu.memory_space<vmem_shared>> -> memref<10240x16xf32, #tpu.memory_space<vmem_shared>>
      tpu.enqueue_indirect_dma source(%dma_start3A_583 : memref<10240x16xf32, #tpu.memory_space<vmem_shared>>) target(%dma_start3A_577 : memref<128x16xf32, #tpu.memory_space<vmem>>) offsets(%dma_start3A_580 : memref<128xi32, #tpu.memory_space<vmem>>) semaphore(%arg15 : memref<!tpu.dma_semaphore, #tpu.memory_space<semaphore_mem>>)
    }
    %scan3A_85 = arith.constant 10 : i32
    %dma_wait3A_86 = arith.constant 4 : i32
    %dma_wait3A_87 = arith.constant 0 : i32
    %dma_wait3A_88 = arith.constant 0 : i32
    %dma_wait3A_89 = arith.constant 0 : i32
    %dma_wait3A_90 = tpu.memref_slice %arg9[%dma_wait3A_86, %dma_wait3A_88, %dma_wait3A_89] : memref<8x128x16xf32, #tpu.memory_space<vmem>> -> memref<1x128x16xf32, #tpu.memory_space<vmem>>
    %dma_wait3A_91 = tpu.memref_squeeze %dma_wait3A_90 : memref<1x128x16xf32, #tpu.memory_space<vmem>> -> memref<128x16xf32, #tpu.memory_space<vmem>>
    %dma_wait3A_92 = arith.constant 0 : i32
    %dma_wait3A_93 = tpu.memref_slice %arg8[%dma_wait3A_87, %dma_wait3A_92] : memref<80x128xi32, #tpu.memory_space<vmem>> -> memref<1x128xi32, #tpu.memory_space<vmem>>
    %dma_wait3A_94 = tpu.memref_squeeze %dma_wait3A_93 : memref<1x128xi32, #tpu.memory_space<vmem>> -> memref<128xi32, #tpu.memory_space<vmem>>
    %dma_wait3A_95 = arith.constant 0 : i32
    %dma_wait3A_96 = arith.constant 0 : i32
    %dma_wait3A_97 = tpu.memref_slice %arg10[%dma_wait3A_95, %dma_wait3A_96] : memref<10240x16xf32, #tpu.memory_space<vmem_shared>> -> memref<10240x16xf32, #tpu.memory_space<vmem_shared>>
    tpu.wait_indirect_dma semaphore(%arg24 : memref<!tpu.dma_semaphore, #tpu.memory_space<semaphore_mem>>) src(%dma_wait3A_91 : memref<128x16xf32, #tpu.memory_space<vmem>>) dst(%dma_wait3A_97 : memref<10240x16xf32, #tpu.memory_space<vmem_shared>>)
    %dma_wait3A_98 = arith.constant 0 : i32
    %dma_wait3A_99 = arith.constant 0 : i32
    %dma_wait3A_100 = arith.constant 0 : i32
    %dma_wait3A_101 = arith.constant 0 : i32
    %dma_wait3A_102 = tpu.memref_slice %arg9[%dma_wait3A_99, %dma_wait3A_100, %dma_wait3A_101] : memref<8x128x16xf32, #tpu.memory_space<vmem>> -> memref<1x128x16xf32, #tpu.memory_space<vmem>>
    %dma_wait3A_103 = tpu.memref_squeeze %dma_wait3A_102 : memref<1x128x16xf32, #tpu.memory_space<vmem>> -> memref<128x16xf32, #tpu.memory_space<vmem>>
    %dma_wait3A_104 = arith.constant 0 : i32
    %dma_wait3A_105 = tpu.memref_slice %arg7[%dma_wait3A_98, %dma_wait3A_104] : memref<80x128xi32, #tpu.memory_space<vmem>> -> memref<1x128xi32, #tpu.memory_space<vmem>>
    %dma_wait3A_106 = tpu.memref_squeeze %dma_wait3A_105 : memref<1x128xi32, #tpu.memory_space<vmem>> -> memref<128xi32, #tpu.memory_space<vmem>>
    %dma_wait3A_107 = arith.constant 0 : i32
    %dma_wait3A_108 = arith.constant 0 : i32
    %dma_wait3A_109 = tpu.memref_slice %arg2[%dma_wait3A_107, %dma_wait3A_108] : memref<10240x16xf32, #tpu.memory_space<hbm>> -> memref<10240x16xf32, #tpu.memory_space<hbm>>
    tpu.wait_indirect_dma semaphore(%arg12 : memref<!tpu.dma_semaphore, #tpu.memory_space<semaphore_mem>>) src(%dma_wait3A_109 : memref<10240x16xf32, #tpu.memory_space<hbm>>) dst(%dma_wait3A_103 : memref<128x16xf32, #tpu.memory_space<vmem>>)
    %dma_wait3A_110 = arith.constant 5 : i32
    %dma_wait3A_111 = arith.constant 0 : i32
    %dma_wait3A_112 = arith.constant 0 : i32
    %dma_wait3A_113 = arith.constant 0 : i32
    %dma_wait3A_114 = tpu.memref_slice %arg9[%dma_wait3A_110, %dma_wait3A_112, %dma_wait3A_113] : memref<8x128x16xf32, #tpu.memory_space<vmem>> -> memref<1x128x16xf32, #tpu.memory_space<vmem>>
    %dma_wait3A_115 = tpu.memref_squeeze %dma_wait3A_114 : memref<1x128x16xf32, #tpu.memory_space<vmem>> -> memref<128x16xf32, #tpu.memory_space<vmem>>
    %dma_wait3A_116 = arith.constant 0 : i32
    %dma_wait3A_117 = tpu.memref_slice %arg8[%dma_wait3A_111, %dma_wait3A_116] : memref<80x128xi32, #tpu.memory_space<vmem>> -> memref<1x128xi32, #tpu.memory_space<vmem>>
    %dma_wait3A_118 = tpu.memref_squeeze %dma_wait3A_117 : memref<1x128xi32, #tpu.memory_space<vmem>> -> memref<128xi32, #tpu.memory_space<vmem>>
    %dma_wait3A_119 = arith.constant 0 : i32
    %dma_wait3A_120 = arith.constant 0 : i32
    %dma_wait3A_121 = tpu.memref_slice %arg10[%dma_wait3A_119, %dma_wait3A_120] : memref<10240x16xf32, #tpu.memory_space<vmem_shared>> -> memref<10240x16xf32, #tpu.memory_space<vmem_shared>>
    tpu.wait_indirect_dma semaphore(%arg25 : memref<!tpu.dma_semaphore, #tpu.memory_space<semaphore_mem>>) src(%dma_wait3A_115 : memref<128x16xf32, #tpu.memory_space<vmem>>) dst(%dma_wait3A_121 : memref<10240x16xf32, #tpu.memory_space<vmem_shared>>)
    %dma_wait3A_122 = arith.constant 0 : i32
    %dma_wait3A_123 = arith.constant 1 : i32
    %dma_wait3A_124 = arith.constant 0 : i32
    %dma_wait3A_125 = arith.constant 0 : i32
    %dma_wait3A_126 = tpu.memref_slice %arg9[%dma_wait3A_123, %dma_wait3A_124, %dma_wait3A_125] : memref<8x128x16xf32, #tpu.memory_space<vmem>> -> memref<1x128x16xf32, #tpu.memory_space<vmem>>
    %dma_wait3A_127 = tpu.memref_squeeze %dma_wait3A_126 : memref<1x128x16xf32, #tpu.memory_space<vmem>> -> memref<128x16xf32, #tpu.memory_space<vmem>>
    %dma_wait3A_128 = arith.constant 0 : i32
    %dma_wait3A_129 = tpu.memref_slice %arg7[%dma_wait3A_122, %dma_wait3A_128] : memref<80x128xi32, #tpu.memory_space<vmem>> -> memref<1x128xi32, #tpu.memory_space<vmem>>
    %dma_wait3A_130 = tpu.memref_squeeze %dma_wait3A_129 : memref<1x128xi32, #tpu.memory_space<vmem>> -> memref<128xi32, #tpu.memory_space<vmem>>
    %dma_wait3A_131 = arith.constant 0 : i32
    %dma_wait3A_132 = arith.constant 0 : i32
    %dma_wait3A_133 = tpu.memref_slice %arg2[%dma_wait3A_131, %dma_wait3A_132] : memref<10240x16xf32, #tpu.memory_space<hbm>> -> memref<10240x16xf32, #tpu.memory_space<hbm>>
    tpu.wait_indirect_dma semaphore(%arg13 : memref<!tpu.dma_semaphore, #tpu.memory_space<semaphore_mem>>) src(%dma_wait3A_133 : memref<10240x16xf32, #tpu.memory_space<hbm>>) dst(%dma_wait3A_127 : memref<128x16xf32, #tpu.memory_space<vmem>>)
    %dma_wait3A_134 = arith.constant 6 : i32
    %dma_wait3A_135 = arith.constant 0 : i32
    %dma_wait3A_136 = arith.constant 0 : i32
    %dma_wait3A_137 = arith.constant 0 : i32
    %dma_wait3A_138 = tpu.memref_slice %arg9[%dma_wait3A_134, %dma_wait3A_136, %dma_wait3A_137] : memref<8x128x16xf32, #tpu.memory_space<vmem>> -> memref<1x128x16xf32, #tpu.memory_space<vmem>>
    %dma_wait3A_139 = tpu.memref_squeeze %dma_wait3A_138 : memref<1x128x16xf32, #tpu.memory_space<vmem>> -> memref<128x16xf32, #tpu.memory_space<vmem>>
    %dma_wait3A_140 = arith.constant 0 : i32
    %dma_wait3A_141 = tpu.memref_slice %arg8[%dma_wait3A_135, %dma_wait3A_140] : memref<80x128xi32, #tpu.memory_space<vmem>> -> memref<1x128xi32, #tpu.memory_space<vmem>>
    %dma_wait3A_142 = tpu.memref_squeeze %dma_wait3A_141 : memref<1x128xi32, #tpu.memory_space<vmem>> -> memref<128xi32, #tpu.memory_space<vmem>>
    %dma_wait3A_143 = arith.constant 0 : i32
    %dma_wait3A_144 = arith.constant 0 : i32
    %dma_wait3A_145 = tpu.memref_slice %arg10[%dma_wait3A_143, %dma_wait3A_144] : memref<10240x16xf32, #tpu.memory_space<vmem_shared>> -> memref<10240x16xf32, #tpu.memory_space<vmem_shared>>
    tpu.wait_indirect_dma semaphore(%arg26 : memref<!tpu.dma_semaphore, #tpu.memory_space<semaphore_mem>>) src(%dma_wait3A_139 : memref<128x16xf32, #tpu.memory_space<vmem>>) dst(%dma_wait3A_145 : memref<10240x16xf32, #tpu.memory_space<vmem_shared>>)
    %dma_wait3A_146 = arith.constant 0 : i32
    %dma_wait3A_147 = arith.constant 2 : i32
    %dma_wait3A_148 = arith.constant 0 : i32
    %dma_wait3A_149 = arith.constant 0 : i32
    %dma_wait3A_150 = tpu.memref_slice %arg9[%dma_wait3A_147, %dma_wait3A_148, %dma_wait3A_149] : memref<8x128x16xf32, #tpu.memory_space<vmem>> -> memref<1x128x16xf32, #tpu.memory_space<vmem>>
    %dma_wait3A_151 = tpu.memref_squeeze %dma_wait3A_150 : memref<1x128x16xf32, #tpu.memory_space<vmem>> -> memref<128x16xf32, #tpu.memory_space<vmem>>
    %dma_wait3A_152 = arith.constant 0 : i32
    %dma_wait3A_153 = tpu.memref_slice %arg7[%dma_wait3A_146, %dma_wait3A_152] : memref<80x128xi32, #tpu.memory_space<vmem>> -> memref<1x128xi32, #tpu.memory_space<vmem>>
    %dma_wait3A_154 = tpu.memref_squeeze %dma_wait3A_153 : memref<1x128xi32, #tpu.memory_space<vmem>> -> memref<128xi32, #tpu.memory_space<vmem>>
    %dma_wait3A_155 = arith.constant 0 : i32
    %dma_wait3A_156 = arith.constant 0 : i32
    %dma_wait3A_157 = tpu.memref_slice %arg2[%dma_wait3A_155, %dma_wait3A_156] : memref<10240x16xf32, #tpu.memory_space<hbm>> -> memref<10240x16xf32, #tpu.memory_space<hbm>>
    tpu.wait_indirect_dma semaphore(%arg14 : memref<!tpu.dma_semaphore, #tpu.memory_space<semaphore_mem>>) src(%dma_wait3A_157 : memref<10240x16xf32, #tpu.memory_space<hbm>>) dst(%dma_wait3A_151 : memref<128x16xf32, #tpu.memory_space<vmem>>)
    %dma_wait3A_158 = arith.constant 7 : i32
    %dma_wait3A_159 = arith.constant 0 : i32
    %dma_wait3A_160 = arith.constant 0 : i32
    %dma_wait3A_161 = arith.constant 0 : i32
    %dma_wait3A_162 = tpu.memref_slice %arg9[%dma_wait3A_158, %dma_wait3A_160, %dma_wait3A_161] : memref<8x128x16xf32, #tpu.memory_space<vmem>> -> memref<1x128x16xf32, #tpu.memory_space<vmem>>
    %dma_wait3A_163 = tpu.memref_squeeze %dma_wait3A_162 : memref<1x128x16xf32, #tpu.memory_space<vmem>> -> memref<128x16xf32, #tpu.memory_space<vmem>>
    %dma_wait3A_164 = arith.constant 0 : i32
    %dma_wait3A_165 = tpu.memref_slice %arg8[%dma_wait3A_159, %dma_wait3A_164] : memref<80x128xi32, #tpu.memory_space<vmem>> -> memref<1x128xi32, #tpu.memory_space<vmem>>
    %dma_wait3A_166 = tpu.memref_squeeze %dma_wait3A_165 : memref<1x128xi32, #tpu.memory_space<vmem>> -> memref<128xi32, #tpu.memory_space<vmem>>
    %dma_wait3A_167 = arith.constant 0 : i32
    %dma_wait3A_168 = arith.constant 0 : i32
    %dma_wait3A_169 = tpu.memref_slice %arg10[%dma_wait3A_167, %dma_wait3A_168] : memref<10240x16xf32, #tpu.memory_space<vmem_shared>> -> memref<10240x16xf32, #tpu.memory_space<vmem_shared>>
    tpu.wait_indirect_dma semaphore(%arg27 : memref<!tpu.dma_semaphore, #tpu.memory_space<semaphore_mem>>) src(%dma_wait3A_163 : memref<128x16xf32, #tpu.memory_space<vmem>>) dst(%dma_wait3A_169 : memref<10240x16xf32, #tpu.memory_space<vmem_shared>>)
    %dma_wait3A_170 = arith.constant 0 : i32
    %dma_wait3A_171 = arith.constant 3 : i32
    %dma_wait3A_172 = arith.constant 0 : i32
    %dma_wait3A_173 = arith.constant 0 : i32
    %dma_wait3A_174 = tpu.memref_slice %arg9[%dma_wait3A_171, %dma_wait3A_172, %dma_wait3A_173] : memref<8x128x16xf32, #tpu.memory_space<vmem>> -> memref<1x128x16xf32, #tpu.memory_space<vmem>>
    %dma_wait3A_175 = tpu.memref_squeeze %dma_wait3A_174 : memref<1x128x16xf32, #tpu.memory_space<vmem>> -> memref<128x16xf32, #tpu.memory_space<vmem>>
    %dma_wait3A_176 = arith.constant 0 : i32
    %dma_wait3A_177 = tpu.memref_slice %arg7[%dma_wait3A_170, %dma_wait3A_176] : memref<80x128xi32, #tpu.memory_space<vmem>> -> memref<1x128xi32, #tpu.memory_space<vmem>>
    %dma_wait3A_178 = tpu.memref_squeeze %dma_wait3A_177 : memref<1x128xi32, #tpu.memory_space<vmem>> -> memref<128xi32, #tpu.memory_space<vmem>>
    %dma_wait3A_179 = arith.constant 0 : i32
    %dma_wait3A_180 = arith.constant 0 : i32
    %dma_wait3A_181 = tpu.memref_slice %arg2[%dma_wait3A_179, %dma_wait3A_180] : memref<10240x16xf32, #tpu.memory_space<hbm>> -> memref<10240x16xf32, #tpu.memory_space<hbm>>
    tpu.wait_indirect_dma semaphore(%arg15 : memref<!tpu.dma_semaphore, #tpu.memory_space<semaphore_mem>>) src(%dma_wait3A_181 : memref<10240x16xf32, #tpu.memory_space<hbm>>) dst(%dma_wait3A_175 : memref<128x16xf32, #tpu.memory_space<vmem>>)
    %barrier3A_182 = arith.constant 0 : index
    tpu.barrier barrier_id(%barrier3A_182)
    "tpu.region"() ({
      %run_scoped3A = tpu.sem_alloc : memref<!tpu.dma_semaphore, #tpu.memory_space<semaphore_mem>>
      %dma_start3A_183 = arith.constant 0 : i32
      %dma_start3A_184 = tpu.memref_slice %arg6[%arg0, %mul3A_2, %dma_start3A_183] : memref<2x10240x16xf32, #tpu.memory_space<hbm>> -> memref<1x640x16xf32, #tpu.memory_space<hbm>>
      %dma_start3A_185 = tpu.memref_squeeze %dma_start3A_184 : memref<1x640x16xf32, #tpu.memory_space<hbm>> -> memref<640x16xf32, #tpu.memory_space<hbm>>
      %dma_start3A_186 = arith.constant 0 : i32
      %dma_start3A_187 = tpu.memref_slice %arg10[%mul3A_2, %dma_start3A_186] : memref<10240x16xf32, #tpu.memory_space<vmem_shared>> -> memref<640x16xf32, #tpu.memory_space<vmem_shared>>
      tpu.enqueue_dma source(%dma_start3A_187 : memref<640x16xf32, #tpu.memory_space<vmem_shared>>) target(%dma_start3A_185 : memref<640x16xf32, #tpu.memory_space<hbm>>) target_semaphore(%run_scoped3A : memref<!tpu.dma_semaphore, #tpu.memory_space<semaphore_mem>>)
      %dma_wait3A_188 = arith.constant 0 : i32
      %dma_wait3A_189 = tpu.memref_slice %arg6[%arg0, %mul3A_2, %dma_wait3A_188] : memref<2x10240x16xf32, #tpu.memory_space<hbm>> -> memref<1x640x16xf32, #tpu.memory_space<hbm>>
      %dma_wait3A_190 = tpu.memref_squeeze %dma_wait3A_189 : memref<1x640x16xf32, #tpu.memory_space<hbm>> -> memref<640x16xf32, #tpu.memory_space<hbm>>
      %dma_wait3A_191 = arith.constant 0 : i32
      %dma_wait3A_192 = tpu.memref_slice %arg10[%mul3A_2, %dma_wait3A_191] : memref<10240x16xf32, #tpu.memory_space<vmem_shared>> -> memref<640x16xf32, #tpu.memory_space<vmem_shared>>
      tpu.wait_dma2 semaphore(%run_scoped3A : memref<!tpu.dma_semaphore, #tpu.memory_space<semaphore_mem>>) src(%dma_wait3A_192 : memref<640x16xf32, #tpu.memory_space<vmem_shared>>) dst(%dma_wait3A_190 : memref<640x16xf32, #tpu.memory_space<hbm>>)
      tpu.yield
    }) : () -> ()
    return
  }
}

#map = affine_map<(d0, d1) -> (0, 0)>
#map1 = affine_map<(d0, d1) -> (0, 0, 0)>
module attributes {stable_mosaic.version = 14 : i64} {
  func.func @_agg_body(%arg0: i32, %arg1: i32, %arg2: memref<10240x16xf32, #tpu.memory_space<hbm>>, %arg3: memref<32x80x128xi32, #tpu.memory_space<hbm>>, %arg4: memref<32x80x128xi32, #tpu.memory_space<hbm>>, %arg5: memref<640x16xf32, #tpu.memory_space<hbm>>, %arg6: memref<2x10240x16xf32, #tpu.memory_space<hbm>>, %arg7: memref<80x128xi32, #tpu.memory_space<vmem>>, %arg8: memref<80x128xi32, #tpu.memory_space<vmem>>, %arg9: memref<8x128x16xf32, #tpu.memory_space<vmem>>, %arg10: memref<10240x16xf32, #tpu.memory_space<vmem_shared>>, %arg11: memref<10240x16xf32, #tpu.memory_space<vmem_shared>>, %arg12: memref<!tpu.dma_semaphore, #tpu.memory_space<semaphore_mem>>, %arg13: memref<!tpu.dma_semaphore, #tpu.memory_space<semaphore_mem>>, %arg14: memref<!tpu.dma_semaphore, #tpu.memory_space<semaphore_mem>>, %arg15: memref<!tpu.dma_semaphore, #tpu.memory_space<semaphore_mem>>, %arg16: memref<!tpu.dma_semaphore, #tpu.memory_space<semaphore_mem>>, %arg17: memref<!tpu.dma_semaphore, #tpu.memory_space<semaphore_mem>>, %arg18: memref<!tpu.dma_semaphore, #tpu.memory_space<semaphore_mem>>, %arg19: memref<!tpu.dma_semaphore, #tpu.memory_space<semaphore_mem>>, %arg20: memref<!tpu.dma_semaphore, #tpu.memory_space<semaphore_mem>>, %arg21: memref<!tpu.dma_semaphore, #tpu.memory_space<semaphore_mem>>, %arg22: memref<!tpu.dma_semaphore, #tpu.memory_space<semaphore_mem>>, %arg23: memref<!tpu.dma_semaphore, #tpu.memory_space<semaphore_mem>>, %arg24: memref<!tpu.dma_semaphore, #tpu.memory_space<semaphore_mem>>, %arg25: memref<!tpu.dma_semaphore, #tpu.memory_space<semaphore_mem>>, %arg26: memref<!tpu.dma_semaphore, #tpu.memory_space<semaphore_mem>>, %arg27: memref<!tpu.dma_semaphore, #tpu.memory_space<semaphore_mem>>, %arg28: memref<!tpu.dma_semaphore, #tpu.memory_space<semaphore_mem>>) attributes {dimension_semantics = [#tpu.dimension_semantics<core_parallel>, #tpu.dimension_semantics<subcore_parallel>], iteration_bounds = array<i64: 2, 16>, scalar_prefetch = 0 : i64, scratch_operands = 22 : i64, tpu.core_type = #tpu.core_type<sc_vector_subcore>, window_params = [{transform_indices = #map}, {transform_indices = #map1}, {transform_indices = #map1}, {transform_indices = #map}, {transform_indices = #map1}]} {
    %mul3A = arith.constant 16 : i32
    %mul3A_0 = arith.muli %arg0, %mul3A : i32
    %add3A = arith.addi %mul3A_0, %arg1 : i32
    %mul3A_1 = arith.constant 640 : i32
    %mul3A_2 = arith.muli %arg1, %mul3A_1 : i32
    %dma_start3A = arith.constant 0 : i32
    %dma_start3A_3 = arith.constant 0 : i32
    %dma_start3A_4 = tpu.memref_slice %arg3[%add3A, %dma_start3A, %dma_start3A_3] : memref<32x80x128xi32, #tpu.memory_space<hbm>> -> memref<1x80x128xi32, #tpu.memory_space<hbm>>
    %dma_start3A_5 = tpu.memref_squeeze %dma_start3A_4 : memref<1x80x128xi32, #tpu.memory_space<hbm>> -> memref<80x128xi32, #tpu.memory_space<hbm>>
    %dma_start3A_6 = arith.constant 0 : i32
    %dma_start3A_7 = arith.constant 0 : i32
    %dma_start3A_8 = tpu.memref_slice %arg3[%add3A, %dma_start3A_6, %dma_start3A_7] : memref<32x80x128xi32, #tpu.memory_space<hbm>> -> memref<1x80x128xi32, #tpu.memory_space<hbm>>
    %dma_start3A_9 = tpu.memref_squeeze %dma_start3A_8 : memref<1x80x128xi32, #tpu.memory_space<hbm>> -> memref<80x128xi32, #tpu.memory_space<hbm>>
    tpu.enqueue_dma source(%dma_start3A_9 : memref<80x128xi32, #tpu.memory_space<hbm>>) target(%arg7 : memref<80x128xi32, #tpu.memory_space<vmem>>) target_semaphore(%arg28 : memref<!tpu.dma_semaphore, #tpu.memory_space<semaphore_mem>>)
    %dma_start3A_10 = arith.constant 0 : i32
    %dma_start3A_11 = arith.constant 0 : i32
    %dma_start3A_12 = tpu.memref_slice %arg4[%add3A, %dma_start3A_10, %dma_start3A_11] : memref<32x80x128xi32, #tpu.memory_space<hbm>> -> memref<1x80x128xi32, #tpu.memory_space<hbm>>
    %dma_start3A_13 = tpu.memref_squeeze %dma_start3A_12 : memref<1x80x128xi32, #tpu.memory_space<hbm>> -> memref<80x128xi32, #tpu.memory_space<hbm>>
    %dma_start3A_14 = arith.constant 0 : i32
    %dma_start3A_15 = arith.constant 0 : i32
    %dma_start3A_16 = tpu.memref_slice %arg4[%add3A, %dma_start3A_14, %dma_start3A_15] : memref<32x80x128xi32, #tpu.memory_space<hbm>> -> memref<1x80x128xi32, #tpu.memory_space<hbm>>
    %dma_start3A_17 = tpu.memref_squeeze %dma_start3A_16 : memref<1x80x128xi32, #tpu.memory_space<hbm>> -> memref<80x128xi32, #tpu.memory_space<hbm>>
    tpu.enqueue_dma source(%dma_start3A_17 : memref<80x128xi32, #tpu.memory_space<hbm>>) target(%arg8 : memref<80x128xi32, #tpu.memory_space<vmem>>) target_semaphore(%arg28 : memref<!tpu.dma_semaphore, #tpu.memory_space<semaphore_mem>>)
    "tpu.region"() ({
      %run_scoped3A = tpu.sem_alloc : memref<!tpu.dma_semaphore, #tpu.memory_space<semaphore_mem>>
      %dma_start3A_183 = arith.constant 0 : i32
      %dma_start3A_184 = tpu.memref_slice %arg11[%mul3A_2, %dma_start3A_183] : memref<10240x16xf32, #tpu.memory_space<vmem_shared>> -> memref<640x16xf32, #tpu.memory_space<vmem_shared>>
      %dma_start3A_185 = arith.constant 0 : i32
      %dma_start3A_186 = tpu.memref_slice %arg2[%mul3A_2, %dma_start3A_185] : memref<10240x16xf32, #tpu.memory_space<hbm>> -> memref<640x16xf32, #tpu.memory_space<hbm>>
      tpu.enqueue_dma source(%dma_start3A_186 : memref<640x16xf32, #tpu.memory_space<hbm>>) target(%dma_start3A_184 : memref<640x16xf32, #tpu.memory_space<vmem_shared>>) target_semaphore(%run_scoped3A : memref<!tpu.dma_semaphore, #tpu.memory_space<semaphore_mem>>)
      %dma_wait3A_187 = arith.constant 0 : i32
      %dma_wait3A_188 = tpu.memref_slice %arg11[%mul3A_2, %dma_wait3A_187] : memref<10240x16xf32, #tpu.memory_space<vmem_shared>> -> memref<640x16xf32, #tpu.memory_space<vmem_shared>>
      %dma_wait3A_189 = arith.constant 0 : i32
      %dma_wait3A_190 = tpu.memref_slice %arg2[%mul3A_2, %dma_wait3A_189] : memref<10240x16xf32, #tpu.memory_space<hbm>> -> memref<640x16xf32, #tpu.memory_space<hbm>>
      tpu.wait_dma2 semaphore(%run_scoped3A : memref<!tpu.dma_semaphore, #tpu.memory_space<semaphore_mem>>) src(%dma_wait3A_190 : memref<640x16xf32, #tpu.memory_space<hbm>>) dst(%dma_wait3A_188 : memref<640x16xf32, #tpu.memory_space<vmem_shared>>)
      tpu.yield
    }) : () -> ()
    "tpu.region"() ({
      %run_scoped3A = tpu.sem_alloc : memref<!tpu.dma_semaphore, #tpu.memory_space<semaphore_mem>>
      %dma_start3A_183 = arith.constant 0 : i32
      %dma_start3A_184 = tpu.memref_slice %arg10[%mul3A_2, %dma_start3A_183] : memref<10240x16xf32, #tpu.memory_space<vmem_shared>> -> memref<640x16xf32, #tpu.memory_space<vmem_shared>>
      tpu.enqueue_dma source(%arg5 : memref<640x16xf32, #tpu.memory_space<hbm>>) target(%dma_start3A_184 : memref<640x16xf32, #tpu.memory_space<vmem_shared>>) target_semaphore(%run_scoped3A : memref<!tpu.dma_semaphore, #tpu.memory_space<semaphore_mem>>)
      %dma_wait3A_185 = arith.constant 0 : i32
      %dma_wait3A_186 = tpu.memref_slice %arg10[%mul3A_2, %dma_wait3A_185] : memref<10240x16xf32, #tpu.memory_space<vmem_shared>> -> memref<640x16xf32, #tpu.memory_space<vmem_shared>>
      tpu.wait_dma2 semaphore(%run_scoped3A : memref<!tpu.dma_semaphore, #tpu.memory_space<semaphore_mem>>) src(%arg5 : memref<640x16xf32, #tpu.memory_space<hbm>>) dst(%dma_wait3A_186 : memref<640x16xf32, #tpu.memory_space<vmem_shared>>)
      tpu.yield
    }) : () -> ()
    %dma_wait3A = arith.constant 0 : i32
    %dma_wait3A_18 = arith.constant 0 : i32
    %dma_wait3A_19 = tpu.memref_slice %arg3[%add3A, %dma_wait3A, %dma_wait3A_18] : memref<32x80x128xi32, #tpu.memory_space<hbm>> -> memref<1x80x128xi32, #tpu.memory_space<hbm>>
    %dma_wait3A_20 = tpu.memref_squeeze %dma_wait3A_19 : memref<1x80x128xi32, #tpu.memory_space<hbm>> -> memref<80x128xi32, #tpu.memory_space<hbm>>
    %dma_wait3A_21 = arith.constant 0 : i32
    %dma_wait3A_22 = arith.constant 0 : i32
    %dma_wait3A_23 = tpu.memref_slice %arg3[%add3A, %dma_wait3A_21, %dma_wait3A_22] : memref<32x80x128xi32, #tpu.memory_space<hbm>> -> memref<1x80x128xi32, #tpu.memory_space<hbm>>
    %dma_wait3A_24 = tpu.memref_squeeze %dma_wait3A_23 : memref<1x80x128xi32, #tpu.memory_space<hbm>> -> memref<80x128xi32, #tpu.memory_space<hbm>>
    tpu.wait_dma2 semaphore(%arg28 : memref<!tpu.dma_semaphore, #tpu.memory_space<semaphore_mem>>) src(%dma_wait3A_24 : memref<80x128xi32, #tpu.memory_space<hbm>>) dst(%arg7 : memref<80x128xi32, #tpu.memory_space<vmem>>)
    %dma_wait3A_25 = arith.constant 0 : i32
    %dma_wait3A_26 = arith.constant 0 : i32
    %dma_wait3A_27 = tpu.memref_slice %arg4[%add3A, %dma_wait3A_25, %dma_wait3A_26] : memref<32x80x128xi32, #tpu.memory_space<hbm>> -> memref<1x80x128xi32, #tpu.memory_space<hbm>>
    %dma_wait3A_28 = tpu.memref_squeeze %dma_wait3A_27 : memref<1x80x128xi32, #tpu.memory_space<hbm>> -> memref<80x128xi32, #tpu.memory_space<hbm>>
    %dma_wait3A_29 = arith.constant 0 : i32
    %dma_wait3A_30 = arith.constant 0 : i32
    %dma_wait3A_31 = tpu.memref_slice %arg4[%add3A, %dma_wait3A_29, %dma_wait3A_30] : memref<32x80x128xi32, #tpu.memory_space<hbm>> -> memref<1x80x128xi32, #tpu.memory_space<hbm>>
    %dma_wait3A_32 = tpu.memref_squeeze %dma_wait3A_31 : memref<1x80x128xi32, #tpu.memory_space<hbm>> -> memref<80x128xi32, #tpu.memory_space<hbm>>
    tpu.wait_dma2 semaphore(%arg28 : memref<!tpu.dma_semaphore, #tpu.memory_space<semaphore_mem>>) src(%dma_wait3A_32 : memref<80x128xi32, #tpu.memory_space<hbm>>) dst(%arg8 : memref<80x128xi32, #tpu.memory_space<vmem>>)
    %barrier3A = arith.constant 0 : index
    tpu.barrier barrier_id(%barrier3A)
    %dma_start3A_33 = arith.constant 0 : i32
    %dma_start3A_34 = arith.constant 0 : i32
    %dma_start3A_35 = arith.constant 0 : i32
    %dma_start3A_36 = arith.constant 0 : i32
    %dma_start3A_37 = tpu.memref_slice %arg9[%dma_start3A_34, %dma_start3A_35, %dma_start3A_36] : memref<8x128x16xf32, #tpu.memory_space<vmem>> -> memref<1x128x16xf32, #tpu.memory_space<vmem>>
    %dma_start3A_38 = tpu.memref_squeeze %dma_start3A_37 : memref<1x128x16xf32, #tpu.memory_space<vmem>> -> memref<128x16xf32, #tpu.memory_space<vmem>>
    %dma_start3A_39 = arith.constant 0 : i32
    %dma_start3A_40 = tpu.memref_slice %arg7[%dma_start3A_33, %dma_start3A_39] : memref<80x128xi32, #tpu.memory_space<vmem>> -> memref<1x128xi32, #tpu.memory_space<vmem>>
    %dma_start3A_41 = tpu.memref_squeeze %dma_start3A_40 : memref<1x128xi32, #tpu.memory_space<vmem>> -> memref<128xi32, #tpu.memory_space<vmem>>
    %dma_start3A_42 = arith.constant 0 : i32
    %dma_start3A_43 = arith.constant 0 : i32
    %dma_start3A_44 = tpu.memref_slice %arg11[%dma_start3A_42, %dma_start3A_43] : memref<10240x16xf32, #tpu.memory_space<vmem_shared>> -> memref<10240x16xf32, #tpu.memory_space<vmem_shared>>
    tpu.enqueue_indirect_dma source(%dma_start3A_44 : memref<10240x16xf32, #tpu.memory_space<vmem_shared>>) target(%dma_start3A_38 : memref<128x16xf32, #tpu.memory_space<vmem>>) offsets(%dma_start3A_41 : memref<128xi32, #tpu.memory_space<vmem>>) semaphore(%arg12 : memref<!tpu.dma_semaphore, #tpu.memory_space<semaphore_mem>>)
    %dma_start3A_45 = arith.constant 1 : i32
    %dma_start3A_46 = arith.constant 1 : i32
    %dma_start3A_47 = arith.constant 0 : i32
    %dma_start3A_48 = arith.constant 0 : i32
    %dma_start3A_49 = tpu.memref_slice %arg9[%dma_start3A_46, %dma_start3A_47, %dma_start3A_48] : memref<8x128x16xf32, #tpu.memory_space<vmem>> -> memref<1x128x16xf32, #tpu.memory_space<vmem>>
    %dma_start3A_50 = tpu.memref_squeeze %dma_start3A_49 : memref<1x128x16xf32, #tpu.memory_space<vmem>> -> memref<128x16xf32, #tpu.memory_space<vmem>>
    %dma_start3A_51 = arith.constant 0 : i32
    %dma_start3A_52 = tpu.memref_slice %arg7[%dma_start3A_45, %dma_start3A_51] : memref<80x128xi32, #tpu.memory_space<vmem>> -> memref<1x128xi32, #tpu.memory_space<vmem>>
    %dma_start3A_53 = tpu.memref_squeeze %dma_start3A_52 : memref<1x128xi32, #tpu.memory_space<vmem>> -> memref<128xi32, #tpu.memory_space<vmem>>
    %dma_start3A_54 = arith.constant 0 : i32
    %dma_start3A_55 = arith.constant 0 : i32
    %dma_start3A_56 = tpu.memref_slice %arg11[%dma_start3A_54, %dma_start3A_55] : memref<10240x16xf32, #tpu.memory_space<vmem_shared>> -> memref<10240x16xf32, #tpu.memory_space<vmem_shared>>
    tpu.enqueue_indirect_dma source(%dma_start3A_56 : memref<10240x16xf32, #tpu.memory_space<vmem_shared>>) target(%dma_start3A_50 : memref<128x16xf32, #tpu.memory_space<vmem>>) offsets(%dma_start3A_53 : memref<128xi32, #tpu.memory_space<vmem>>) semaphore(%arg13 : memref<!tpu.dma_semaphore, #tpu.memory_space<semaphore_mem>>)
    %dma_start3A_57 = arith.constant 2 : i32
    %dma_start3A_58 = arith.constant 2 : i32
    %dma_start3A_59 = arith.constant 0 : i32
    %dma_start3A_60 = arith.constant 0 : i32
    %dma_start3A_61 = tpu.memref_slice %arg9[%dma_start3A_58, %dma_start3A_59, %dma_start3A_60] : memref<8x128x16xf32, #tpu.memory_space<vmem>> -> memref<1x128x16xf32, #tpu.memory_space<vmem>>
    %dma_start3A_62 = tpu.memref_squeeze %dma_start3A_61 : memref<1x128x16xf32, #tpu.memory_space<vmem>> -> memref<128x16xf32, #tpu.memory_space<vmem>>
    %dma_start3A_63 = arith.constant 0 : i32
    %dma_start3A_64 = tpu.memref_slice %arg7[%dma_start3A_57, %dma_start3A_63] : memref<80x128xi32, #tpu.memory_space<vmem>> -> memref<1x128xi32, #tpu.memory_space<vmem>>
    %dma_start3A_65 = tpu.memref_squeeze %dma_start3A_64 : memref<1x128xi32, #tpu.memory_space<vmem>> -> memref<128xi32, #tpu.memory_space<vmem>>
    %dma_start3A_66 = arith.constant 0 : i32
    %dma_start3A_67 = arith.constant 0 : i32
    %dma_start3A_68 = tpu.memref_slice %arg11[%dma_start3A_66, %dma_start3A_67] : memref<10240x16xf32, #tpu.memory_space<vmem_shared>> -> memref<10240x16xf32, #tpu.memory_space<vmem_shared>>
    tpu.enqueue_indirect_dma source(%dma_start3A_68 : memref<10240x16xf32, #tpu.memory_space<vmem_shared>>) target(%dma_start3A_62 : memref<128x16xf32, #tpu.memory_space<vmem>>) offsets(%dma_start3A_65 : memref<128xi32, #tpu.memory_space<vmem>>) semaphore(%arg14 : memref<!tpu.dma_semaphore, #tpu.memory_space<semaphore_mem>>)
    %dma_start3A_69 = arith.constant 3 : i32
    %dma_start3A_70 = arith.constant 3 : i32
    %dma_start3A_71 = arith.constant 0 : i32
    %dma_start3A_72 = arith.constant 0 : i32
    %dma_start3A_73 = tpu.memref_slice %arg9[%dma_start3A_70, %dma_start3A_71, %dma_start3A_72] : memref<8x128x16xf32, #tpu.memory_space<vmem>> -> memref<1x128x16xf32, #tpu.memory_space<vmem>>
    %dma_start3A_74 = tpu.memref_squeeze %dma_start3A_73 : memref<1x128x16xf32, #tpu.memory_space<vmem>> -> memref<128x16xf32, #tpu.memory_space<vmem>>
    %dma_start3A_75 = arith.constant 0 : i32
    %dma_start3A_76 = tpu.memref_slice %arg7[%dma_start3A_69, %dma_start3A_75] : memref<80x128xi32, #tpu.memory_space<vmem>> -> memref<1x128xi32, #tpu.memory_space<vmem>>
    %dma_start3A_77 = tpu.memref_squeeze %dma_start3A_76 : memref<1x128xi32, #tpu.memory_space<vmem>> -> memref<128xi32, #tpu.memory_space<vmem>>
    %dma_start3A_78 = arith.constant 0 : i32
    %dma_start3A_79 = arith.constant 0 : i32
    %dma_start3A_80 = tpu.memref_slice %arg11[%dma_start3A_78, %dma_start3A_79] : memref<10240x16xf32, #tpu.memory_space<vmem_shared>> -> memref<10240x16xf32, #tpu.memory_space<vmem_shared>>
    tpu.enqueue_indirect_dma source(%dma_start3A_80 : memref<10240x16xf32, #tpu.memory_space<vmem_shared>>) target(%dma_start3A_74 : memref<128x16xf32, #tpu.memory_space<vmem>>) offsets(%dma_start3A_77 : memref<128xi32, #tpu.memory_space<vmem>>) semaphore(%arg15 : memref<!tpu.dma_semaphore, #tpu.memory_space<semaphore_mem>>)
    %scan3A = arith.constant 0 : i32
    %scan3A_81 = arith.constant 0 : i32
    %scan3A_82 = arith.constant 10 : i32
    %scan3A_83 = arith.addi %scan3A_81, %scan3A_82 : i32
    %scan3A_84 = arith.constant 1 : i32
    scf.for %scan3A_183 = %scan3A_81 to %scan3A_83 step %scan3A_84  : i32 {
      %mul3A_184 = arith.constant 8 : i32
      %mul3A_185 = arith.muli %scan3A_183, %mul3A_184 : i32
      %add3A_186 = arith.constant 0 : i32
      %add3A_187 = arith.addi %mul3A_185, %add3A_186 : i32
      %dma_wait3A_188 = arith.constant 0 : i32
      %dma_wait3A_189 = arith.constant 0 : i32
      %dma_wait3A_190 = arith.constant 0 : i32
      %dma_wait3A_191 = arith.constant 0 : i32
      %dma_wait3A_192 = tpu.memref_slice %arg9[%dma_wait3A_189, %dma_wait3A_190, %dma_wait3A_191] : memref<8x128x16xf32, #tpu.memory_space<vmem>> -> memref<1x128x16xf32, #tpu.memory_space<vmem>>
      %dma_wait3A_193 = tpu.memref_squeeze %dma_wait3A_192 : memref<1x128x16xf32, #tpu.memory_space<vmem>> -> memref<128x16xf32, #tpu.memory_space<vmem>>
      %dma_wait3A_194 = arith.constant 0 : i32
      %dma_wait3A_195 = tpu.memref_slice %arg7[%dma_wait3A_188, %dma_wait3A_194] : memref<80x128xi32, #tpu.memory_space<vmem>> -> memref<1x128xi32, #tpu.memory_space<vmem>>
      %dma_wait3A_196 = tpu.memref_squeeze %dma_wait3A_195 : memref<1x128xi32, #tpu.memory_space<vmem>> -> memref<128xi32, #tpu.memory_space<vmem>>
      %dma_wait3A_197 = arith.constant 0 : i32
      %dma_wait3A_198 = arith.constant 0 : i32
      %dma_wait3A_199 = tpu.memref_slice %arg2[%dma_wait3A_197, %dma_wait3A_198] : memref<10240x16xf32, #tpu.memory_space<hbm>> -> memref<10240x16xf32, #tpu.memory_space<hbm>>
      tpu.wait_indirect_dma semaphore(%arg12 : memref<!tpu.dma_semaphore, #tpu.memory_space<semaphore_mem>>) src(%dma_wait3A_199 : memref<10240x16xf32, #tpu.memory_space<hbm>>) dst(%dma_wait3A_193 : memref<128x16xf32, #tpu.memory_space<vmem>>)
      %dma_start3A_200 = arith.constant 0 : i32
      %dma_start3A_201 = arith.constant 0 : i32
      %dma_start3A_202 = arith.constant 0 : i32
      %dma_start3A_203 = tpu.memref_slice %arg9[%dma_start3A_200, %dma_start3A_201, %dma_start3A_202] : memref<8x128x16xf32, #tpu.memory_space<vmem>> -> memref<1x128x16xf32, #tpu.memory_space<vmem>>
      %dma_start3A_204 = tpu.memref_squeeze %dma_start3A_203 : memref<1x128x16xf32, #tpu.memory_space<vmem>> -> memref<128x16xf32, #tpu.memory_space<vmem>>
      %dma_start3A_205 = arith.constant 0 : i32
      %dma_start3A_206 = tpu.memref_slice %arg8[%add3A_187, %dma_start3A_205] : memref<80x128xi32, #tpu.memory_space<vmem>> -> memref<1x128xi32, #tpu.memory_space<vmem>>
      %dma_start3A_207 = tpu.memref_squeeze %dma_start3A_206 : memref<1x128xi32, #tpu.memory_space<vmem>> -> memref<128xi32, #tpu.memory_space<vmem>>
      %dma_start3A_208 = arith.constant 0 : i32
      %dma_start3A_209 = arith.constant 0 : i32
      %dma_start3A_210 = tpu.memref_slice %arg10[%dma_start3A_208, %dma_start3A_209] : memref<10240x16xf32, #tpu.memory_space<vmem_shared>> -> memref<10240x16xf32, #tpu.memory_space<vmem_shared>>
      tpu.enqueue_indirect_dma source(%dma_start3A_204 : memref<128x16xf32, #tpu.memory_space<vmem>>) target(%dma_start3A_210 : memref<10240x16xf32, #tpu.memory_space<vmem_shared>>) offsets(%dma_start3A_207 : memref<128xi32, #tpu.memory_space<vmem>>) semaphore(%arg20 : memref<!tpu.dma_semaphore, #tpu.memory_space<semaphore_mem>>) {add = true}
      %gt3A = arith.constant 0 : i32
      %gt3A_211 = arith.cmpi sgt, %scan3A_183, %gt3A : i32
      %convert_element_type3A = arith.extui %gt3A_211 : i1 to i32
      %cond3A = arith.constant 0 : i32
      %cond3A_212 = arith.cmpi ne, %convert_element_type3A, %cond3A : i32
      scf.if %cond3A_212 {
        %dma_wait3A_584 = arith.constant 4 : i32
        %dma_wait3A_585 = arith.constant 0 : i32
        %dma_wait3A_586 = arith.constant 0 : i32
        %dma_wait3A_587 = arith.constant 0 : i32
        %dma_wait3A_588 = tpu.memref_slice %arg9[%dma_wait3A_584, %dma_wait3A_586, %dma_wait3A_587] : memref<8x128x16xf32, #tpu.memory_space<vmem>> -> memref<1x128x16xf32, #tpu.memory_space<vmem>>
        %dma_wait3A_589 = tpu.memref_squeeze %dma_wait3A_588 : memref<1x128x16xf32, #tpu.memory_space<vmem>> -> memref<128x16xf32, #tpu.memory_space<vmem>>
        %dma_wait3A_590 = arith.constant 0 : i32
        %dma_wait3A_591 = tpu.memref_slice %arg8[%dma_wait3A_585, %dma_wait3A_590] : memref<80x128xi32, #tpu.memory_space<vmem>> -> memref<1x128xi32, #tpu.memory_space<vmem>>
        %dma_wait3A_592 = tpu.memref_squeeze %dma_wait3A_591 : memref<1x128xi32, #tpu.memory_space<vmem>> -> memref<128xi32, #tpu.memory_space<vmem>>
        %dma_wait3A_593 = arith.constant 0 : i32
        %dma_wait3A_594 = arith.constant 0 : i32
        %dma_wait3A_595 = tpu.memref_slice %arg10[%dma_wait3A_593, %dma_wait3A_594] : memref<10240x16xf32, #tpu.memory_space<vmem_shared>> -> memref<10240x16xf32, #tpu.memory_space<vmem_shared>>
        tpu.wait_indirect_dma semaphore(%arg24 : memref<!tpu.dma_semaphore, #tpu.memory_space<semaphore_mem>>) src(%dma_wait3A_589 : memref<128x16xf32, #tpu.memory_space<vmem>>) dst(%dma_wait3A_595 : memref<10240x16xf32, #tpu.memory_space<vmem_shared>>)
      } else {
      }
      %add3A_213 = arith.constant 4 : i32
      %add3A_214 = arith.addi %add3A_187, %add3A_213 : i32
      %min3A = arith.constant 79 : i32
      %min3A_215 = arith.minsi %add3A_214, %min3A : i32
      %dma_start3A_216 = arith.constant 4 : i32
      %dma_start3A_217 = arith.constant 0 : i32
      %dma_start3A_218 = arith.constant 0 : i32
      %dma_start3A_219 = tpu.memref_slice %arg9[%dma_start3A_216, %dma_start3A_217, %dma_start3A_218] : memref<8x128x16xf32, #tpu.memory_space<vmem>> -> memref<1x128x16xf32, #tpu.memory_space<vmem>>
      %dma_start3A_220 = tpu.memref_squeeze %dma_start3A_219 : memref<1x128x16xf32, #tpu.memory_space<vmem>> -> memref<128x16xf32, #tpu.memory_space<vmem>>
      %dma_start3A_221 = arith.constant 0 : i32
      %dma_start3A_222 = tpu.memref_slice %arg7[%min3A_215, %dma_start3A_221] : memref<80x128xi32, #tpu.memory_space<vmem>> -> memref<1x128xi32, #tpu.memory_space<vmem>>
      %dma_start3A_223 = tpu.memref_squeeze %dma_start3A_222 : memref<1x128xi32, #tpu.memory_space<vmem>> -> memref<128xi32, #tpu.memory_space<vmem>>
      %dma_start3A_224 = arith.constant 0 : i32
      %dma_start3A_225 = arith.constant 0 : i32
      %dma_start3A_226 = tpu.memref_slice %arg11[%dma_start3A_224, %dma_start3A_225] : memref<10240x16xf32, #tpu.memory_space<vmem_shared>> -> memref<10240x16xf32, #tpu.memory_space<vmem_shared>>
      tpu.enqueue_indirect_dma source(%dma_start3A_226 : memref<10240x16xf32, #tpu.memory_space<vmem_shared>>) target(%dma_start3A_220 : memref<128x16xf32, #tpu.memory_space<vmem>>) offsets(%dma_start3A_223 : memref<128xi32, #tpu.memory_space<vmem>>) semaphore(%arg16 : memref<!tpu.dma_semaphore, #tpu.memory_space<semaphore_mem>>)
      %mul3A_227 = arith.constant 8 : i32
      %mul3A_228 = arith.muli %scan3A_183, %mul3A_227 : i32
      %add3A_229 = arith.constant 1 : i32
      %add3A_230 = arith.addi %mul3A_228, %add3A_229 : i32
      %dma_wait3A_231 = arith.constant 0 : i32
      %dma_wait3A_232 = arith.constant 1 : i32
      %dma_wait3A_233 = arith.constant 0 : i32
      %dma_wait3A_234 = arith.constant 0 : i32
      %dma_wait3A_235 = tpu.memref_slice %arg9[%dma_wait3A_232, %dma_wait3A_233, %dma_wait3A_234] : memref<8x128x16xf32, #tpu.memory_space<vmem>> -> memref<1x128x16xf32, #tpu.memory_space<vmem>>
      %dma_wait3A_236 = tpu.memref_squeeze %dma_wait3A_235 : memref<1x128x16xf32, #tpu.memory_space<vmem>> -> memref<128x16xf32, #tpu.memory_space<vmem>>
      %dma_wait3A_237 = arith.constant 0 : i32
      %dma_wait3A_238 = tpu.memref_slice %arg7[%dma_wait3A_231, %dma_wait3A_237] : memref<80x128xi32, #tpu.memory_space<vmem>> -> memref<1x128xi32, #tpu.memory_space<vmem>>
      %dma_wait3A_239 = tpu.memref_squeeze %dma_wait3A_238 : memref<1x128xi32, #tpu.memory_space<vmem>> -> memref<128xi32, #tpu.memory_space<vmem>>
      %dma_wait3A_240 = arith.constant 0 : i32
      %dma_wait3A_241 = arith.constant 0 : i32
      %dma_wait3A_242 = tpu.memref_slice %arg2[%dma_wait3A_240, %dma_wait3A_241] : memref<10240x16xf32, #tpu.memory_space<hbm>> -> memref<10240x16xf32, #tpu.memory_space<hbm>>
      tpu.wait_indirect_dma semaphore(%arg13 : memref<!tpu.dma_semaphore, #tpu.memory_space<semaphore_mem>>) src(%dma_wait3A_242 : memref<10240x16xf32, #tpu.memory_space<hbm>>) dst(%dma_wait3A_236 : memref<128x16xf32, #tpu.memory_space<vmem>>)
      %dma_start3A_243 = arith.constant 1 : i32
      %dma_start3A_244 = arith.constant 0 : i32
      %dma_start3A_245 = arith.constant 0 : i32
      %dma_start3A_246 = tpu.memref_slice %arg9[%dma_start3A_243, %dma_start3A_244, %dma_start3A_245] : memref<8x128x16xf32, #tpu.memory_space<vmem>> -> memref<1x128x16xf32, #tpu.memory_space<vmem>>
      %dma_start3A_247 = tpu.memref_squeeze %dma_start3A_246 : memref<1x128x16xf32, #tpu.memory_space<vmem>> -> memref<128x16xf32, #tpu.memory_space<vmem>>
      %dma_start3A_248 = arith.constant 0 : i32
      %dma_start3A_249 = tpu.memref_slice %arg8[%add3A_230, %dma_start3A_248] : memref<80x128xi32, #tpu.memory_space<vmem>> -> memref<1x128xi32, #tpu.memory_space<vmem>>
      %dma_start3A_250 = tpu.memref_squeeze %dma_start3A_249 : memref<1x128xi32, #tpu.memory_space<vmem>> -> memref<128xi32, #tpu.memory_space<vmem>>
      %dma_start3A_251 = arith.constant 0 : i32
      %dma_start3A_252 = arith.constant 0 : i32
      %dma_start3A_253 = tpu.memref_slice %arg10[%dma_start3A_251, %dma_start3A_252] : memref<10240x16xf32, #tpu.memory_space<vmem_shared>> -> memref<10240x16xf32, #tpu.memory_space<vmem_shared>>
      tpu.enqueue_indirect_dma source(%dma_start3A_247 : memref<128x16xf32, #tpu.memory_space<vmem>>) target(%dma_start3A_253 : memref<10240x16xf32, #tpu.memory_space<vmem_shared>>) offsets(%dma_start3A_250 : memref<128xi32, #tpu.memory_space<vmem>>) semaphore(%arg21 : memref<!tpu.dma_semaphore, #tpu.memory_space<semaphore_mem>>) {add = true}
      %gt3A_254 = arith.constant 0 : i32
      %gt3A_255 = arith.cmpi sgt, %scan3A_183, %gt3A_254 : i32
      %convert_element_type3A_256 = arith.extui %gt3A_255 : i1 to i32
      %cond3A_257 = arith.constant 0 : i32
      %cond3A_258 = arith.cmpi ne, %convert_element_type3A_256, %cond3A_257 : i32
      scf.if %cond3A_258 {
        %dma_wait3A_584 = arith.constant 5 : i32
        %dma_wait3A_585 = arith.constant 0 : i32
        %dma_wait3A_586 = arith.constant 0 : i32
        %dma_wait3A_587 = arith.constant 0 : i32
        %dma_wait3A_588 = tpu.memref_slice %arg9[%dma_wait3A_584, %dma_wait3A_586, %dma_wait3A_587] : memref<8x128x16xf32, #tpu.memory_space<vmem>> -> memref<1x128x16xf32, #tpu.memory_space<vmem>>
        %dma_wait3A_589 = tpu.memref_squeeze %dma_wait3A_588 : memref<1x128x16xf32, #tpu.memory_space<vmem>> -> memref<128x16xf32, #tpu.memory_space<vmem>>
        %dma_wait3A_590 = arith.constant 0 : i32
        %dma_wait3A_591 = tpu.memref_slice %arg8[%dma_wait3A_585, %dma_wait3A_590] : memref<80x128xi32, #tpu.memory_space<vmem>> -> memref<1x128xi32, #tpu.memory_space<vmem>>
        %dma_wait3A_592 = tpu.memref_squeeze %dma_wait3A_591 : memref<1x128xi32, #tpu.memory_space<vmem>> -> memref<128xi32, #tpu.memory_space<vmem>>
        %dma_wait3A_593 = arith.constant 0 : i32
        %dma_wait3A_594 = arith.constant 0 : i32
        %dma_wait3A_595 = tpu.memref_slice %arg10[%dma_wait3A_593, %dma_wait3A_594] : memref<10240x16xf32, #tpu.memory_space<vmem_shared>> -> memref<10240x16xf32, #tpu.memory_space<vmem_shared>>
        tpu.wait_indirect_dma semaphore(%arg25 : memref<!tpu.dma_semaphore, #tpu.memory_space<semaphore_mem>>) src(%dma_wait3A_589 : memref<128x16xf32, #tpu.memory_space<vmem>>) dst(%dma_wait3A_595 : memref<10240x16xf32, #tpu.memory_space<vmem_shared>>)
      } else {
      }
      %add3A_259 = arith.constant 4 : i32
      %add3A_260 = arith.addi %add3A_230, %add3A_259 : i32
      %min3A_261 = arith.constant 79 : i32
      %min3A_262 = arith.minsi %add3A_260, %min3A_261 : i32
      %dma_start3A_263 = arith.constant 5 : i32
      %dma_start3A_264 = arith.constant 0 : i32
      %dma_start3A_265 = arith.constant 0 : i32
      %dma_start3A_266 = tpu.memref_slice %arg9[%dma_start3A_263, %dma_start3A_264, %dma_start3A_265] : memref<8x128x16xf32, #tpu.memory_space<vmem>> -> memref<1x128x16xf32, #tpu.memory_space<vmem>>
      %dma_start3A_267 = tpu.memref_squeeze %dma_start3A_266 : memref<1x128x16xf32, #tpu.memory_space<vmem>> -> memref<128x16xf32, #tpu.memory_space<vmem>>
      %dma_start3A_268 = arith.constant 0 : i32
      %dma_start3A_269 = tpu.memref_slice %arg7[%min3A_262, %dma_start3A_268] : memref<80x128xi32, #tpu.memory_space<vmem>> -> memref<1x128xi32, #tpu.memory_space<vmem>>
      %dma_start3A_270 = tpu.memref_squeeze %dma_start3A_269 : memref<1x128xi32, #tpu.memory_space<vmem>> -> memref<128xi32, #tpu.memory_space<vmem>>
      %dma_start3A_271 = arith.constant 0 : i32
      %dma_start3A_272 = arith.constant 0 : i32
      %dma_start3A_273 = tpu.memref_slice %arg11[%dma_start3A_271, %dma_start3A_272] : memref<10240x16xf32, #tpu.memory_space<vmem_shared>> -> memref<10240x16xf32, #tpu.memory_space<vmem_shared>>
      tpu.enqueue_indirect_dma source(%dma_start3A_273 : memref<10240x16xf32, #tpu.memory_space<vmem_shared>>) target(%dma_start3A_267 : memref<128x16xf32, #tpu.memory_space<vmem>>) offsets(%dma_start3A_270 : memref<128xi32, #tpu.memory_space<vmem>>) semaphore(%arg17 : memref<!tpu.dma_semaphore, #tpu.memory_space<semaphore_mem>>)
      %mul3A_274 = arith.constant 8 : i32
      %mul3A_275 = arith.muli %scan3A_183, %mul3A_274 : i32
      %add3A_276 = arith.constant 2 : i32
      %add3A_277 = arith.addi %mul3A_275, %add3A_276 : i32
      %dma_wait3A_278 = arith.constant 0 : i32
      %dma_wait3A_279 = arith.constant 2 : i32
      %dma_wait3A_280 = arith.constant 0 : i32
      %dma_wait3A_281 = arith.constant 0 : i32
      %dma_wait3A_282 = tpu.memref_slice %arg9[%dma_wait3A_279, %dma_wait3A_280, %dma_wait3A_281] : memref<8x128x16xf32, #tpu.memory_space<vmem>> -> memref<1x128x16xf32, #tpu.memory_space<vmem>>
      %dma_wait3A_283 = tpu.memref_squeeze %dma_wait3A_282 : memref<1x128x16xf32, #tpu.memory_space<vmem>> -> memref<128x16xf32, #tpu.memory_space<vmem>>
      %dma_wait3A_284 = arith.constant 0 : i32
      %dma_wait3A_285 = tpu.memref_slice %arg7[%dma_wait3A_278, %dma_wait3A_284] : memref<80x128xi32, #tpu.memory_space<vmem>> -> memref<1x128xi32, #tpu.memory_space<vmem>>
      %dma_wait3A_286 = tpu.memref_squeeze %dma_wait3A_285 : memref<1x128xi32, #tpu.memory_space<vmem>> -> memref<128xi32, #tpu.memory_space<vmem>>
      %dma_wait3A_287 = arith.constant 0 : i32
      %dma_wait3A_288 = arith.constant 0 : i32
      %dma_wait3A_289 = tpu.memref_slice %arg2[%dma_wait3A_287, %dma_wait3A_288] : memref<10240x16xf32, #tpu.memory_space<hbm>> -> memref<10240x16xf32, #tpu.memory_space<hbm>>
      tpu.wait_indirect_dma semaphore(%arg14 : memref<!tpu.dma_semaphore, #tpu.memory_space<semaphore_mem>>) src(%dma_wait3A_289 : memref<10240x16xf32, #tpu.memory_space<hbm>>) dst(%dma_wait3A_283 : memref<128x16xf32, #tpu.memory_space<vmem>>)
      %dma_start3A_290 = arith.constant 2 : i32
      %dma_start3A_291 = arith.constant 0 : i32
      %dma_start3A_292 = arith.constant 0 : i32
      %dma_start3A_293 = tpu.memref_slice %arg9[%dma_start3A_290, %dma_start3A_291, %dma_start3A_292] : memref<8x128x16xf32, #tpu.memory_space<vmem>> -> memref<1x128x16xf32, #tpu.memory_space<vmem>>
      %dma_start3A_294 = tpu.memref_squeeze %dma_start3A_293 : memref<1x128x16xf32, #tpu.memory_space<vmem>> -> memref<128x16xf32, #tpu.memory_space<vmem>>
      %dma_start3A_295 = arith.constant 0 : i32
      %dma_start3A_296 = tpu.memref_slice %arg8[%add3A_277, %dma_start3A_295] : memref<80x128xi32, #tpu.memory_space<vmem>> -> memref<1x128xi32, #tpu.memory_space<vmem>>
      %dma_start3A_297 = tpu.memref_squeeze %dma_start3A_296 : memref<1x128xi32, #tpu.memory_space<vmem>> -> memref<128xi32, #tpu.memory_space<vmem>>
      %dma_start3A_298 = arith.constant 0 : i32
      %dma_start3A_299 = arith.constant 0 : i32
      %dma_start3A_300 = tpu.memref_slice %arg10[%dma_start3A_298, %dma_start3A_299] : memref<10240x16xf32, #tpu.memory_space<vmem_shared>> -> memref<10240x16xf32, #tpu.memory_space<vmem_shared>>
      tpu.enqueue_indirect_dma source(%dma_start3A_294 : memref<128x16xf32, #tpu.memory_space<vmem>>) target(%dma_start3A_300 : memref<10240x16xf32, #tpu.memory_space<vmem_shared>>) offsets(%dma_start3A_297 : memref<128xi32, #tpu.memory_space<vmem>>) semaphore(%arg22 : memref<!tpu.dma_semaphore, #tpu.memory_space<semaphore_mem>>) {add = true}
      %gt3A_301 = arith.constant 0 : i32
      %gt3A_302 = arith.cmpi sgt, %scan3A_183, %gt3A_301 : i32
      %convert_element_type3A_303 = arith.extui %gt3A_302 : i1 to i32
      %cond3A_304 = arith.constant 0 : i32
      %cond3A_305 = arith.cmpi ne, %convert_element_type3A_303, %cond3A_304 : i32
      scf.if %cond3A_305 {
        %dma_wait3A_584 = arith.constant 6 : i32
        %dma_wait3A_585 = arith.constant 0 : i32
        %dma_wait3A_586 = arith.constant 0 : i32
        %dma_wait3A_587 = arith.constant 0 : i32
        %dma_wait3A_588 = tpu.memref_slice %arg9[%dma_wait3A_584, %dma_wait3A_586, %dma_wait3A_587] : memref<8x128x16xf32, #tpu.memory_space<vmem>> -> memref<1x128x16xf32, #tpu.memory_space<vmem>>
        %dma_wait3A_589 = tpu.memref_squeeze %dma_wait3A_588 : memref<1x128x16xf32, #tpu.memory_space<vmem>> -> memref<128x16xf32, #tpu.memory_space<vmem>>
        %dma_wait3A_590 = arith.constant 0 : i32
        %dma_wait3A_591 = tpu.memref_slice %arg8[%dma_wait3A_585, %dma_wait3A_590] : memref<80x128xi32, #tpu.memory_space<vmem>> -> memref<1x128xi32, #tpu.memory_space<vmem>>
        %dma_wait3A_592 = tpu.memref_squeeze %dma_wait3A_591 : memref<1x128xi32, #tpu.memory_space<vmem>> -> memref<128xi32, #tpu.memory_space<vmem>>
        %dma_wait3A_593 = arith.constant 0 : i32
        %dma_wait3A_594 = arith.constant 0 : i32
        %dma_wait3A_595 = tpu.memref_slice %arg10[%dma_wait3A_593, %dma_wait3A_594] : memref<10240x16xf32, #tpu.memory_space<vmem_shared>> -> memref<10240x16xf32, #tpu.memory_space<vmem_shared>>
        tpu.wait_indirect_dma semaphore(%arg26 : memref<!tpu.dma_semaphore, #tpu.memory_space<semaphore_mem>>) src(%dma_wait3A_589 : memref<128x16xf32, #tpu.memory_space<vmem>>) dst(%dma_wait3A_595 : memref<10240x16xf32, #tpu.memory_space<vmem_shared>>)
      } else {
      }
      %add3A_306 = arith.constant 4 : i32
      %add3A_307 = arith.addi %add3A_277, %add3A_306 : i32
      %min3A_308 = arith.constant 79 : i32
      %min3A_309 = arith.minsi %add3A_307, %min3A_308 : i32
      %dma_start3A_310 = arith.constant 6 : i32
      %dma_start3A_311 = arith.constant 0 : i32
      %dma_start3A_312 = arith.constant 0 : i32
      %dma_start3A_313 = tpu.memref_slice %arg9[%dma_start3A_310, %dma_start3A_311, %dma_start3A_312] : memref<8x128x16xf32, #tpu.memory_space<vmem>> -> memref<1x128x16xf32, #tpu.memory_space<vmem>>
      %dma_start3A_314 = tpu.memref_squeeze %dma_start3A_313 : memref<1x128x16xf32, #tpu.memory_space<vmem>> -> memref<128x16xf32, #tpu.memory_space<vmem>>
      %dma_start3A_315 = arith.constant 0 : i32
      %dma_start3A_316 = tpu.memref_slice %arg7[%min3A_309, %dma_start3A_315] : memref<80x128xi32, #tpu.memory_space<vmem>> -> memref<1x128xi32, #tpu.memory_space<vmem>>
      %dma_start3A_317 = tpu.memref_squeeze %dma_start3A_316 : memref<1x128xi32, #tpu.memory_space<vmem>> -> memref<128xi32, #tpu.memory_space<vmem>>
      %dma_start3A_318 = arith.constant 0 : i32
      %dma_start3A_319 = arith.constant 0 : i32
      %dma_start3A_320 = tpu.memref_slice %arg11[%dma_start3A_318, %dma_start3A_319] : memref<10240x16xf32, #tpu.memory_space<vmem_shared>> -> memref<10240x16xf32, #tpu.memory_space<vmem_shared>>
      tpu.enqueue_indirect_dma source(%dma_start3A_320 : memref<10240x16xf32, #tpu.memory_space<vmem_shared>>) target(%dma_start3A_314 : memref<128x16xf32, #tpu.memory_space<vmem>>) offsets(%dma_start3A_317 : memref<128xi32, #tpu.memory_space<vmem>>) semaphore(%arg18 : memref<!tpu.dma_semaphore, #tpu.memory_space<semaphore_mem>>)
      %mul3A_321 = arith.constant 8 : i32
      %mul3A_322 = arith.muli %scan3A_183, %mul3A_321 : i32
      %add3A_323 = arith.constant 3 : i32
      %add3A_324 = arith.addi %mul3A_322, %add3A_323 : i32
      %dma_wait3A_325 = arith.constant 0 : i32
      %dma_wait3A_326 = arith.constant 3 : i32
      %dma_wait3A_327 = arith.constant 0 : i32
      %dma_wait3A_328 = arith.constant 0 : i32
      %dma_wait3A_329 = tpu.memref_slice %arg9[%dma_wait3A_326, %dma_wait3A_327, %dma_wait3A_328] : memref<8x128x16xf32, #tpu.memory_space<vmem>> -> memref<1x128x16xf32, #tpu.memory_space<vmem>>
      %dma_wait3A_330 = tpu.memref_squeeze %dma_wait3A_329 : memref<1x128x16xf32, #tpu.memory_space<vmem>> -> memref<128x16xf32, #tpu.memory_space<vmem>>
      %dma_wait3A_331 = arith.constant 0 : i32
      %dma_wait3A_332 = tpu.memref_slice %arg7[%dma_wait3A_325, %dma_wait3A_331] : memref<80x128xi32, #tpu.memory_space<vmem>> -> memref<1x128xi32, #tpu.memory_space<vmem>>
      %dma_wait3A_333 = tpu.memref_squeeze %dma_wait3A_332 : memref<1x128xi32, #tpu.memory_space<vmem>> -> memref<128xi32, #tpu.memory_space<vmem>>
      %dma_wait3A_334 = arith.constant 0 : i32
      %dma_wait3A_335 = arith.constant 0 : i32
      %dma_wait3A_336 = tpu.memref_slice %arg2[%dma_wait3A_334, %dma_wait3A_335] : memref<10240x16xf32, #tpu.memory_space<hbm>> -> memref<10240x16xf32, #tpu.memory_space<hbm>>
      tpu.wait_indirect_dma semaphore(%arg15 : memref<!tpu.dma_semaphore, #tpu.memory_space<semaphore_mem>>) src(%dma_wait3A_336 : memref<10240x16xf32, #tpu.memory_space<hbm>>) dst(%dma_wait3A_330 : memref<128x16xf32, #tpu.memory_space<vmem>>)
      %dma_start3A_337 = arith.constant 3 : i32
      %dma_start3A_338 = arith.constant 0 : i32
      %dma_start3A_339 = arith.constant 0 : i32
      %dma_start3A_340 = tpu.memref_slice %arg9[%dma_start3A_337, %dma_start3A_338, %dma_start3A_339] : memref<8x128x16xf32, #tpu.memory_space<vmem>> -> memref<1x128x16xf32, #tpu.memory_space<vmem>>
      %dma_start3A_341 = tpu.memref_squeeze %dma_start3A_340 : memref<1x128x16xf32, #tpu.memory_space<vmem>> -> memref<128x16xf32, #tpu.memory_space<vmem>>
      %dma_start3A_342 = arith.constant 0 : i32
      %dma_start3A_343 = tpu.memref_slice %arg8[%add3A_324, %dma_start3A_342] : memref<80x128xi32, #tpu.memory_space<vmem>> -> memref<1x128xi32, #tpu.memory_space<vmem>>
      %dma_start3A_344 = tpu.memref_squeeze %dma_start3A_343 : memref<1x128xi32, #tpu.memory_space<vmem>> -> memref<128xi32, #tpu.memory_space<vmem>>
      %dma_start3A_345 = arith.constant 0 : i32
      %dma_start3A_346 = arith.constant 0 : i32
      %dma_start3A_347 = tpu.memref_slice %arg10[%dma_start3A_345, %dma_start3A_346] : memref<10240x16xf32, #tpu.memory_space<vmem_shared>> -> memref<10240x16xf32, #tpu.memory_space<vmem_shared>>
      tpu.enqueue_indirect_dma source(%dma_start3A_341 : memref<128x16xf32, #tpu.memory_space<vmem>>) target(%dma_start3A_347 : memref<10240x16xf32, #tpu.memory_space<vmem_shared>>) offsets(%dma_start3A_344 : memref<128xi32, #tpu.memory_space<vmem>>) semaphore(%arg23 : memref<!tpu.dma_semaphore, #tpu.memory_space<semaphore_mem>>) {add = true}
      %gt3A_348 = arith.constant 0 : i32
      %gt3A_349 = arith.cmpi sgt, %scan3A_183, %gt3A_348 : i32
      %convert_element_type3A_350 = arith.extui %gt3A_349 : i1 to i32
      %cond3A_351 = arith.constant 0 : i32
      %cond3A_352 = arith.cmpi ne, %convert_element_type3A_350, %cond3A_351 : i32
      scf.if %cond3A_352 {
        %dma_wait3A_584 = arith.constant 7 : i32
        %dma_wait3A_585 = arith.constant 0 : i32
        %dma_wait3A_586 = arith.constant 0 : i32
        %dma_wait3A_587 = arith.constant 0 : i32
        %dma_wait3A_588 = tpu.memref_slice %arg9[%dma_wait3A_584, %dma_wait3A_586, %dma_wait3A_587] : memref<8x128x16xf32, #tpu.memory_space<vmem>> -> memref<1x128x16xf32, #tpu.memory_space<vmem>>
        %dma_wait3A_589 = tpu.memref_squeeze %dma_wait3A_588 : memref<1x128x16xf32, #tpu.memory_space<vmem>> -> memref<128x16xf32, #tpu.memory_space<vmem>>
        %dma_wait3A_590 = arith.constant 0 : i32
        %dma_wait3A_591 = tpu.memref_slice %arg8[%dma_wait3A_585, %dma_wait3A_590] : memref<80x128xi32, #tpu.memory_space<vmem>> -> memref<1x128xi32, #tpu.memory_space<vmem>>
        %dma_wait3A_592 = tpu.memref_squeeze %dma_wait3A_591 : memref<1x128xi32, #tpu.memory_space<vmem>> -> memref<128xi32, #tpu.memory_space<vmem>>
        %dma_wait3A_593 = arith.constant 0 : i32
        %dma_wait3A_594 = arith.constant 0 : i32
        %dma_wait3A_595 = tpu.memref_slice %arg10[%dma_wait3A_593, %dma_wait3A_594] : memref<10240x16xf32, #tpu.memory_space<vmem_shared>> -> memref<10240x16xf32, #tpu.memory_space<vmem_shared>>
        tpu.wait_indirect_dma semaphore(%arg27 : memref<!tpu.dma_semaphore, #tpu.memory_space<semaphore_mem>>) src(%dma_wait3A_589 : memref<128x16xf32, #tpu.memory_space<vmem>>) dst(%dma_wait3A_595 : memref<10240x16xf32, #tpu.memory_space<vmem_shared>>)
      } else {
      }
      %add3A_353 = arith.constant 4 : i32
      %add3A_354 = arith.addi %add3A_324, %add3A_353 : i32
      %min3A_355 = arith.constant 79 : i32
      %min3A_356 = arith.minsi %add3A_354, %min3A_355 : i32
      %dma_start3A_357 = arith.constant 7 : i32
      %dma_start3A_358 = arith.constant 0 : i32
      %dma_start3A_359 = arith.constant 0 : i32
      %dma_start3A_360 = tpu.memref_slice %arg9[%dma_start3A_357, %dma_start3A_358, %dma_start3A_359] : memref<8x128x16xf32, #tpu.memory_space<vmem>> -> memref<1x128x16xf32, #tpu.memory_space<vmem>>
      %dma_start3A_361 = tpu.memref_squeeze %dma_start3A_360 : memref<1x128x16xf32, #tpu.memory_space<vmem>> -> memref<128x16xf32, #tpu.memory_space<vmem>>
      %dma_start3A_362 = arith.constant 0 : i32
      %dma_start3A_363 = tpu.memref_slice %arg7[%min3A_356, %dma_start3A_362] : memref<80x128xi32, #tpu.memory_space<vmem>> -> memref<1x128xi32, #tpu.memory_space<vmem>>
      %dma_start3A_364 = tpu.memref_squeeze %dma_start3A_363 : memref<1x128xi32, #tpu.memory_space<vmem>> -> memref<128xi32, #tpu.memory_space<vmem>>
      %dma_start3A_365 = arith.constant 0 : i32
      %dma_start3A_366 = arith.constant 0 : i32
      %dma_start3A_367 = tpu.memref_slice %arg11[%dma_start3A_365, %dma_start3A_366] : memref<10240x16xf32, #tpu.memory_space<vmem_shared>> -> memref<10240x16xf32, #tpu.memory_space<vmem_shared>>
      tpu.enqueue_indirect_dma source(%dma_start3A_367 : memref<10240x16xf32, #tpu.memory_space<vmem_shared>>) target(%dma_start3A_361 : memref<128x16xf32, #tpu.memory_space<vmem>>) offsets(%dma_start3A_364 : memref<128xi32, #tpu.memory_space<vmem>>) semaphore(%arg19 : memref<!tpu.dma_semaphore, #tpu.memory_space<semaphore_mem>>)
      %mul3A_368 = arith.constant 8 : i32
      %mul3A_369 = arith.muli %scan3A_183, %mul3A_368 : i32
      %add3A_370 = arith.constant 4 : i32
      %add3A_371 = arith.addi %mul3A_369, %add3A_370 : i32
      %dma_wait3A_372 = arith.constant 0 : i32
      %dma_wait3A_373 = arith.constant 4 : i32
      %dma_wait3A_374 = arith.constant 0 : i32
      %dma_wait3A_375 = arith.constant 0 : i32
      %dma_wait3A_376 = tpu.memref_slice %arg9[%dma_wait3A_373, %dma_wait3A_374, %dma_wait3A_375] : memref<8x128x16xf32, #tpu.memory_space<vmem>> -> memref<1x128x16xf32, #tpu.memory_space<vmem>>
      %dma_wait3A_377 = tpu.memref_squeeze %dma_wait3A_376 : memref<1x128x16xf32, #tpu.memory_space<vmem>> -> memref<128x16xf32, #tpu.memory_space<vmem>>
      %dma_wait3A_378 = arith.constant 0 : i32
      %dma_wait3A_379 = tpu.memref_slice %arg7[%dma_wait3A_372, %dma_wait3A_378] : memref<80x128xi32, #tpu.memory_space<vmem>> -> memref<1x128xi32, #tpu.memory_space<vmem>>
      %dma_wait3A_380 = tpu.memref_squeeze %dma_wait3A_379 : memref<1x128xi32, #tpu.memory_space<vmem>> -> memref<128xi32, #tpu.memory_space<vmem>>
      %dma_wait3A_381 = arith.constant 0 : i32
      %dma_wait3A_382 = arith.constant 0 : i32
      %dma_wait3A_383 = tpu.memref_slice %arg2[%dma_wait3A_381, %dma_wait3A_382] : memref<10240x16xf32, #tpu.memory_space<hbm>> -> memref<10240x16xf32, #tpu.memory_space<hbm>>
      tpu.wait_indirect_dma semaphore(%arg16 : memref<!tpu.dma_semaphore, #tpu.memory_space<semaphore_mem>>) src(%dma_wait3A_383 : memref<10240x16xf32, #tpu.memory_space<hbm>>) dst(%dma_wait3A_377 : memref<128x16xf32, #tpu.memory_space<vmem>>)
      %dma_start3A_384 = arith.constant 4 : i32
      %dma_start3A_385 = arith.constant 0 : i32
      %dma_start3A_386 = arith.constant 0 : i32
      %dma_start3A_387 = tpu.memref_slice %arg9[%dma_start3A_384, %dma_start3A_385, %dma_start3A_386] : memref<8x128x16xf32, #tpu.memory_space<vmem>> -> memref<1x128x16xf32, #tpu.memory_space<vmem>>
      %dma_start3A_388 = tpu.memref_squeeze %dma_start3A_387 : memref<1x128x16xf32, #tpu.memory_space<vmem>> -> memref<128x16xf32, #tpu.memory_space<vmem>>
      %dma_start3A_389 = arith.constant 0 : i32
      %dma_start3A_390 = tpu.memref_slice %arg8[%add3A_371, %dma_start3A_389] : memref<80x128xi32, #tpu.memory_space<vmem>> -> memref<1x128xi32, #tpu.memory_space<vmem>>
      %dma_start3A_391 = tpu.memref_squeeze %dma_start3A_390 : memref<1x128xi32, #tpu.memory_space<vmem>> -> memref<128xi32, #tpu.memory_space<vmem>>
      %dma_start3A_392 = arith.constant 0 : i32
      %dma_start3A_393 = arith.constant 0 : i32
      %dma_start3A_394 = tpu.memref_slice %arg10[%dma_start3A_392, %dma_start3A_393] : memref<10240x16xf32, #tpu.memory_space<vmem_shared>> -> memref<10240x16xf32, #tpu.memory_space<vmem_shared>>
      tpu.enqueue_indirect_dma source(%dma_start3A_388 : memref<128x16xf32, #tpu.memory_space<vmem>>) target(%dma_start3A_394 : memref<10240x16xf32, #tpu.memory_space<vmem_shared>>) offsets(%dma_start3A_391 : memref<128xi32, #tpu.memory_space<vmem>>) semaphore(%arg24 : memref<!tpu.dma_semaphore, #tpu.memory_space<semaphore_mem>>) {add = true}
      %dma_wait3A_395 = arith.constant 0 : i32
      %dma_wait3A_396 = arith.constant 0 : i32
      %dma_wait3A_397 = arith.constant 0 : i32
      %dma_wait3A_398 = arith.constant 0 : i32
      %dma_wait3A_399 = tpu.memref_slice %arg9[%dma_wait3A_395, %dma_wait3A_397, %dma_wait3A_398] : memref<8x128x16xf32, #tpu.memory_space<vmem>> -> memref<1x128x16xf32, #tpu.memory_space<vmem>>
      %dma_wait3A_400 = tpu.memref_squeeze %dma_wait3A_399 : memref<1x128x16xf32, #tpu.memory_space<vmem>> -> memref<128x16xf32, #tpu.memory_space<vmem>>
      %dma_wait3A_401 = arith.constant 0 : i32
      %dma_wait3A_402 = tpu.memref_slice %arg8[%dma_wait3A_396, %dma_wait3A_401] : memref<80x128xi32, #tpu.memory_space<vmem>> -> memref<1x128xi32, #tpu.memory_space<vmem>>
      %dma_wait3A_403 = tpu.memref_squeeze %dma_wait3A_402 : memref<1x128xi32, #tpu.memory_space<vmem>> -> memref<128xi32, #tpu.memory_space<vmem>>
      %dma_wait3A_404 = arith.constant 0 : i32
      %dma_wait3A_405 = arith.constant 0 : i32
      %dma_wait3A_406 = tpu.memref_slice %arg10[%dma_wait3A_404, %dma_wait3A_405] : memref<10240x16xf32, #tpu.memory_space<vmem_shared>> -> memref<10240x16xf32, #tpu.memory_space<vmem_shared>>
      tpu.wait_indirect_dma semaphore(%arg20 : memref<!tpu.dma_semaphore, #tpu.memory_space<semaphore_mem>>) src(%dma_wait3A_400 : memref<128x16xf32, #tpu.memory_space<vmem>>) dst(%dma_wait3A_406 : memref<10240x16xf32, #tpu.memory_space<vmem_shared>>)
      %add3A_407 = arith.constant 4 : i32
      %add3A_408 = arith.addi %add3A_371, %add3A_407 : i32
      %min3A_409 = arith.constant 79 : i32
      %min3A_410 = arith.minsi %add3A_408, %min3A_409 : i32
      %dma_start3A_411 = arith.constant 0 : i32
      %dma_start3A_412 = arith.constant 0 : i32
      %dma_start3A_413 = arith.constant 0 : i32
      %dma_start3A_414 = tpu.memref_slice %arg9[%dma_start3A_411, %dma_start3A_412, %dma_start3A_413] : memref<8x128x16xf32, #tpu.memory_space<vmem>> -> memref<1x128x16xf32, #tpu.memory_space<vmem>>
      %dma_start3A_415 = tpu.memref_squeeze %dma_start3A_414 : memref<1x128x16xf32, #tpu.memory_space<vmem>> -> memref<128x16xf32, #tpu.memory_space<vmem>>
      %dma_start3A_416 = arith.constant 0 : i32
      %dma_start3A_417 = tpu.memref_slice %arg7[%min3A_410, %dma_start3A_416] : memref<80x128xi32, #tpu.memory_space<vmem>> -> memref<1x128xi32, #tpu.memory_space<vmem>>
      %dma_start3A_418 = tpu.memref_squeeze %dma_start3A_417 : memref<1x128xi32, #tpu.memory_space<vmem>> -> memref<128xi32, #tpu.memory_space<vmem>>
      %dma_start3A_419 = arith.constant 0 : i32
      %dma_start3A_420 = arith.constant 0 : i32
      %dma_start3A_421 = tpu.memref_slice %arg11[%dma_start3A_419, %dma_start3A_420] : memref<10240x16xf32, #tpu.memory_space<vmem_shared>> -> memref<10240x16xf32, #tpu.memory_space<vmem_shared>>
      tpu.enqueue_indirect_dma source(%dma_start3A_421 : memref<10240x16xf32, #tpu.memory_space<vmem_shared>>) target(%dma_start3A_415 : memref<128x16xf32, #tpu.memory_space<vmem>>) offsets(%dma_start3A_418 : memref<128xi32, #tpu.memory_space<vmem>>) semaphore(%arg12 : memref<!tpu.dma_semaphore, #tpu.memory_space<semaphore_mem>>)
      %mul3A_422 = arith.constant 8 : i32
      %mul3A_423 = arith.muli %scan3A_183, %mul3A_422 : i32
      %add3A_424 = arith.constant 5 : i32
      %add3A_425 = arith.addi %mul3A_423, %add3A_424 : i32
      %dma_wait3A_426 = arith.constant 0 : i32
      %dma_wait3A_427 = arith.constant 5 : i32
      %dma_wait3A_428 = arith.constant 0 : i32
      %dma_wait3A_429 = arith.constant 0 : i32
      %dma_wait3A_430 = tpu.memref_slice %arg9[%dma_wait3A_427, %dma_wait3A_428, %dma_wait3A_429] : memref<8x128x16xf32, #tpu.memory_space<vmem>> -> memref<1x128x16xf32, #tpu.memory_space<vmem>>
      %dma_wait3A_431 = tpu.memref_squeeze %dma_wait3A_430 : memref<1x128x16xf32, #tpu.memory_space<vmem>> -> memref<128x16xf32, #tpu.memory_space<vmem>>
      %dma_wait3A_432 = arith.constant 0 : i32
      %dma_wait3A_433 = tpu.memref_slice %arg7[%dma_wait3A_426, %dma_wait3A_432] : memref<80x128xi32, #tpu.memory_space<vmem>> -> memref<1x128xi32, #tpu.memory_space<vmem>>
      %dma_wait3A_434 = tpu.memref_squeeze %dma_wait3A_433 : memref<1x128xi32, #tpu.memory_space<vmem>> -> memref<128xi32, #tpu.memory_space<vmem>>
      %dma_wait3A_435 = arith.constant 0 : i32
      %dma_wait3A_436 = arith.constant 0 : i32
      %dma_wait3A_437 = tpu.memref_slice %arg2[%dma_wait3A_435, %dma_wait3A_436] : memref<10240x16xf32, #tpu.memory_space<hbm>> -> memref<10240x16xf32, #tpu.memory_space<hbm>>
      tpu.wait_indirect_dma semaphore(%arg17 : memref<!tpu.dma_semaphore, #tpu.memory_space<semaphore_mem>>) src(%dma_wait3A_437 : memref<10240x16xf32, #tpu.memory_space<hbm>>) dst(%dma_wait3A_431 : memref<128x16xf32, #tpu.memory_space<vmem>>)
      %dma_start3A_438 = arith.constant 5 : i32
      %dma_start3A_439 = arith.constant 0 : i32
      %dma_start3A_440 = arith.constant 0 : i32
      %dma_start3A_441 = tpu.memref_slice %arg9[%dma_start3A_438, %dma_start3A_439, %dma_start3A_440] : memref<8x128x16xf32, #tpu.memory_space<vmem>> -> memref<1x128x16xf32, #tpu.memory_space<vmem>>
      %dma_start3A_442 = tpu.memref_squeeze %dma_start3A_441 : memref<1x128x16xf32, #tpu.memory_space<vmem>> -> memref<128x16xf32, #tpu.memory_space<vmem>>
      %dma_start3A_443 = arith.constant 0 : i32
      %dma_start3A_444 = tpu.memref_slice %arg8[%add3A_425, %dma_start3A_443] : memref<80x128xi32, #tpu.memory_space<vmem>> -> memref<1x128xi32, #tpu.memory_space<vmem>>
      %dma_start3A_445 = tpu.memref_squeeze %dma_start3A_444 : memref<1x128xi32, #tpu.memory_space<vmem>> -> memref<128xi32, #tpu.memory_space<vmem>>
      %dma_start3A_446 = arith.constant 0 : i32
      %dma_start3A_447 = arith.constant 0 : i32
      %dma_start3A_448 = tpu.memref_slice %arg10[%dma_start3A_446, %dma_start3A_447] : memref<10240x16xf32, #tpu.memory_space<vmem_shared>> -> memref<10240x16xf32, #tpu.memory_space<vmem_shared>>
      tpu.enqueue_indirect_dma source(%dma_start3A_442 : memref<128x16xf32, #tpu.memory_space<vmem>>) target(%dma_start3A_448 : memref<10240x16xf32, #tpu.memory_space<vmem_shared>>) offsets(%dma_start3A_445 : memref<128xi32, #tpu.memory_space<vmem>>) semaphore(%arg25 : memref<!tpu.dma_semaphore, #tpu.memory_space<semaphore_mem>>) {add = true}
      %dma_wait3A_449 = arith.constant 1 : i32
      %dma_wait3A_450 = arith.constant 0 : i32
      %dma_wait3A_451 = arith.constant 0 : i32
      %dma_wait3A_452 = arith.constant 0 : i32
      %dma_wait3A_453 = tpu.memref_slice %arg9[%dma_wait3A_449, %dma_wait3A_451, %dma_wait3A_452] : memref<8x128x16xf32, #tpu.memory_space<vmem>> -> memref<1x128x16xf32, #tpu.memory_space<vmem>>
      %dma_wait3A_454 = tpu.memref_squeeze %dma_wait3A_453 : memref<1x128x16xf32, #tpu.memory_space<vmem>> -> memref<128x16xf32, #tpu.memory_space<vmem>>
      %dma_wait3A_455 = arith.constant 0 : i32
      %dma_wait3A_456 = tpu.memref_slice %arg8[%dma_wait3A_450, %dma_wait3A_455] : memref<80x128xi32, #tpu.memory_space<vmem>> -> memref<1x128xi32, #tpu.memory_space<vmem>>
      %dma_wait3A_457 = tpu.memref_squeeze %dma_wait3A_456 : memref<1x128xi32, #tpu.memory_space<vmem>> -> memref<128xi32, #tpu.memory_space<vmem>>
      %dma_wait3A_458 = arith.constant 0 : i32
      %dma_wait3A_459 = arith.constant 0 : i32
      %dma_wait3A_460 = tpu.memref_slice %arg10[%dma_wait3A_458, %dma_wait3A_459] : memref<10240x16xf32, #tpu.memory_space<vmem_shared>> -> memref<10240x16xf32, #tpu.memory_space<vmem_shared>>
      tpu.wait_indirect_dma semaphore(%arg21 : memref<!tpu.dma_semaphore, #tpu.memory_space<semaphore_mem>>) src(%dma_wait3A_454 : memref<128x16xf32, #tpu.memory_space<vmem>>) dst(%dma_wait3A_460 : memref<10240x16xf32, #tpu.memory_space<vmem_shared>>)
      %add3A_461 = arith.constant 4 : i32
      %add3A_462 = arith.addi %add3A_425, %add3A_461 : i32
      %min3A_463 = arith.constant 79 : i32
      %min3A_464 = arith.minsi %add3A_462, %min3A_463 : i32
      %dma_start3A_465 = arith.constant 1 : i32
      %dma_start3A_466 = arith.constant 0 : i32
      %dma_start3A_467 = arith.constant 0 : i32
      %dma_start3A_468 = tpu.memref_slice %arg9[%dma_start3A_465, %dma_start3A_466, %dma_start3A_467] : memref<8x128x16xf32, #tpu.memory_space<vmem>> -> memref<1x128x16xf32, #tpu.memory_space<vmem>>
      %dma_start3A_469 = tpu.memref_squeeze %dma_start3A_468 : memref<1x128x16xf32, #tpu.memory_space<vmem>> -> memref<128x16xf32, #tpu.memory_space<vmem>>
      %dma_start3A_470 = arith.constant 0 : i32
      %dma_start3A_471 = tpu.memref_slice %arg7[%min3A_464, %dma_start3A_470] : memref<80x128xi32, #tpu.memory_space<vmem>> -> memref<1x128xi32, #tpu.memory_space<vmem>>
      %dma_start3A_472 = tpu.memref_squeeze %dma_start3A_471 : memref<1x128xi32, #tpu.memory_space<vmem>> -> memref<128xi32, #tpu.memory_space<vmem>>
      %dma_start3A_473 = arith.constant 0 : i32
      %dma_start3A_474 = arith.constant 0 : i32
      %dma_start3A_475 = tpu.memref_slice %arg11[%dma_start3A_473, %dma_start3A_474] : memref<10240x16xf32, #tpu.memory_space<vmem_shared>> -> memref<10240x16xf32, #tpu.memory_space<vmem_shared>>
      tpu.enqueue_indirect_dma source(%dma_start3A_475 : memref<10240x16xf32, #tpu.memory_space<vmem_shared>>) target(%dma_start3A_469 : memref<128x16xf32, #tpu.memory_space<vmem>>) offsets(%dma_start3A_472 : memref<128xi32, #tpu.memory_space<vmem>>) semaphore(%arg13 : memref<!tpu.dma_semaphore, #tpu.memory_space<semaphore_mem>>)
      %mul3A_476 = arith.constant 8 : i32
      %mul3A_477 = arith.muli %scan3A_183, %mul3A_476 : i32
      %add3A_478 = arith.constant 6 : i32
      %add3A_479 = arith.addi %mul3A_477, %add3A_478 : i32
      %dma_wait3A_480 = arith.constant 0 : i32
      %dma_wait3A_481 = arith.constant 6 : i32
      %dma_wait3A_482 = arith.constant 0 : i32
      %dma_wait3A_483 = arith.constant 0 : i32
      %dma_wait3A_484 = tpu.memref_slice %arg9[%dma_wait3A_481, %dma_wait3A_482, %dma_wait3A_483] : memref<8x128x16xf32, #tpu.memory_space<vmem>> -> memref<1x128x16xf32, #tpu.memory_space<vmem>>
      %dma_wait3A_485 = tpu.memref_squeeze %dma_wait3A_484 : memref<1x128x16xf32, #tpu.memory_space<vmem>> -> memref<128x16xf32, #tpu.memory_space<vmem>>
      %dma_wait3A_486 = arith.constant 0 : i32
      %dma_wait3A_487 = tpu.memref_slice %arg7[%dma_wait3A_480, %dma_wait3A_486] : memref<80x128xi32, #tpu.memory_space<vmem>> -> memref<1x128xi32, #tpu.memory_space<vmem>>
      %dma_wait3A_488 = tpu.memref_squeeze %dma_wait3A_487 : memref<1x128xi32, #tpu.memory_space<vmem>> -> memref<128xi32, #tpu.memory_space<vmem>>
      %dma_wait3A_489 = arith.constant 0 : i32
      %dma_wait3A_490 = arith.constant 0 : i32
      %dma_wait3A_491 = tpu.memref_slice %arg2[%dma_wait3A_489, %dma_wait3A_490] : memref<10240x16xf32, #tpu.memory_space<hbm>> -> memref<10240x16xf32, #tpu.memory_space<hbm>>
      tpu.wait_indirect_dma semaphore(%arg18 : memref<!tpu.dma_semaphore, #tpu.memory_space<semaphore_mem>>) src(%dma_wait3A_491 : memref<10240x16xf32, #tpu.memory_space<hbm>>) dst(%dma_wait3A_485 : memref<128x16xf32, #tpu.memory_space<vmem>>)
      %dma_start3A_492 = arith.constant 6 : i32
      %dma_start3A_493 = arith.constant 0 : i32
      %dma_start3A_494 = arith.constant 0 : i32
      %dma_start3A_495 = tpu.memref_slice %arg9[%dma_start3A_492, %dma_start3A_493, %dma_start3A_494] : memref<8x128x16xf32, #tpu.memory_space<vmem>> -> memref<1x128x16xf32, #tpu.memory_space<vmem>>
      %dma_start3A_496 = tpu.memref_squeeze %dma_start3A_495 : memref<1x128x16xf32, #tpu.memory_space<vmem>> -> memref<128x16xf32, #tpu.memory_space<vmem>>
      %dma_start3A_497 = arith.constant 0 : i32
      %dma_start3A_498 = tpu.memref_slice %arg8[%add3A_479, %dma_start3A_497] : memref<80x128xi32, #tpu.memory_space<vmem>> -> memref<1x128xi32, #tpu.memory_space<vmem>>
      %dma_start3A_499 = tpu.memref_squeeze %dma_start3A_498 : memref<1x128xi32, #tpu.memory_space<vmem>> -> memref<128xi32, #tpu.memory_space<vmem>>
      %dma_start3A_500 = arith.constant 0 : i32
      %dma_start3A_501 = arith.constant 0 : i32
      %dma_start3A_502 = tpu.memref_slice %arg10[%dma_start3A_500, %dma_start3A_501] : memref<10240x16xf32, #tpu.memory_space<vmem_shared>> -> memref<10240x16xf32, #tpu.memory_space<vmem_shared>>
      tpu.enqueue_indirect_dma source(%dma_start3A_496 : memref<128x16xf32, #tpu.memory_space<vmem>>) target(%dma_start3A_502 : memref<10240x16xf32, #tpu.memory_space<vmem_shared>>) offsets(%dma_start3A_499 : memref<128xi32, #tpu.memory_space<vmem>>) semaphore(%arg26 : memref<!tpu.dma_semaphore, #tpu.memory_space<semaphore_mem>>) {add = true}
      %dma_wait3A_503 = arith.constant 2 : i32
      %dma_wait3A_504 = arith.constant 0 : i32
      %dma_wait3A_505 = arith.constant 0 : i32
      %dma_wait3A_506 = arith.constant 0 : i32
      %dma_wait3A_507 = tpu.memref_slice %arg9[%dma_wait3A_503, %dma_wait3A_505, %dma_wait3A_506] : memref<8x128x16xf32, #tpu.memory_space<vmem>> -> memref<1x128x16xf32, #tpu.memory_space<vmem>>
      %dma_wait3A_508 = tpu.memref_squeeze %dma_wait3A_507 : memref<1x128x16xf32, #tpu.memory_space<vmem>> -> memref<128x16xf32, #tpu.memory_space<vmem>>
      %dma_wait3A_509 = arith.constant 0 : i32
      %dma_wait3A_510 = tpu.memref_slice %arg8[%dma_wait3A_504, %dma_wait3A_509] : memref<80x128xi32, #tpu.memory_space<vmem>> -> memref<1x128xi32, #tpu.memory_space<vmem>>
      %dma_wait3A_511 = tpu.memref_squeeze %dma_wait3A_510 : memref<1x128xi32, #tpu.memory_space<vmem>> -> memref<128xi32, #tpu.memory_space<vmem>>
      %dma_wait3A_512 = arith.constant 0 : i32
      %dma_wait3A_513 = arith.constant 0 : i32
      %dma_wait3A_514 = tpu.memref_slice %arg10[%dma_wait3A_512, %dma_wait3A_513] : memref<10240x16xf32, #tpu.memory_space<vmem_shared>> -> memref<10240x16xf32, #tpu.memory_space<vmem_shared>>
      tpu.wait_indirect_dma semaphore(%arg22 : memref<!tpu.dma_semaphore, #tpu.memory_space<semaphore_mem>>) src(%dma_wait3A_508 : memref<128x16xf32, #tpu.memory_space<vmem>>) dst(%dma_wait3A_514 : memref<10240x16xf32, #tpu.memory_space<vmem_shared>>)
      %add3A_515 = arith.constant 4 : i32
      %add3A_516 = arith.addi %add3A_479, %add3A_515 : i32
      %min3A_517 = arith.constant 79 : i32
      %min3A_518 = arith.minsi %add3A_516, %min3A_517 : i32
      %dma_start3A_519 = arith.constant 2 : i32
      %dma_start3A_520 = arith.constant 0 : i32
      %dma_start3A_521 = arith.constant 0 : i32
      %dma_start3A_522 = tpu.memref_slice %arg9[%dma_start3A_519, %dma_start3A_520, %dma_start3A_521] : memref<8x128x16xf32, #tpu.memory_space<vmem>> -> memref<1x128x16xf32, #tpu.memory_space<vmem>>
      %dma_start3A_523 = tpu.memref_squeeze %dma_start3A_522 : memref<1x128x16xf32, #tpu.memory_space<vmem>> -> memref<128x16xf32, #tpu.memory_space<vmem>>
      %dma_start3A_524 = arith.constant 0 : i32
      %dma_start3A_525 = tpu.memref_slice %arg7[%min3A_518, %dma_start3A_524] : memref<80x128xi32, #tpu.memory_space<vmem>> -> memref<1x128xi32, #tpu.memory_space<vmem>>
      %dma_start3A_526 = tpu.memref_squeeze %dma_start3A_525 : memref<1x128xi32, #tpu.memory_space<vmem>> -> memref<128xi32, #tpu.memory_space<vmem>>
      %dma_start3A_527 = arith.constant 0 : i32
      %dma_start3A_528 = arith.constant 0 : i32
      %dma_start3A_529 = tpu.memref_slice %arg11[%dma_start3A_527, %dma_start3A_528] : memref<10240x16xf32, #tpu.memory_space<vmem_shared>> -> memref<10240x16xf32, #tpu.memory_space<vmem_shared>>
      tpu.enqueue_indirect_dma source(%dma_start3A_529 : memref<10240x16xf32, #tpu.memory_space<vmem_shared>>) target(%dma_start3A_523 : memref<128x16xf32, #tpu.memory_space<vmem>>) offsets(%dma_start3A_526 : memref<128xi32, #tpu.memory_space<vmem>>) semaphore(%arg14 : memref<!tpu.dma_semaphore, #tpu.memory_space<semaphore_mem>>)
      %mul3A_530 = arith.constant 8 : i32
      %mul3A_531 = arith.muli %scan3A_183, %mul3A_530 : i32
      %add3A_532 = arith.constant 7 : i32
      %add3A_533 = arith.addi %mul3A_531, %add3A_532 : i32
      %dma_wait3A_534 = arith.constant 0 : i32
      %dma_wait3A_535 = arith.constant 7 : i32
      %dma_wait3A_536 = arith.constant 0 : i32
      %dma_wait3A_537 = arith.constant 0 : i32
      %dma_wait3A_538 = tpu.memref_slice %arg9[%dma_wait3A_535, %dma_wait3A_536, %dma_wait3A_537] : memref<8x128x16xf32, #tpu.memory_space<vmem>> -> memref<1x128x16xf32, #tpu.memory_space<vmem>>
      %dma_wait3A_539 = tpu.memref_squeeze %dma_wait3A_538 : memref<1x128x16xf32, #tpu.memory_space<vmem>> -> memref<128x16xf32, #tpu.memory_space<vmem>>
      %dma_wait3A_540 = arith.constant 0 : i32
      %dma_wait3A_541 = tpu.memref_slice %arg7[%dma_wait3A_534, %dma_wait3A_540] : memref<80x128xi32, #tpu.memory_space<vmem>> -> memref<1x128xi32, #tpu.memory_space<vmem>>
      %dma_wait3A_542 = tpu.memref_squeeze %dma_wait3A_541 : memref<1x128xi32, #tpu.memory_space<vmem>> -> memref<128xi32, #tpu.memory_space<vmem>>
      %dma_wait3A_543 = arith.constant 0 : i32
      %dma_wait3A_544 = arith.constant 0 : i32
      %dma_wait3A_545 = tpu.memref_slice %arg2[%dma_wait3A_543, %dma_wait3A_544] : memref<10240x16xf32, #tpu.memory_space<hbm>> -> memref<10240x16xf32, #tpu.memory_space<hbm>>
      tpu.wait_indirect_dma semaphore(%arg19 : memref<!tpu.dma_semaphore, #tpu.memory_space<semaphore_mem>>) src(%dma_wait3A_545 : memref<10240x16xf32, #tpu.memory_space<hbm>>) dst(%dma_wait3A_539 : memref<128x16xf32, #tpu.memory_space<vmem>>)
      %dma_start3A_546 = arith.constant 7 : i32
      %dma_start3A_547 = arith.constant 0 : i32
      %dma_start3A_548 = arith.constant 0 : i32
      %dma_start3A_549 = tpu.memref_slice %arg9[%dma_start3A_546, %dma_start3A_547, %dma_start3A_548] : memref<8x128x16xf32, #tpu.memory_space<vmem>> -> memref<1x128x16xf32, #tpu.memory_space<vmem>>
      %dma_start3A_550 = tpu.memref_squeeze %dma_start3A_549 : memref<1x128x16xf32, #tpu.memory_space<vmem>> -> memref<128x16xf32, #tpu.memory_space<vmem>>
      %dma_start3A_551 = arith.constant 0 : i32
      %dma_start3A_552 = tpu.memref_slice %arg8[%add3A_533, %dma_start3A_551] : memref<80x128xi32, #tpu.memory_space<vmem>> -> memref<1x128xi32, #tpu.memory_space<vmem>>
      %dma_start3A_553 = tpu.memref_squeeze %dma_start3A_552 : memref<1x128xi32, #tpu.memory_space<vmem>> -> memref<128xi32, #tpu.memory_space<vmem>>
      %dma_start3A_554 = arith.constant 0 : i32
      %dma_start3A_555 = arith.constant 0 : i32
      %dma_start3A_556 = tpu.memref_slice %arg10[%dma_start3A_554, %dma_start3A_555] : memref<10240x16xf32, #tpu.memory_space<vmem_shared>> -> memref<10240x16xf32, #tpu.memory_space<vmem_shared>>
      tpu.enqueue_indirect_dma source(%dma_start3A_550 : memref<128x16xf32, #tpu.memory_space<vmem>>) target(%dma_start3A_556 : memref<10240x16xf32, #tpu.memory_space<vmem_shared>>) offsets(%dma_start3A_553 : memref<128xi32, #tpu.memory_space<vmem>>) semaphore(%arg27 : memref<!tpu.dma_semaphore, #tpu.memory_space<semaphore_mem>>) {add = true}
      %dma_wait3A_557 = arith.constant 3 : i32
      %dma_wait3A_558 = arith.constant 0 : i32
      %dma_wait3A_559 = arith.constant 0 : i32
      %dma_wait3A_560 = arith.constant 0 : i32
      %dma_wait3A_561 = tpu.memref_slice %arg9[%dma_wait3A_557, %dma_wait3A_559, %dma_wait3A_560] : memref<8x128x16xf32, #tpu.memory_space<vmem>> -> memref<1x128x16xf32, #tpu.memory_space<vmem>>
      %dma_wait3A_562 = tpu.memref_squeeze %dma_wait3A_561 : memref<1x128x16xf32, #tpu.memory_space<vmem>> -> memref<128x16xf32, #tpu.memory_space<vmem>>
      %dma_wait3A_563 = arith.constant 0 : i32
      %dma_wait3A_564 = tpu.memref_slice %arg8[%dma_wait3A_558, %dma_wait3A_563] : memref<80x128xi32, #tpu.memory_space<vmem>> -> memref<1x128xi32, #tpu.memory_space<vmem>>
      %dma_wait3A_565 = tpu.memref_squeeze %dma_wait3A_564 : memref<1x128xi32, #tpu.memory_space<vmem>> -> memref<128xi32, #tpu.memory_space<vmem>>
      %dma_wait3A_566 = arith.constant 0 : i32
      %dma_wait3A_567 = arith.constant 0 : i32
      %dma_wait3A_568 = tpu.memref_slice %arg10[%dma_wait3A_566, %dma_wait3A_567] : memref<10240x16xf32, #tpu.memory_space<vmem_shared>> -> memref<10240x16xf32, #tpu.memory_space<vmem_shared>>
      tpu.wait_indirect_dma semaphore(%arg23 : memref<!tpu.dma_semaphore, #tpu.memory_space<semaphore_mem>>) src(%dma_wait3A_562 : memref<128x16xf32, #tpu.memory_space<vmem>>) dst(%dma_wait3A_568 : memref<10240x16xf32, #tpu.memory_space<vmem_shared>>)
      %add3A_569 = arith.constant 4 : i32
      %add3A_570 = arith.addi %add3A_533, %add3A_569 : i32
      %min3A_571 = arith.constant 79 : i32
      %min3A_572 = arith.minsi %add3A_570, %min3A_571 : i32
      %dma_start3A_573 = arith.constant 3 : i32
      %dma_start3A_574 = arith.constant 0 : i32
      %dma_start3A_575 = arith.constant 0 : i32
      %dma_start3A_576 = tpu.memref_slice %arg9[%dma_start3A_573, %dma_start3A_574, %dma_start3A_575] : memref<8x128x16xf32, #tpu.memory_space<vmem>> -> memref<1x128x16xf32, #tpu.memory_space<vmem>>
      %dma_start3A_577 = tpu.memref_squeeze %dma_start3A_576 : memref<1x128x16xf32, #tpu.memory_space<vmem>> -> memref<128x16xf32, #tpu.memory_space<vmem>>
      %dma_start3A_578 = arith.constant 0 : i32
      %dma_start3A_579 = tpu.memref_slice %arg7[%min3A_572, %dma_start3A_578] : memref<80x128xi32, #tpu.memory_space<vmem>> -> memref<1x128xi32, #tpu.memory_space<vmem>>
      %dma_start3A_580 = tpu.memref_squeeze %dma_start3A_579 : memref<1x128xi32, #tpu.memory_space<vmem>> -> memref<128xi32, #tpu.memory_space<vmem>>
      %dma_start3A_581 = arith.constant 0 : i32
      %dma_start3A_582 = arith.constant 0 : i32
      %dma_start3A_583 = tpu.memref_slice %arg11[%dma_start3A_581, %dma_start3A_582] : memref<10240x16xf32, #tpu.memory_space<vmem_shared>> -> memref<10240x16xf32, #tpu.memory_space<vmem_shared>>
      tpu.enqueue_indirect_dma source(%dma_start3A_583 : memref<10240x16xf32, #tpu.memory_space<vmem_shared>>) target(%dma_start3A_577 : memref<128x16xf32, #tpu.memory_space<vmem>>) offsets(%dma_start3A_580 : memref<128xi32, #tpu.memory_space<vmem>>) semaphore(%arg15 : memref<!tpu.dma_semaphore, #tpu.memory_space<semaphore_mem>>)
    }
    %scan3A_85 = arith.constant 10 : i32
    %dma_wait3A_86 = arith.constant 4 : i32
    %dma_wait3A_87 = arith.constant 0 : i32
    %dma_wait3A_88 = arith.constant 0 : i32
    %dma_wait3A_89 = arith.constant 0 : i32
    %dma_wait3A_90 = tpu.memref_slice %arg9[%dma_wait3A_86, %dma_wait3A_88, %dma_wait3A_89] : memref<8x128x16xf32, #tpu.memory_space<vmem>> -> memref<1x128x16xf32, #tpu.memory_space<vmem>>
    %dma_wait3A_91 = tpu.memref_squeeze %dma_wait3A_90 : memref<1x128x16xf32, #tpu.memory_space<vmem>> -> memref<128x16xf32, #tpu.memory_space<vmem>>
    %dma_wait3A_92 = arith.constant 0 : i32
    %dma_wait3A_93 = tpu.memref_slice %arg8[%dma_wait3A_87, %dma_wait3A_92] : memref<80x128xi32, #tpu.memory_space<vmem>> -> memref<1x128xi32, #tpu.memory_space<vmem>>
    %dma_wait3A_94 = tpu.memref_squeeze %dma_wait3A_93 : memref<1x128xi32, #tpu.memory_space<vmem>> -> memref<128xi32, #tpu.memory_space<vmem>>
    %dma_wait3A_95 = arith.constant 0 : i32
    %dma_wait3A_96 = arith.constant 0 : i32
    %dma_wait3A_97 = tpu.memref_slice %arg10[%dma_wait3A_95, %dma_wait3A_96] : memref<10240x16xf32, #tpu.memory_space<vmem_shared>> -> memref<10240x16xf32, #tpu.memory_space<vmem_shared>>
    tpu.wait_indirect_dma semaphore(%arg24 : memref<!tpu.dma_semaphore, #tpu.memory_space<semaphore_mem>>) src(%dma_wait3A_91 : memref<128x16xf32, #tpu.memory_space<vmem>>) dst(%dma_wait3A_97 : memref<10240x16xf32, #tpu.memory_space<vmem_shared>>)
    %dma_wait3A_98 = arith.constant 0 : i32
    %dma_wait3A_99 = arith.constant 0 : i32
    %dma_wait3A_100 = arith.constant 0 : i32
    %dma_wait3A_101 = arith.constant 0 : i32
    %dma_wait3A_102 = tpu.memref_slice %arg9[%dma_wait3A_99, %dma_wait3A_100, %dma_wait3A_101] : memref<8x128x16xf32, #tpu.memory_space<vmem>> -> memref<1x128x16xf32, #tpu.memory_space<vmem>>
    %dma_wait3A_103 = tpu.memref_squeeze %dma_wait3A_102 : memref<1x128x16xf32, #tpu.memory_space<vmem>> -> memref<128x16xf32, #tpu.memory_space<vmem>>
    %dma_wait3A_104 = arith.constant 0 : i32
    %dma_wait3A_105 = tpu.memref_slice %arg7[%dma_wait3A_98, %dma_wait3A_104] : memref<80x128xi32, #tpu.memory_space<vmem>> -> memref<1x128xi32, #tpu.memory_space<vmem>>
    %dma_wait3A_106 = tpu.memref_squeeze %dma_wait3A_105 : memref<1x128xi32, #tpu.memory_space<vmem>> -> memref<128xi32, #tpu.memory_space<vmem>>
    %dma_wait3A_107 = arith.constant 0 : i32
    %dma_wait3A_108 = arith.constant 0 : i32
    %dma_wait3A_109 = tpu.memref_slice %arg2[%dma_wait3A_107, %dma_wait3A_108] : memref<10240x16xf32, #tpu.memory_space<hbm>> -> memref<10240x16xf32, #tpu.memory_space<hbm>>
    tpu.wait_indirect_dma semaphore(%arg12 : memref<!tpu.dma_semaphore, #tpu.memory_space<semaphore_mem>>) src(%dma_wait3A_109 : memref<10240x16xf32, #tpu.memory_space<hbm>>) dst(%dma_wait3A_103 : memref<128x16xf32, #tpu.memory_space<vmem>>)
    %dma_wait3A_110 = arith.constant 5 : i32
    %dma_wait3A_111 = arith.constant 0 : i32
    %dma_wait3A_112 = arith.constant 0 : i32
    %dma_wait3A_113 = arith.constant 0 : i32
    %dma_wait3A_114 = tpu.memref_slice %arg9[%dma_wait3A_110, %dma_wait3A_112, %dma_wait3A_113] : memref<8x128x16xf32, #tpu.memory_space<vmem>> -> memref<1x128x16xf32, #tpu.memory_space<vmem>>
    %dma_wait3A_115 = tpu.memref_squeeze %dma_wait3A_114 : memref<1x128x16xf32, #tpu.memory_space<vmem>> -> memref<128x16xf32, #tpu.memory_space<vmem>>
    %dma_wait3A_116 = arith.constant 0 : i32
    %dma_wait3A_117 = tpu.memref_slice %arg8[%dma_wait3A_111, %dma_wait3A_116] : memref<80x128xi32, #tpu.memory_space<vmem>> -> memref<1x128xi32, #tpu.memory_space<vmem>>
    %dma_wait3A_118 = tpu.memref_squeeze %dma_wait3A_117 : memref<1x128xi32, #tpu.memory_space<vmem>> -> memref<128xi32, #tpu.memory_space<vmem>>
    %dma_wait3A_119 = arith.constant 0 : i32
    %dma_wait3A_120 = arith.constant 0 : i32
    %dma_wait3A_121 = tpu.memref_slice %arg10[%dma_wait3A_119, %dma_wait3A_120] : memref<10240x16xf32, #tpu.memory_space<vmem_shared>> -> memref<10240x16xf32, #tpu.memory_space<vmem_shared>>
    tpu.wait_indirect_dma semaphore(%arg25 : memref<!tpu.dma_semaphore, #tpu.memory_space<semaphore_mem>>) src(%dma_wait3A_115 : memref<128x16xf32, #tpu.memory_space<vmem>>) dst(%dma_wait3A_121 : memref<10240x16xf32, #tpu.memory_space<vmem_shared>>)
    %dma_wait3A_122 = arith.constant 0 : i32
    %dma_wait3A_123 = arith.constant 1 : i32
    %dma_wait3A_124 = arith.constant 0 : i32
    %dma_wait3A_125 = arith.constant 0 : i32
    %dma_wait3A_126 = tpu.memref_slice %arg9[%dma_wait3A_123, %dma_wait3A_124, %dma_wait3A_125] : memref<8x128x16xf32, #tpu.memory_space<vmem>> -> memref<1x128x16xf32, #tpu.memory_space<vmem>>
    %dma_wait3A_127 = tpu.memref_squeeze %dma_wait3A_126 : memref<1x128x16xf32, #tpu.memory_space<vmem>> -> memref<128x16xf32, #tpu.memory_space<vmem>>
    %dma_wait3A_128 = arith.constant 0 : i32
    %dma_wait3A_129 = tpu.memref_slice %arg7[%dma_wait3A_122, %dma_wait3A_128] : memref<80x128xi32, #tpu.memory_space<vmem>> -> memref<1x128xi32, #tpu.memory_space<vmem>>
    %dma_wait3A_130 = tpu.memref_squeeze %dma_wait3A_129 : memref<1x128xi32, #tpu.memory_space<vmem>> -> memref<128xi32, #tpu.memory_space<vmem>>
    %dma_wait3A_131 = arith.constant 0 : i32
    %dma_wait3A_132 = arith.constant 0 : i32
    %dma_wait3A_133 = tpu.memref_slice %arg2[%dma_wait3A_131, %dma_wait3A_132] : memref<10240x16xf32, #tpu.memory_space<hbm>> -> memref<10240x16xf32, #tpu.memory_space<hbm>>
    tpu.wait_indirect_dma semaphore(%arg13 : memref<!tpu.dma_semaphore, #tpu.memory_space<semaphore_mem>>) src(%dma_wait3A_133 : memref<10240x16xf32, #tpu.memory_space<hbm>>) dst(%dma_wait3A_127 : memref<128x16xf32, #tpu.memory_space<vmem>>)
    %dma_wait3A_134 = arith.constant 6 : i32
    %dma_wait3A_135 = arith.constant 0 : i32
    %dma_wait3A_136 = arith.constant 0 : i32
    %dma_wait3A_137 = arith.constant 0 : i32
    %dma_wait3A_138 = tpu.memref_slice %arg9[%dma_wait3A_134, %dma_wait3A_136, %dma_wait3A_137] : memref<8x128x16xf32, #tpu.memory_space<vmem>> -> memref<1x128x16xf32, #tpu.memory_space<vmem>>
    %dma_wait3A_139 = tpu.memref_squeeze %dma_wait3A_138 : memref<1x128x16xf32, #tpu.memory_space<vmem>> -> memref<128x16xf32, #tpu.memory_space<vmem>>
    %dma_wait3A_140 = arith.constant 0 : i32
    %dma_wait3A_141 = tpu.memref_slice %arg8[%dma_wait3A_135, %dma_wait3A_140] : memref<80x128xi32, #tpu.memory_space<vmem>> -> memref<1x128xi32, #tpu.memory_space<vmem>>
    %dma_wait3A_142 = tpu.memref_squeeze %dma_wait3A_141 : memref<1x128xi32, #tpu.memory_space<vmem>> -> memref<128xi32, #tpu.memory_space<vmem>>
    %dma_wait3A_143 = arith.constant 0 : i32
    %dma_wait3A_144 = arith.constant 0 : i32
    %dma_wait3A_145 = tpu.memref_slice %arg10[%dma_wait3A_143, %dma_wait3A_144] : memref<10240x16xf32, #tpu.memory_space<vmem_shared>> -> memref<10240x16xf32, #tpu.memory_space<vmem_shared>>
    tpu.wait_indirect_dma semaphore(%arg26 : memref<!tpu.dma_semaphore, #tpu.memory_space<semaphore_mem>>) src(%dma_wait3A_139 : memref<128x16xf32, #tpu.memory_space<vmem>>) dst(%dma_wait3A_145 : memref<10240x16xf32, #tpu.memory_space<vmem_shared>>)
    %dma_wait3A_146 = arith.constant 0 : i32
    %dma_wait3A_147 = arith.constant 2 : i32
    %dma_wait3A_148 = arith.constant 0 : i32
    %dma_wait3A_149 = arith.constant 0 : i32
    %dma_wait3A_150 = tpu.memref_slice %arg9[%dma_wait3A_147, %dma_wait3A_148, %dma_wait3A_149] : memref<8x128x16xf32, #tpu.memory_space<vmem>> -> memref<1x128x16xf32, #tpu.memory_space<vmem>>
    %dma_wait3A_151 = tpu.memref_squeeze %dma_wait3A_150 : memref<1x128x16xf32, #tpu.memory_space<vmem>> -> memref<128x16xf32, #tpu.memory_space<vmem>>
    %dma_wait3A_152 = arith.constant 0 : i32
    %dma_wait3A_153 = tpu.memref_slice %arg7[%dma_wait3A_146, %dma_wait3A_152] : memref<80x128xi32, #tpu.memory_space<vmem>> -> memref<1x128xi32, #tpu.memory_space<vmem>>
    %dma_wait3A_154 = tpu.memref_squeeze %dma_wait3A_153 : memref<1x128xi32, #tpu.memory_space<vmem>> -> memref<128xi32, #tpu.memory_space<vmem>>
    %dma_wait3A_155 = arith.constant 0 : i32
    %dma_wait3A_156 = arith.constant 0 : i32
    %dma_wait3A_157 = tpu.memref_slice %arg2[%dma_wait3A_155, %dma_wait3A_156] : memref<10240x16xf32, #tpu.memory_space<hbm>> -> memref<10240x16xf32, #tpu.memory_space<hbm>>
    tpu.wait_indirect_dma semaphore(%arg14 : memref<!tpu.dma_semaphore, #tpu.memory_space<semaphore_mem>>) src(%dma_wait3A_157 : memref<10240x16xf32, #tpu.memory_space<hbm>>) dst(%dma_wait3A_151 : memref<128x16xf32, #tpu.memory_space<vmem>>)
    %dma_wait3A_158 = arith.constant 7 : i32
    %dma_wait3A_159 = arith.constant 0 : i32
    %dma_wait3A_160 = arith.constant 0 : i32
    %dma_wait3A_161 = arith.constant 0 : i32
    %dma_wait3A_162 = tpu.memref_slice %arg9[%dma_wait3A_158, %dma_wait3A_160, %dma_wait3A_161] : memref<8x128x16xf32, #tpu.memory_space<vmem>> -> memref<1x128x16xf32, #tpu.memory_space<vmem>>
    %dma_wait3A_163 = tpu.memref_squeeze %dma_wait3A_162 : memref<1x128x16xf32, #tpu.memory_space<vmem>> -> memref<128x16xf32, #tpu.memory_space<vmem>>
    %dma_wait3A_164 = arith.constant 0 : i32
    %dma_wait3A_165 = tpu.memref_slice %arg8[%dma_wait3A_159, %dma_wait3A_164] : memref<80x128xi32, #tpu.memory_space<vmem>> -> memref<1x128xi32, #tpu.memory_space<vmem>>
    %dma_wait3A_166 = tpu.memref_squeeze %dma_wait3A_165 : memref<1x128xi32, #tpu.memory_space<vmem>> -> memref<128xi32, #tpu.memory_space<vmem>>
    %dma_wait3A_167 = arith.constant 0 : i32
    %dma_wait3A_168 = arith.constant 0 : i32
    %dma_wait3A_169 = tpu.memref_slice %arg10[%dma_wait3A_167, %dma_wait3A_168] : memref<10240x16xf32, #tpu.memory_space<vmem_shared>> -> memref<10240x16xf32, #tpu.memory_space<vmem_shared>>
    tpu.wait_indirect_dma semaphore(%arg27 : memref<!tpu.dma_semaphore, #tpu.memory_space<semaphore_mem>>) src(%dma_wait3A_163 : memref<128x16xf32, #tpu.memory_space<vmem>>) dst(%dma_wait3A_169 : memref<10240x16xf32, #tpu.memory_space<vmem_shared>>)
    %dma_wait3A_170 = arith.constant 0 : i32
    %dma_wait3A_171 = arith.constant 3 : i32
    %dma_wait3A_172 = arith.constant 0 : i32
    %dma_wait3A_173 = arith.constant 0 : i32
    %dma_wait3A_174 = tpu.memref_slice %arg9[%dma_wait3A_171, %dma_wait3A_172, %dma_wait3A_173] : memref<8x128x16xf32, #tpu.memory_space<vmem>> -> memref<1x128x16xf32, #tpu.memory_space<vmem>>
    %dma_wait3A_175 = tpu.memref_squeeze %dma_wait3A_174 : memref<1x128x16xf32, #tpu.memory_space<vmem>> -> memref<128x16xf32, #tpu.memory_space<vmem>>
    %dma_wait3A_176 = arith.constant 0 : i32
    %dma_wait3A_177 = tpu.memref_slice %arg7[%dma_wait3A_170, %dma_wait3A_176] : memref<80x128xi32, #tpu.memory_space<vmem>> -> memref<1x128xi32, #tpu.memory_space<vmem>>
    %dma_wait3A_178 = tpu.memref_squeeze %dma_wait3A_177 : memref<1x128xi32, #tpu.memory_space<vmem>> -> memref<128xi32, #tpu.memory_space<vmem>>
    %dma_wait3A_179 = arith.constant 0 : i32
    %dma_wait3A_180 = arith.constant 0 : i32
    %dma_wait3A_181 = tpu.memref_slice %arg2[%dma_wait3A_179, %dma_wait3A_180] : memref<10240x16xf32, #tpu.memory_space<hbm>> -> memref<10240x16xf32, #tpu.memory_space<hbm>>
    tpu.wait_indirect_dma semaphore(%arg15 : memref<!tpu.dma_semaphore, #tpu.memory_space<semaphore_mem>>) src(%dma_wait3A_181 : memref<10240x16xf32, #tpu.memory_space<hbm>>) dst(%dma_wait3A_175 : memref<128x16xf32, #tpu.memory_space<vmem>>)
    %barrier3A_182 = arith.constant 0 : index
    tpu.barrier barrier_id(%barrier3A_182)
    "tpu.region"() ({
      %run_scoped3A = tpu.sem_alloc : memref<!tpu.dma_semaphore, #tpu.memory_space<semaphore_mem>>
      %dma_start3A_183 = arith.constant 0 : i32
      %dma_start3A_184 = tpu.memref_slice %arg6[%arg0, %mul3A_2, %dma_start3A_183] : memref<2x10240x16xf32, #tpu.memory_space<hbm>> -> memref<1x640x16xf32, #tpu.memory_space<hbm>>
      %dma_start3A_185 = tpu.memref_squeeze %dma_start3A_184 : memref<1x640x16xf32, #tpu.memory_space<hbm>> -> memref<640x16xf32, #tpu.memory_space<hbm>>
      %dma_start3A_186 = arith.constant 0 : i32
      %dma_start3A_187 = tpu.memref_slice %arg10[%mul3A_2, %dma_start3A_186] : memref<10240x16xf32, #tpu.memory_space<vmem_shared>> -> memref<640x16xf32, #tpu.memory_space<vmem_shared>>
      tpu.enqueue_dma source(%dma_start3A_187 : memref<640x16xf32, #tpu.memory_space<vmem_shared>>) target(%dma_start3A_185 : memref<640x16xf32, #tpu.memory_space<hbm>>) target_semaphore(%run_scoped3A : memref<!tpu.dma_semaphore, #tpu.memory_space<semaphore_mem>>)
      %dma_wait3A_188 = arith.constant 0 : i32
      %dma_wait3A_189 = tpu.memref_slice %arg6[%arg0, %mul3A_2, %dma_wait3A_188] : memref<2x10240x16xf32, #tpu.memory_space<hbm>> -> memref<1x640x16xf32, #tpu.memory_space<hbm>>
      %dma_wait3A_190 = tpu.memref_squeeze %dma_wait3A_189 : memref<1x640x16xf32, #tpu.memory_space<hbm>> -> memref<640x16xf32, #tpu.memory_space<hbm>>
      %dma_wait3A_191 = arith.constant 0 : i32
      %dma_wait3A_192 = tpu.memref_slice %arg10[%mul3A_2, %dma_wait3A_191] : memref<10240x16xf32, #tpu.memory_space<vmem_shared>> -> memref<640x16xf32, #tpu.memory_space<vmem_shared>>
      tpu.wait_dma2 semaphore(%run_scoped3A : memref<!tpu.dma_semaphore, #tpu.memory_space<semaphore_mem>>) src(%dma_wait3A_192 : memref<640x16xf32, #tpu.memory_space<vmem_shared>>) dst(%dma_wait3A_190 : memref<640x16xf32, #tpu.memory_space<hbm>>)
      tpu.yield
    }) : () -> ()
    return
  }
}

module attributes {stable_mosaic.version = 14 : i64} {
  func.func @_stage_a(%arg0: i32, %arg1: memref<256x1024xf32, #tpu.memory_space<vmem>>, %arg2: memref<1024x128xf32, #tpu.memory_space<vmem>>, %arg3: memref<2x256x128xf32, #tpu.memory_space<vmem>>, %arg4: memref<256x128xf32, #tpu.memory_space<vmem>>, %arg5: memref<256x128xf32, #tpu.memory_space<vmem>>) attributes {dimension_semantics = [#tpu.dimension_semantics<arbitrary>], iteration_bounds = array<i64: 5>, scalar_prefetch = 0 : i64, scratch_operands = 0 : i64, tpu.core_type = #tpu.core_type<tc>, window_params = [{transform_indices = @transform_0, window_bounds = array<i64: 256, 1024>}, {pipeline_mode = #tpu.pipeline_mode<synchronous>, transform_indices = @transform_1, window_bounds = array<i64: 1024, 128>}, {transform_indices = @transform_2, window_bounds = array<i64: 2, 256, 128>}, {transform_indices = @transform_3, window_bounds = array<i64: 256, 128>}, {transform_indices = @transform_4, window_bounds = array<i64: 256, 128>}]} {
    %get3A = arith.constant 0 : index
    %get3A_0 = arith.constant 0 : index
    %get3A_1 = arith.constant 0 : index
    %get3A_2 = vector.load %arg3[%get3A, %get3A_0, %get3A_1] : memref<2x256x128xf32, #tpu.memory_space<vmem>>, vector<1x256x128xf32>
    %get3A_3 = vector.shape_cast %get3A_2 : vector<1x256x128xf32> to vector<256x128xf32>
    %get3A_4 = arith.constant 1 : index
    %get3A_5 = arith.constant 0 : index
    %get3A_6 = arith.constant 0 : index
    %get3A_7 = vector.load %arg3[%get3A_4, %get3A_5, %get3A_6] : memref<2x256x128xf32, #tpu.memory_space<vmem>>, vector<1x256x128xf32>
    %get3A_8 = vector.shape_cast %get3A_7 : vector<1x256x128xf32> to vector<256x128xf32>
    %add3A = arith.addf %get3A_3, %get3A_8 : vector<256x128xf32>
    %add3A_9 = arith.constant 1.000000e+00 : f32
    %add3A_10 = vector.broadcast %add3A_9 : f32 to vector<256x128xf32>
    %add3A_11 = arith.addf %add3A, %add3A_10 : vector<256x128xf32>
    %rsqrt3A = math.rsqrt %add3A_11 : vector<256x128xf32>
    %get3A_12 = arith.constant 0 : index
    %get3A_13 = arith.constant 0 : index
    %get3A_14 = vector.load %arg1[%get3A_12, %get3A_13] : memref<256x1024xf32, #tpu.memory_space<vmem>>, vector<256x1024xf32>
    %get3A_15 = arith.constant 0 : index
    %get3A_16 = arith.constant 0 : index
    %get3A_17 = vector.load %arg2[%get3A_15, %get3A_16] : memref<1024x128xf32, #tpu.memory_space<vmem>>, vector<1024x128xf32>
    %dot_general3A = arith.constant dense<0.000000e+00> : vector<256x128xf32>
    %dot_general3A_18 = tpu.matmul %get3A_14, %get3A_17, %dot_general3A {dimension_numbers = #tpu.dot_dimension_numbers<[1], [0], [0], [1], [0, 0, 1, 1], [], []>, transpose_lhs_hint = false} : vector<256x1024xf32>, vector<1024x128xf32>, vector<256x128xf32> -> vector<256x128xf32>
    %mul3A = arith.mulf %dot_general3A_18, %rsqrt3A : vector<256x128xf32>
    %swap3A = arith.constant 0 : index
    %swap3A_19 = arith.constant 0 : index
    %swap3A_20 = vector.load %arg4[%swap3A, %swap3A_19] : memref<256x128xf32, #tpu.memory_space<vmem>>, vector<256x128xf32>
    tpu.vector_store %arg4[%swap3A, %swap3A_19], %mul3A {strides = array<i32>} : memref<256x128xf32, #tpu.memory_space<vmem>>, vector<256x128xf32>,
    %swap3A_21 = arith.constant 0 : index
    %swap3A_22 = arith.constant 0 : index
    %swap3A_23 = vector.load %arg5[%swap3A_21, %swap3A_22] : memref<256x128xf32, #tpu.memory_space<vmem>>, vector<256x128xf32>
    tpu.vector_store %arg5[%swap3A_21, %swap3A_22], %rsqrt3A {strides = array<i32>} : memref<256x128xf32, #tpu.memory_space<vmem>>, vector<256x128xf32>,
    return
  }
  func.func @transform_0(%arg0: i32) -> (i32, i32) {
    %c0_i32 = arith.constant 0 : i32
    %c0_i32_0 = arith.constant 0 : i32
    return %arg0, %c0_i32 : i32, i32
  }
  func.func @transform_1(%arg0: i32) -> (i32, i32) {
    %c0_i32 = arith.constant 0 : i32
    %c0_i32_0 = arith.constant 0 : i32
    %c0_i32_1 = arith.constant 0 : i32
    return %c0_i32, %c0_i32_0 : i32, i32
  }
  func.func @transform_2(%arg0: i32) -> (i32, i32, i32) {
    %c0_i32 = arith.constant 0 : i32
    %c0_i32_0 = arith.constant 0 : i32
    %c0_i32_1 = arith.constant 0 : i32
    return %c0_i32, %arg0, %c0_i32_0 : i32, i32, i32
  }
  func.func @transform_3(%arg0: i32) -> (i32, i32) {
    %c0_i32 = arith.constant 0 : i32
    %c0_i32_0 = arith.constant 0 : i32
    return %arg0, %c0_i32 : i32, i32
  }
  func.func @transform_4(%arg0: i32) -> (i32, i32) {
    %c0_i32 = arith.constant 0 : i32
    %c0_i32_0 = arith.constant 0 : i32
    return %arg0, %c0_i32 : i32, i32
  }
}

module attributes {stable_mosaic.version = 14 : i64} {
  func.func @_stage_b(%arg0: i32, %arg1: memref<2x256x128xf32, #tpu.memory_space<vmem>>, %arg2: memref<256x128xf32, #tpu.memory_space<vmem>>, %arg3: memref<256x128xf32, #tpu.memory_space<vmem>>, %arg4: memref<128xf32, #tpu.memory_space<vmem>>, %arg5: memref<256x128xf32, #tpu.memory_space<vmem>>) attributes {dimension_semantics = [#tpu.dimension_semantics<arbitrary>], iteration_bounds = array<i64: 5>, scalar_prefetch = 0 : i64, scratch_operands = 0 : i64, tpu.core_type = #tpu.core_type<tc>, window_params = [{transform_indices = @transform_0, window_bounds = array<i64: 2, 256, 128>}, {transform_indices = @transform_1, window_bounds = array<i64: 256, 128>}, {transform_indices = @transform_2, window_bounds = array<i64: 256, 128>}, {pipeline_mode = #tpu.pipeline_mode<synchronous>, transform_indices = @transform_3, window_bounds = array<i64: 128>}, {transform_indices = @transform_4, window_bounds = array<i64: 256, 128>}]} {
    %get3A = arith.constant 0 : index
    %get3A_0 = arith.constant 0 : index
    %get3A_1 = vector.load %arg3[%get3A, %get3A_0] : memref<256x128xf32, #tpu.memory_space<vmem>>, vector<256x128xf32>
    %get3A_2 = arith.constant 0 : index
    %get3A_3 = arith.constant 0 : index
    %get3A_4 = arith.constant 0 : index
    %get3A_5 = vector.load %arg1[%get3A_2, %get3A_3, %get3A_4] : memref<2x256x128xf32, #tpu.memory_space<vmem>>, vector<1x256x128xf32>
    %get3A_6 = vector.shape_cast %get3A_5 : vector<1x256x128xf32> to vector<256x128xf32>
    %get3A_7 = arith.constant 1 : index
    %get3A_8 = arith.constant 0 : index
    %get3A_9 = arith.constant 0 : index
    %get3A_10 = vector.load %arg1[%get3A_7, %get3A_8, %get3A_9] : memref<2x256x128xf32, #tpu.memory_space<vmem>>, vector<1x256x128xf32>
    %get3A_11 = vector.shape_cast %get3A_10 : vector<1x256x128xf32> to vector<256x128xf32>
    %add3A = arith.addf %get3A_6, %get3A_11 : vector<256x128xf32>
    %get3A_12 = arith.constant 0 : index
    %get3A_13 = arith.constant 0 : index
    %get3A_14 = vector.load %arg2[%get3A_12, %get3A_13] : memref<256x128xf32, #tpu.memory_space<vmem>>, vector<256x128xf32>
    %add3A_15 = arith.addf %add3A, %get3A_14 : vector<256x128xf32>
    %mul3A = arith.mulf %add3A_15, %get3A_1 : vector<256x128xf32>
    %get3A_16 = arith.constant 0 : index
    %get3A_17 = vector.load %arg4[%get3A_16] : memref<128xf32, #tpu.memory_space<vmem>>, vector<128xf32>
    %broadcast_in_dim3A = vector.shape_cast %get3A_17 : vector<128xf32> to vector<1x128xf32>
    %add3A_18 = vector.broadcast %broadcast_in_dim3A : vector<1x128xf32> to vector<256x128xf32>
    %add3A_19 = arith.addf %mul3A, %add3A_18 : vector<256x128xf32>
    %max3A = arith.constant 0.000000e+00 : f32
    %max3A_20 = vector.broadcast %max3A : f32 to vector<256x128xf32>
    %max3A_21 = arith.maximumf %add3A_19, %max3A_20 : vector<256x128xf32>
    %mul3A_22 = arith.mulf %max3A_21, %get3A_1 : vector<256x128xf32>
    %swap3A = arith.constant 0 : index
    %swap3A_23 = arith.constant 0 : index
    %swap3A_24 = vector.load %arg5[%swap3A, %swap3A_23] : memref<256x128xf32, #tpu.memory_space<vmem>>, vector<256x128xf32>
    tpu.vector_store %arg5[%swap3A, %swap3A_23], %mul3A_22 {strides = array<i32>} : memref<256x128xf32, #tpu.memory_space<vmem>>, vector<256x128xf32>,
    return
  }
  func.func @transform_0(%arg0: i32) -> (i32, i32, i32) {
    %c0_i32 = arith.constant 0 : i32
    %c0_i32_0 = arith.constant 0 : i32
    %c0_i32_1 = arith.constant 0 : i32
    return %c0_i32, %arg0, %c0_i32_0 : i32, i32, i32
  }
  func.func @transform_1(%arg0: i32) -> (i32, i32) {
    %c0_i32 = arith.constant 0 : i32
    %c0_i32_0 = arith.constant 0 : i32
    return %arg0, %c0_i32 : i32, i32
  }
  func.func @transform_2(%arg0: i32) -> (i32, i32) {
    %c0_i32 = arith.constant 0 : i32
    %c0_i32_0 = arith.constant 0 : i32
    return %arg0, %c0_i32 : i32, i32
  }
  func.func @transform_3(%arg0: i32) -> i32 {
    %c0_i32 = arith.constant 0 : i32
    %c0_i32_0 = arith.constant 0 : i32
    return %c0_i32 : i32
  }
  func.func @transform_4(%arg0: i32) -> (i32, i32) {
    %c0_i32 = arith.constant 0 : i32
    %c0_i32_0 = arith.constant 0 : i32
    return %arg0, %c0_i32 : i32, i32
  }
}

module attributes {stable_mosaic.version = 14 : i64} {
  func.func @_stage_c(%arg0: i32, %arg1: memref<2x256x128xf32, #tpu.memory_space<vmem>>, %arg2: memref<256x128xf32, #tpu.memory_space<vmem>>, %arg3: memref<256x128xf32, #tpu.memory_space<vmem>>, %arg4: memref<128x64xf32, #tpu.memory_space<vmem>>, %arg5: memref<64xf32, #tpu.memory_space<vmem>>, %arg6: memref<256x64xf32, #tpu.memory_space<vmem>>) attributes {dimension_semantics = [#tpu.dimension_semantics<arbitrary>], iteration_bounds = array<i64: 5>, scalar_prefetch = 0 : i64, scratch_operands = 0 : i64, tpu.core_type = #tpu.core_type<tc>, window_params = [{transform_indices = @transform_0, window_bounds = array<i64: 2, 256, 128>}, {transform_indices = @transform_1, window_bounds = array<i64: 256, 128>}, {transform_indices = @transform_2, window_bounds = array<i64: 256, 128>}, {pipeline_mode = #tpu.pipeline_mode<synchronous>, transform_indices = @transform_3, window_bounds = array<i64: 128, 64>}, {pipeline_mode = #tpu.pipeline_mode<synchronous>, transform_indices = @transform_4, window_bounds = array<i64: 64>}, {transform_indices = @transform_5, window_bounds = array<i64: 256, 64>}]} {
    %get3A = arith.constant 0 : index
    %get3A_0 = arith.constant 0 : index
    %get3A_1 = arith.constant 0 : index
    %get3A_2 = vector.load %arg1[%get3A, %get3A_0, %get3A_1] : memref<2x256x128xf32, #tpu.memory_space<vmem>>, vector<1x256x128xf32>
    %get3A_3 = vector.shape_cast %get3A_2 : vector<1x256x128xf32> to vector<256x128xf32>
    %get3A_4 = arith.constant 1 : index
    %get3A_5 = arith.constant 0 : index
    %get3A_6 = arith.constant 0 : index
    %get3A_7 = vector.load %arg1[%get3A_4, %get3A_5, %get3A_6] : memref<2x256x128xf32, #tpu.memory_space<vmem>>, vector<1x256x128xf32>
    %get3A_8 = vector.shape_cast %get3A_7 : vector<1x256x128xf32> to vector<256x128xf32>
    %add3A = arith.addf %get3A_3, %get3A_8 : vector<256x128xf32>
    %get3A_9 = arith.constant 0 : index
    %get3A_10 = arith.constant 0 : index
    %get3A_11 = vector.load %arg2[%get3A_9, %get3A_10] : memref<256x128xf32, #tpu.memory_space<vmem>>, vector<256x128xf32>
    %add3A_12 = arith.addf %add3A, %get3A_11 : vector<256x128xf32>
    %get3A_13 = arith.constant 0 : index
    %get3A_14 = arith.constant 0 : index
    %get3A_15 = vector.load %arg3[%get3A_13, %get3A_14] : memref<256x128xf32, #tpu.memory_space<vmem>>, vector<256x128xf32>
    %mul3A = arith.mulf %add3A_12, %get3A_15 : vector<256x128xf32>
    %get3A_16 = arith.constant 0 : index
    %get3A_17 = arith.constant 0 : index
    %get3A_18 = vector.load %arg4[%get3A_16, %get3A_17] : memref<128x64xf32, #tpu.memory_space<vmem>>, vector<128x64xf32>
    %dot_general3A = arith.constant dense<0.000000e+00> : vector<256x64xf32>
    %dot_general3A_19 = tpu.matmul %mul3A, %get3A_18, %dot_general3A {dimension_numbers = #tpu.dot_dimension_numbers<[1], [0], [0], [1], [0, 0, 1, 1], [], []>, transpose_lhs_hint = false} : vector<256x128xf32>, vector<128x64xf32>, vector<256x64xf32> -> vector<256x64xf32>
    %get3A_20 = arith.constant 0 : index
    %get3A_21 = vector.load %arg5[%get3A_20] : memref<64xf32, #tpu.memory_space<vmem>>, vector<64xf32>
    %broadcast_in_dim3A = vector.shape_cast %get3A_21 : vector<64xf32> to vector<1x64xf32>
    %add3A_22 = vector.broadcast %broadcast_in_dim3A : vector<1x64xf32> to vector<256x64xf32>
    %add3A_23 = arith.addf %dot_general3A_19, %add3A_22 : vector<256x64xf32>
    %slice3A = vector.extract_strided_slice %add3A_23 {offsets = [0, 1], sizes = [256, 63], strides = [1, 1]} : vector<256x64xf32> to vector<256x63xf32>
    %broadcast_in_dim3A_24 = arith.constant -1.000000e+30 : f32
    %broadcast_in_dim3A_25 = vector.broadcast %broadcast_in_dim3A_24 : f32 to vector<256x1xf32>
    %concatenate3A = tpu.concatenate %slice3A, %broadcast_in_dim3A_25 in 1 : vector<256x63xf32>, vector<256x1xf32> -> vector<256x64xf32>
    %max3A = arith.maximumf %add3A_23, %concatenate3A : vector<256x64xf32>
    %slice3A_26 = vector.extract_strided_slice %max3A {offsets = [0, 2], sizes = [256, 62], strides = [1, 1]} : vector<256x64xf32> to vector<256x62xf32>
    %broadcast_in_dim3A_27 = arith.constant -1.000000e+30 : f32
    %broadcast_in_dim3A_28 = vector.broadcast %broadcast_in_dim3A_27 : f32 to vector<256x2xf32>
    %concatenate3A_29 = tpu.concatenate %slice3A_26, %broadcast_in_dim3A_28 in 1 : vector<256x62xf32>, vector<256x2xf32> -> vector<256x64xf32>
    %max3A_30 = arith.maximumf %max3A, %concatenate3A_29 : vector<256x64xf32>
    %slice3A_31 = vector.extract_strided_slice %max3A_30 {offsets = [0, 4], sizes = [256, 60], strides = [1, 1]} : vector<256x64xf32> to vector<256x60xf32>
    %broadcast_in_dim3A_32 = arith.constant -1.000000e+30 : f32
    %broadcast_in_dim3A_33 = vector.broadcast %broadcast_in_dim3A_32 : f32 to vector<256x4xf32>
    %concatenate3A_34 = tpu.concatenate %slice3A_31, %broadcast_in_dim3A_33 in 1 : vector<256x60xf32>, vector<256x4xf32> -> vector<256x64xf32>
    %max3A_35 = arith.maximumf %max3A_30, %concatenate3A_34 : vector<256x64xf32>
    %iota3A = tpu.iota {dimensions = array<i32: 0>} : vector<64x64xi32>
    %iota3A_36 = tpu.iota {dimensions = array<i32: 1>} : vector<64x64xi32>
    %jit3A = arith.constant 8 : i32
    %div3A = vector.broadcast %jit3A : i32 to vector<64x64xi32>
    %div3A_37 = arith.divsi %iota3A_36, %div3A : vector<64x64xi32>
    %sign3A = arith.constant 0 : i32
    %sign3A_38 = vector.broadcast %sign3A : i32 to vector<64x64xi32>
    %sign3A_39 = arith.cmpi sgt, %iota3A_36, %sign3A_38 : vector<64x64xi32>
    %sign3A_40 = arith.extui %sign3A_39 : vector<64x64xi1> to vector<64x64xi32>
    %sign3A_41 = arith.constant 0 : i32
    %sign3A_42 = vector.broadcast %sign3A_41 : i32 to vector<64x64xi32>
    %sign3A_43 = arith.cmpi slt, %iota3A_36, %sign3A_42 : vector<64x64xi32>
    %sign3A_44 = arith.extui %sign3A_43 : vector<64x64xi1> to vector<64x64xi32>
    %sign3A_45 = arith.subi %sign3A_40, %sign3A_44 : vector<64x64xi32>
    %sign3A_46 = arith.constant 0 : i32
    %sign3A_47 = arith.cmpi sgt, %jit3A, %sign3A_46 : i32
    %sign3A_48 = arith.extui %sign3A_47 : i1 to i32
    %sign3A_49 = arith.constant 0 : i32
    %sign3A_50 = arith.cmpi slt, %jit3A, %sign3A_49 : i32
    %sign3A_51 = arith.extui %sign3A_50 : i1 to i32
    %sign3A_52 = arith.subi %sign3A_48, %sign3A_51 : i32
    %ne3A = vector.broadcast %sign3A_52 : i32 to vector<64x64xi32>
    %ne3A_53 = arith.cmpi ne, %sign3A_45, %ne3A : vector<64x64xi32>
    %rem3A = vector.broadcast %jit3A : i32 to vector<64x64xi32>
    %rem3A_54 = arith.remsi %iota3A_36, %rem3A : vector<64x64xi32>
    %ne3A_55 = arith.constant 0 : i32
    %ne3A_56 = vector.broadcast %ne3A_55 : i32 to vector<64x64xi32>
    %ne3A_57 = arith.cmpi ne, %rem3A_54, %ne3A_56 : vector<64x64xi32>
    %and3A = arith.andi %ne3A_53, %ne3A_57 : vector<64x64xi1>
    %sub3A = arith.constant 1 : i32
    %sub3A_58 = vector.broadcast %sub3A : i32 to vector<64x64xi32>
    %sub3A_59 = arith.subi %div3A_37, %sub3A_58 : vector<64x64xi32>
    %select_n3A = arith.select %and3A, %sub3A_59, %div3A_37 : vector<64x64xi1>, vector<64x64xi32>
    %mul3A_60 = arith.constant 8 : i32
    %mul3A_61 = vector.broadcast %mul3A_60 : i32 to vector<64x64xi32>
    %mul3A_62 = arith.muli %select_n3A, %mul3A_61 : vector<64x64xi32>
    %eq3A = arith.cmpi eq, %iota3A, %mul3A_62 : vector<64x64xi32>
    %jit3A_63 = arith.constant 1.000000e+00 : f32
    %jit3A_64 = arith.constant 0.000000e+00 : f32
    %broadcast_in_dim3A_65 = vector.broadcast %jit3A_63 : f32 to vector<64x64xf32>
    %broadcast_in_dim3A_66 = vector.broadcast %jit3A_64 : f32 to vector<64x64xf32>
    %select_n3A_67 = arith.select %eq3A, %broadcast_in_dim3A_65, %broadcast_in_dim3A_66 : vector<64x64xi1>, vector<64x64xf32>
    %jit3A_68 = arith.constant 8 : i32
    %div3A_69 = vector.broadcast %jit3A_68 : i32 to vector<64x64xi32>
    %div3A_70 = arith.divsi %iota3A, %div3A_69 : vector<64x64xi32>
    %sign3A_71 = arith.constant 0 : i32
    %sign3A_72 = vector.broadcast %sign3A_71 : i32 to vector<64x64xi32>
    %sign3A_73 = arith.cmpi sgt, %iota3A, %sign3A_72 : vector<64x64xi32>
    %sign3A_74 = arith.extui %sign3A_73 : vector<64x64xi1> to vector<64x64xi32>
    %sign3A_75 = arith.constant 0 : i32
    %sign3A_76 = vector.broadcast %sign3A_75 : i32 to vector<64x64xi32>
    %sign3A_77 = arith.cmpi slt, %iota3A, %sign3A_76 : vector<64x64xi32>
    %sign3A_78 = arith.extui %sign3A_77 : vector<64x64xi1> to vector<64x64xi32>
    %sign3A_79 = arith.subi %sign3A_74, %sign3A_78 : vector<64x64xi32>
    %sign3A_80 = arith.constant 0 : i32
    %sign3A_81 = arith.cmpi sgt, %jit3A_68, %sign3A_80 : i32
    %sign3A_82 = arith.extui %sign3A_81 : i1 to i32
    %sign3A_83 = arith.constant 0 : i32
    %sign3A_84 = arith.cmpi slt, %jit3A_68, %sign3A_83 : i32
    %sign3A_85 = arith.extui %sign3A_84 : i1 to i32
    %sign3A_86 = arith.subi %sign3A_82, %sign3A_85 : i32
    %ne3A_87 = vector.broadcast %sign3A_86 : i32 to vector<64x64xi32>
    %ne3A_88 = arith.cmpi ne, %sign3A_79, %ne3A_87 : vector<64x64xi32>
    %rem3A_89 = vector.broadcast %jit3A_68 : i32 to vector<64x64xi32>
    %rem3A_90 = arith.remsi %iota3A, %rem3A_89 : vector<64x64xi32>
    %ne3A_91 = arith.constant 0 : i32
    %ne3A_92 = vector.broadcast %ne3A_91 : i32 to vector<64x64xi32>
    %ne3A_93 = arith.cmpi ne, %rem3A_90, %ne3A_92 : vector<64x64xi32>
    %and3A_94 = arith.andi %ne3A_88, %ne3A_93 : vector<64x64xi1>
    %sub3A_95 = arith.constant 1 : i32
    %sub3A_96 = vector.broadcast %sub3A_95 : i32 to vector<64x64xi32>
    %sub3A_97 = arith.subi %div3A_70, %sub3A_96 : vector<64x64xi32>
    %select_n3A_98 = arith.select %and3A_94, %sub3A_97, %div3A_70 : vector<64x64xi1>, vector<64x64xi32>
    %jit3A_99 = arith.constant 8 : i32
    %div3A_100 = vector.broadcast %jit3A_99 : i32 to vector<64x64xi32>
    %div3A_101 = arith.divsi %iota3A_36, %div3A_100 : vector<64x64xi32>
    %sign3A_102 = arith.constant 0 : i32
    %sign3A_103 = vector.broadcast %sign3A_102 : i32 to vector<64x64xi32>
    %sign3A_104 = arith.cmpi sgt, %iota3A_36, %sign3A_103 : vector<64x64xi32>
    %sign3A_105 = arith.extui %sign3A_104 : vector<64x64xi1> to vector<64x64xi32>
    %sign3A_106 = arith.constant 0 : i32
    %sign3A_107 = vector.broadcast %sign3A_106 : i32 to vector<64x64xi32>
    %sign3A_108 = arith.cmpi slt, %iota3A_36, %sign3A_107 : vector<64x64xi32>
    %sign3A_109 = arith.extui %sign3A_108 : vector<64x64xi1> to vector<64x64xi32>
    %sign3A_110 = arith.subi %sign3A_105, %sign3A_109 : vector<64x64xi32>
    %sign3A_111 = arith.constant 0 : i32
    %sign3A_112 = arith.cmpi sgt, %jit3A_99, %sign3A_111 : i32
    %sign3A_113 = arith.extui %sign3A_112 : i1 to i32
    %sign3A_114 = arith.constant 0 : i32
    %sign3A_115 = arith.cmpi slt, %jit3A_99, %sign3A_114 : i32
    %sign3A_116 = arith.extui %sign3A_115 : i1 to i32
    %sign3A_117 = arith.subi %sign3A_113, %sign3A_116 : i32
    %ne3A_118 = vector.broadcast %sign3A_117 : i32 to vector<64x64xi32>
    %ne3A_119 = arith.cmpi ne, %sign3A_110, %ne3A_118 : vector<64x64xi32>
    %rem3A_120 = vector.broadcast %jit3A_99 : i32 to vector<64x64xi32>
    %rem3A_121 = arith.remsi %iota3A_36, %rem3A_120 : vector<64x64xi32>
    %ne3A_122 = arith.constant 0 : i32
    %ne3A_123 = vector.broadcast %ne3A_122 : i32 to vector<64x64xi32>
    %ne3A_124 = arith.cmpi ne, %rem3A_121, %ne3A_123 : vector<64x64xi32>
    %and3A_125 = arith.andi %ne3A_119, %ne3A_124 : vector<64x64xi1>
    %sub3A_126 = arith.constant 1 : i32
    %sub3A_127 = vector.broadcast %sub3A_126 : i32 to vector<64x64xi32>
    %sub3A_128 = arith.subi %div3A_101, %sub3A_127 : vector<64x64xi32>
    %select_n3A_129 = arith.select %and3A_125, %sub3A_128, %div3A_101 : vector<64x64xi1>, vector<64x64xi32>
    %eq3A_130 = arith.cmpi eq, %select_n3A_98, %select_n3A_129 : vector<64x64xi32>
    %jit3A_131 = arith.constant 1.000000e+00 : f32
    %jit3A_132 = arith.constant 0.000000e+00 : f32
    %broadcast_in_dim3A_133 = vector.broadcast %jit3A_131 : f32 to vector<64x64xf32>
    %broadcast_in_dim3A_134 = vector.broadcast %jit3A_132 : f32 to vector<64x64xf32>
    %select_n3A_135 = arith.select %eq3A_130, %broadcast_in_dim3A_133, %broadcast_in_dim3A_134 : vector<64x64xi1>, vector<64x64xf32>
    %dot_general3A_136 = arith.constant dense<0.000000e+00> : vector<256x64xf32>
    %dot_general3A_137 = tpu.matmul %max3A_35, %select_n3A_67, %dot_general3A_136 {dimension_numbers = #tpu.dot_dimension_numbers<[1], [0], [0], [1], [0, 0, 1, 1], [], []>, transpose_lhs_hint = false} : vector<256x64xf32>, vector<64x64xf32>, vector<256x64xf32> -> vector<256x64xf32>
    %sub3A_138 = arith.subf %add3A_23, %dot_general3A_137 : vector<256x64xf32>
    %exp3A = math.exp %sub3A_138 : vector<256x64xf32>
    %dot_general3A_139 = arith.constant dense<0.000000e+00> : vector<256x64xf32>
    %dot_general3A_140 = tpu.matmul %exp3A, %select_n3A_135, %dot_general3A_139 {dimension_numbers = #tpu.dot_dimension_numbers<[1], [0], [0], [1], [0, 0, 1, 1], [], []>, transpose_lhs_hint = false} : vector<256x64xf32>, vector<64x64xf32>, vector<256x64xf32> -> vector<256x64xf32>
    %sub3A_141 = arith.subf %add3A_23, %dot_general3A_137 : vector<256x64xf32>
    %log3A = math.log %dot_general3A_140 : vector<256x64xf32>
    %sub3A_142 = arith.subf %sub3A_141, %log3A : vector<256x64xf32>
    %swap3A = arith.constant 0 : index
    %swap3A_143 = arith.constant 0 : index
    %swap3A_144 = vector.load %arg6[%swap3A, %swap3A_143] : memref<256x64xf32, #tpu.memory_space<vmem>>, vector<256x64xf32>
    tpu.vector_store %arg6[%swap3A, %swap3A_143], %sub3A_142 {strides = array<i32>} : memref<256x64xf32, #tpu.memory_space<vmem>>, vector<256x64xf32>,
    return
  }
  func.func @transform_0(%arg0: i32) -> (i32, i32, i32) {
    %c0_i32 = arith.constant 0 : i32
    %c0_i32_0 = arith.constant 0 : i32
    %c0_i32_1 = arith.constant 0 : i32
    return %c0_i32, %arg0, %c0_i32_0 : i32, i32, i32
  }
  func.func @transform_1(%arg0: i32) -> (i32, i32) {
    %c0_i32 = arith.constant 0 : i32
    %c0_i32_0 = arith.constant 0 : i32
    return %arg0, %c0_i32 : i32, i32
  }
  func.func @transform_2(%arg0: i32) -> (i32, i32) {
    %c0_i32 = arith.constant 0 : i32
    %c0_i32_0 = arith.constant 0 : i32
    return %arg0, %c0_i32 : i32, i32
  }
  func.func @transform_3(%arg0: i32) -> (i32, i32) {
    %c0_i32 = arith.constant 0 : i32
    %c0_i32_0 = arith.constant 0 : i32
    %c0_i32_1 = arith.constant 0 : i32
    return %c0_i32, %c0_i32_0 : i32, i32
  }
  func.func @transform_4(%arg0: i32) -> i32 {
    %c0_i32 = arith.constant 0 : i32
    %c0_i32_0 = arith.constant 0 : i32
    return %c0_i32 : i32
  }
  func.func @transform_5(%arg0: i32) -> (i32, i32) {
    %c0_i32 = arith.constant 0 : i32
    %c0_i32_0 = arith.constant 0 : i32
    return %arg0, %c0_i32 : i32, i32
  }
}

</mosaic_0001>

<sc_bundles>
// kernel: kernel.11.cloned.1.call-start
scs
__scs_entry_jumppad:
0x0: {  	(pc) =	sbr.rel $0x88, $3  }
0x1: {  	(tag) =	ssettag $0x0;
	lr =	simm.s32 $0x1  }
0x2: {  	[smem:$0x3F9B] =	sst lr;
	_ =	strace $0xD0000000  }
0x3: {  	_ = 	snop  }
0x4: {  	_ = 	snop  }
0x5: {  	_ = 	snop  }
0x6: {  	_ = 	snop  }
0x7: {  	_ = 	snop  }
__scs_overlays_trampoline_lowered:
0x8: {  	[smem:$0x3FAA] =	sst s0  }
0x9: {  	[smem:$0x3FAB] =	sst s1  }
0xa: {  	[smem:$0x3FAC] =	sst s2  }
0xb: {  	[smem:$0x3FAD] =	sst s3  }
0xc: {  	[smem:$0x3FAE] =	sst s4  }
0xd: {  	[smem:$0x3FAF] =	sst s5  }
0xe: {  	[smem:$0x3FB0] =	sst s6  }
0xf: {  	[smem:$0x3FB1] =	sst s7  }
0x10: {  	[smem:$0x3FB2] =	sst s8  }
0x11: {  	[smem:$0x3FB3] =	sst s9;
	s0 =	simm.s32 @!p0 $0x0  }
0x12: {  	s1 =	sld [smem:$0x3F99];
	s0 =	simm.s32 @p0 $0x1  }
0x13: {  	[smem:$0x3FB4] =	sst s0;
	s0 =	simm.s32 @!p1 $0x0  }
0x14: {  	s2 =	sld [smem:$0x3F98];
	s0 =	simm.s32 @p1 $0x1  }
0x15: {  	[smem:$0x3FB5] =	sst s0;
	s0 =	simm.s32 @!p2 $0x0  }
0x16: {  	s3 =	sld [smem:$0x3FDB];
	s0 =	simm.s32 @p2 $0x1  }
0x17: {  	s4 =	simm.s32 $0x1BF5;
	[smem:$0x3FB7] =	sst s0  }
0x18: {  	s0 =	sld [smem:$0x3F9A];
	_ =	swait.ge [sflag:s4], $0x0  }
0x19: {  	s7 =	sld [smem:$0x3F9B]  }
0x1a: {  	s8 =	sadd.s32 $0xFFFFE003, lr  }
0x1b: {  	s9 =	sadd.s32 $0xFFFFFEF7, lr;
	s5 =	simm.s32 $0xFFFFFFFF;
	p2 =	slt.u32 s8, $0xFFFFF086  }
0x1c: {  	p1 =	slt.u32 s9, $0xF7A;
	s5 =	simm.s32 @!p2 $0x0  }
0x1d: {  	s5 =	simm.s32 @p1 $0x1;
	p0 =	seq.s32 s7, s2  }
0x1e: {  	s7 =	smul.u32 @!p0 $0xF7A, s2;
	p2 =	seq.s32 @!p0 s5, $0x0  }
0x1f: {  	s9 =	smul.u32 $0xF7A, s1;
	s8 =	simm.s32 @!p0 $0x1BF5;
	p2 =	por !p2, p0  }
0x20: {  	[sflag:s8] =	ssyncset.s32 @!p0 $0xFFFFF086;
	s6 =	sadd.s32 @!p0 s3, s7;
	s7 =	simm.s32 @!p0 $0x108  }
0x21: {  	s3 =	sadd.s32 s3, s9;
	s6 =	sadd.s32 @!p0 $0x88, s6;
	s7 =	simm.s32 @p2 $0x1082  }
0x22: {  	[simem:s7], [sflag:s8] =	dma.local @!p0 [hbm:s6], $0xF7A  }
0x23: {  	s9 =	sor.u32 $0xD0000000, s2;
	s6 =	simm.s32 $0x108;
	_ =	swait.ge @!p0 [sflag:s8], $0x0  }
0x24: {  	s3 =	sadd.s32 $0x88, s3;
	s6 =	simm.s32 @!p1 $0x1082;
	[sflag:s4] =	ssyncset.s32 $0xFFFFF086  }
0x25: {  	[simem:s6], [sflag:s4] =	dma.local [hbm:s3], $0xF7A  }
0x26: {  	[smem:$0x3F9B] =	sst s1;
	(tag) =	ssettag s2;
	_ =	strace s9  }
0x27: {  	s1 =	sld [smem:$0x3FAB]  }
0x28: {  	s2 =	sld [smem:$0x3FAC]  }
0x29: {  	s4 =	sld [smem:$0x3FAE]  }
0x2a: {  	p0 =	seq.s32 s5, $0x0;
	s5 =	sld [smem:$0x3FAF]  }
0x2b: {  	s6 =	sld [smem:$0x3FB0]  }
0x2c: {  	s7 =	sld [smem:$0x3FB1]  }
0x2d: {  	s3 =	simm.s32 $0x108;
	s8 =	sld [smem:$0x3FB2]  }
0x2e: {  	s3 =	simm.s32 @!p0 $0x1082;
	s9 =	sld [smem:$0x3FB3]  }
0x2f: {  	lr =	sadd.s32 s0, s3;
	s0 =	sld [smem:$0x3FAA]  }
0x30: {  	s3 =	sld [smem:$0x3FAD]  }
0x31: {  	[smem:$0x3FB6] =	sst s10  }
0x32: {  	s10 =	sld [smem:$0x3FB4];
	_ =	sdelay $0x3  }
0x33: {  	p0 =	seq.s32 s10, $0x1;
	s10 =	sld [smem:$0x3FB6];
	_ =	sdelay $0x3  }
0x34: {  	[smem:$0x3FB6] =	sst s10  }
0x35: {  	s10 =	sld [smem:$0x3FB5];
	_ =	sdelay $0x3  }
0x36: {  	p1 =	seq.s32 s10, $0x1;
	s10 =	sld [smem:$0x3FB6];
	_ =	sdelay $0x3  }
0x37: {  	[smem:$0x3FB6] =	sst s10  }
0x38: {  	s10 =	sld [smem:$0x3FB7]  }
0x39: {  	_ = 	snop;
	(pc) =	sbr.ind lr, $3  }
0x3a: {  	_ = 	snop  }
0x3b: {  	_ = 	snop  }
0x3c: {  	p2 =	seq.s32 s10, $0x1;
	s10 =	sld [smem:$0x3FB6]  }
0x3d: {  	_ =	shalt  }
0x3e: {  	_ =	shalt  }
0x3f: {  	_ =	shalt  }
0x40: {  	_ =	shalt  }
0x41: {  	_ =	shalt  }
0x42: {  	_ =	shalt  }
0x43: {  	_ =	shalt  }
0x44: {  	_ =	shalt  }
0x45: {  	_ =	shalt  }
0x46: {  	_ =	shalt  }
0x47: {  	_ =	shalt  }
0x48: {  	_ =	shalt  }
0x49: {  	_ =	shalt  }
0x4a: {  	_ =	shalt  }
0x4b: {  	_ =	shalt  }
0x4c: {  	_ =	shalt  }
0x4d: {  	_ =	shalt  }
0x4e: {  	_ =	shalt  }
0x4f: {  	_ =	shalt  }
0x50: {  	_ =	shalt  }
0x51: {  	_ =	shalt  }
0x52: {  	_ =	shalt  }
0x53: {  	_ =	shalt  }
0x54: {  	_ =	shalt  }
0x55: {  	_ =	shalt  }
0x56: {  	_ =	shalt  }
0x57: {  	_ =	shalt  }
0x58: {  	_ =	shalt  }
0x59: {  	_ =	shalt  }
0x5a: {  	_ =	shalt  }
0x5b: {  	_ =	shalt  }
0x5c: {  	_ =	shalt  }
0x5d: {  	_ =	shalt  }
0x5e: {  	_ =	shalt  }
0x5f: {  	_ =	shalt  }
0x60: {  	_ =	shalt  }
0x61: {  	_ =	shalt  }
0x62: {  	_ =	shalt  }
0x63: {  	_ =	shalt  }
0x64: {  	_ =	shalt  }
0x65: {  	_ =	shalt  }
0x66: {  	_ =	shalt  }
0x67: {  	_ =	shalt  }
0x68: {  	_ =	shalt  }
0x69: {  	_ =	shalt  }
0x6a: {  	_ =	shalt  }
0x6b: {  	_ =	shalt  }
0x6c: {  	_ =	shalt  }
0x6d: {  	_ =	shalt  }
0x6e: {  	_ =	shalt  }
0x6f: {  	_ =	shalt  }
0x70: {  	_ =	shalt  }
0x71: {  	_ =	shalt  }
0x72: {  	_ =	shalt  }
0x73: {  	_ =	shalt  }
0x74: {  	_ =	shalt  }
0x75: {  	_ =	shalt  }
0x76: {  	_ =	shalt  }
0x77: {  	_ =	shalt  }
0x78: {  	_ =	shalt  }
0x79: {  	_ =	shalt  }
0x7a: {  	_ =	shalt  }
0x7b: {  	_ =	shalt  }
0x7c: {  	_ =	shalt  }
0x7d: {  	_ =	shalt  }
0x7e: {  	_ =	shalt  }
0x7f: {  	_ =	shalt  }
0x80: {  	_ =	shalt  }
0x81: {  	_ =	shalt  }
0x82: {  	_ =	shalt  }
0x83: {  	_ =	shalt  }
0x84: {  	_ =	shalt  }
0x85: {  	_ =	shalt  }
0x86: {  	_ =	shalt  }
0x87: {  	_ =	shalt  }
.Lfunc_end0:
.L_simem_size_0:
called_computation.1_lowered:
.L_overlay_start_0:
0x88: {  	s2 =	sld [smem:$0x3FD9]  }
0x89: {  	s3 =	sld [smem:$0x3FFE];
	_ =	sdelay $0x1  }
0x8a: {  	s1 =	srdreg.scid  }
0x8b: {  	s0 =	sand.u32 $0x1, s1  }
0x8c: {  	s17 =	sshll.u32 s0, $0xA;
	s2 =	sadd.s32 s3, s2  }
0x8d: {  	s2 =	sadd.s32 s2, s17  }
0x8e: {  	[smem:$0x3FC2] =	sst s2  }
0x8f: {  	_ = 	snop  }
0x90: {  	s2 =	sld [smem:$0x3FD0];
	(tm) =	ssettm $0x1  }
0x91: {  	s18 =	sld [smem:$0x3FFB];
	_ =	sdelay $0x3  }
0x92: {  	_ =	strace s18  }
0x93: {  	s3 =	sld [smem:$0x3FFC];
	_ =	sdelay $0x3  }
0x94: {  	_ =	strace s3  }
0x95: {  	s3 =	sld [smem:$0x3FFD];
	_ =	sdelay $0x3  }
0x96: {  	_ =	strace s3  }
0x97: {  	_ =	strace $0x8FFFFFFF  }
0x98: {  	s19 =	sld [smem:$0x3FDB];
	_ =	sdelay $0x1  }
0x99: {  	s4 =	simm.s32 $_scs_section_size  }
0x9a: {  	s5 =	simm.s32 $_size__tile_overlayer_lowered;
	s6 =	simm.s32 $_tile_overlayer_lowered  }
0x9b: {  	s22 =	simm.s32 $0x1BFF;
	s21 =	sshll.u32 s6, $0x1;
	s3 =	sadd.s32 s4, s19  }
0x9c: {  	s7 =	simm.s32 $0x0;
	s20 =	sshll.u32 s5, $0x1;
	s5 =	sadd.s32 s21, s3  }
0x9d: {  	[timem:s7], [sflag:s22] =	dma.local [hbm:s5], s20  }
0x9e: {  	_ =	swait.ge [sflag:s22], s20  }
0x9f: {  	s4 =	ssub.s32 $0x0, s20;
	[sflag:s22] =	ssyncset.done $0x0  }
0xa0: {  	[sflag:s22] =	ssyncadd.s32 s4;
	_ =	sdelay $0x1  }
0xa1: {  	s23 =	simm.s32 $0x1B8B  }
0xa2: {  	_ =	swait.ge [sflag:s23], $0x1  }
0xa3: {  	[sflag:s23] =	ssyncset.done $0x0  }
0xa4: {  	s25 =	simm.s32 $0x1B8E;
	s24 =	sld [smem:$0x3FFE];
	[sflag:s23] =	ssyncadd.s32 $0xFFFFFFFF  }
0xa5: {  	s26 =	simm.s32 $execute0_lowered;
	[smem:$0x3FD2] =	sst s25  }
0xa6: {  	s5 =	sshll.u32 s26, $0x1;
	_ =	strace $0x80000049;
	[dreg:$0x1] =	wrdreg $0xFFFFFFFF  }
0xa7: {  	s28 =	simm.s32 $_size_execute0_lowered;
	s3 =	sadd.s32 s3, s5;
	[dreg:$0x0] =	wrdreg $0x0  }
0xa8: {  	s5 =	sshll.u32 s28, $0x1;
	[dreg:$0x2] =	wrdreg s3  }
0xa9: {  	[dreg:$0x3] =	wrdreg s5  }
0xaa: {  	[dreg:$0x4] =	wrdreg $0xC0  }
0xab: {  	_ =	task [dreg:s7], $0x5FFFF  }
0xac: {  	[dreg:$0x1] =	wrdreg $0xFFFFFFFF  }
0xad: {  	[dreg:$0x0] =	wrdreg $0x60  }
0xae: {  	[dreg:$0x2] =	wrdreg s24  }
0xaf: {  	[dreg:$0x3] =	wrdreg s2  }
0xb0: {  	[dreg:$0x4] =	wrdreg $0xB8000  }
0xb1: {  	[dreg:$0x5] =	wrdreg $0x90000  }
0xb2: {  	[dreg:$0x6] =	wrdreg $0x9  }
0xb3: {  	_ =	task.clear_ibuf [dreg:s7], $0x7FFFF;
	_ =	strace $0x90000049  }
0xb4: {  	s29 =	simm.s32 $0x9;
	_ =	strace $0x8000004B  }
0xb5: {  	_ =	swait.ge [sflag:s29], $0x1  }
0xb6: {  	[sflag:s29] =	ssyncadd.s32 $0xFFFFFFFF  }
0xb7: {  	_ =	strace $0x9000004B  }
0xb8: {  	_ =	sfence  }
0xb9: {  	s30 =	sld [smem:$0x0];
	_ =	sdelay $0x2  }
0xba: {  	s31 =	sshll.u32 s1, $0xD;
	s1 =	sshrl.u32 s1, $0x2  }
0xbb: {  	s3 =	sand.u32 $0x4000, s31;
	s1 =	sadd.s32 s1, s30  }
0xbc: {  	s0 =	sor.u32 s3, s0;
	s1 =	sshll.u32 s1, $0x11  }
0xbd: {  	s0 =	sor.u32 s1, s0  }
0xbe: {  	s0 =	sadd.s32 $0x8F2B, s0  }
0xbf: {  	[sflag:s0] =	ssyncadd.remote.s32 $0x1  }
0xc0: {  	_ =	sfence.sel $0xFFFF  }
0xc1: {  	[dreg:$0x0] =	wrdreg $0xFFFFFFFF;
	(pc) =	sbr.abs _section_cstart, $3  }
0xc2: {  	[dreg:$0x1] =	wrdreg $0xFFFFFFFF  }
0xc3: {  	_ =	task.clear_ibuf [dreg:s7], $0x2FFFF;
	_ =	strace $0x9FFFFFFF  }
0xc4: {  	(tm) =	ssettm $0x7FFFFFFF  }
0xc5: {  	_ =	shalt  }
tec
execute0_lowered:
.L_overlay_start_1:
0x0: {  	(tag) =	ssettag $0x1  }
0x1: {  	s0 =	rddreg [dreg:$0x0]  }
0x2: {  	s3 =	rddreg [dreg:$0x2]  }
0x3: {  	s4 =	rddreg [dreg:$0x3]  }
0x4: {  	s10 =	stileid.u32;
	s1 =	srdreg.scid  }
0x5: {  	s5 =	simm.s32 $0x0;
	s14 =	simm.s32 $0x12;
	s17 =	simm.s32 $0x80  }
0x6: {  	s18 =	simm.s32 $0x5000;
	s19 =	simm.s32 $0x5800;
	s21 =	simm.s32 $0x6000  }
0x7: {  	s28 =	simm.s32 $0x7800;
	s29 =	simm.s32 $0x3;
	s30 =	simm.s32 $0x8000  }
0x8: {  	s31 =	simm.s32 $0x4;
	s12 =	simm.s32 $0x6;
	s20 =	simm.s32 $0xA  }
0x9: {  	s11 =	simm.s32 $0x0;
	s2 =	smul.u32 $0x2800, s10;
	s1 =	sand.u32 $0x1, s1  }
0xa: {  	[smem:$0x7FF] =	sst s5;
	s23 =	sshll.u32 s10, $0x6;
	s6 =	sshll.u32 s1, $0x4  }
0xb: {  	s7 =	smul.u32 $0x28000, s1;
	_ =	strace $0x8000004A;
	s1 =	ssub.s32 $0x2, s1  }
0xc: {  	s8 =	sshrl.u32 s2, $0x3;
	s6 =	sor.u32 s10, s6;
	s9 =	sshrl.u32 s1, $0x1  }
0xd: {  	s24 =	sadd.s32 s2, s3;
	s10 =	sor.u32 $0x1C12, s23;
	s23 =	simm.s32 $0x6800  }
0xe: {  	s6 =	smul.u32 $0x500, s6;
	s7 =	sadd.s32 s2, s7;
	s8 =	sadd.s32 s8, s0  }
0xf: {  	s1 =	ssub.s32 s1, s9;
	s2 =	sadd.s32 s2, s4;
	s26 =	sshrl.u32 s24, $0x3  }
0x10: {  	s24 =	simm.s32 $0x1;
	[dreg:$0x8] =	wrdreg s10;
	s7 =	sshrl.u32 s7, $0x3  }
0x11: {  	s8 =	sadd.s32 $0xC400, s8;
	s25 =	smax.u32 s1, $0x1;
	[dreg:$0xb] =	wrdreg s26  }
0x12: {  	s15 =	sshrl.u32 s2, $0x3;
	s26 =	simm.s32 $0x2;
	[dreg:$0x7] =	wrdreg s8  }
0x13: {  	s1 =	simm.s32 $0x5;
	s6 =	sadd.s32 s6, s0;
	[dreg:$0xa] =	wrdreg s25  }
0x14: {  	s2 =	simm.s32 $0x9;
	[dreg:$0xc] =	wrdreg s15;
	s22 =	sadd.s32 $0x1B400, s6  }
0x15: {  	s0 =	sadd.s32 s7, s0;
	s6 =	sadd.s32 $0x2400, s6;
	[dreg:$0x5] =	wrdreg s22  }
0x16: {  	s25 =	simm.s32 $0x7000;
	s0 =	sadd.s32 $0x11400, s0;
	[dreg:$0x6] =	wrdreg s6  }
0x17: {  	s7 =	simm.s32 $0x8;
	s8 =	simm.s32 $0xC;
	[dreg:$0x9] =	wrdreg s0  }
0x18: {  	s0 =	simm.s32 $0x8800;
	s22 =	simm.s32 $0x7;
	s6 =	simm.s32 $0xB  }
.LBB2_1:
0x19: {  	s9 =	rddreg [dreg:$0x5]  }
0x1a: {  	[tilespmem:s5], [sflag:$0x11] =	stream.linear.gather [hbm4b:s9+s5], $0x2800, $0x38;
	[tilespmem:$0xE000] =	vst v63  }
0x1b: {  	s16 =	rddreg [dreg:$0x6];
	s13 =	simm.s32 $0x2800  }
0x1c: {  	[tilespmem:s13], [sflag:$0x11] =	stream.linear.gather [hbm4b:s16+s5], $0x2800, $0x38;
	[tilespmem:$0xE000] =	vst v63  }
0x1d: {  	s13 =	rddreg [dreg:$0x7]  }
0x1e: {  	s16 =	rddreg [dreg:$0xb]  }
0x1f: {  	[spmem:s16], [sflag:s10] =	dma.local [hbm:s13], $0x500  }
0x20: {  	_ =	swait.ge [sflag:s14], $0x500  }
0x21: {  	[sflag:s14] =	ssyncset.done $0x0  }
0x22: {  	[sflag:s14] =	ssyncadd.s32 $0xFFFFFB00  }
0x23: {  	s16 =	rddreg [dreg:$0x1]  }
0x24: {  	[spmem:s15], [sflag:s10] =	dma.local [hbm:s16], $0x500  }
0x25: {  	_ =	swait.ge [sflag:s14], $0x500  }
0x26: {  	[sflag:s14] =	ssyncset.done $0x0  }
0x27: {  	s10 =	simm.s32 $0x11;
	[sflag:s14] =	ssyncadd.s32 $0xFFFFFB00  }
0x28: {  	_ =	swait.ge [sflag:s10], $0x2800  }
0x29: {  	[sflag:s10] =	ssyncset.done $0x0  }
0x2a: {  	[sflag:s10] =	ssyncadd.s32 $0xFFFFD800  }
0x2b: {  	_ =	swait.ge [sflag:s10], $0x2800  }
0x2c: {  	[sflag:s10] =	ssyncset.done $0x0  }
0x2d: {  	[sflag:s10] =	ssyncadd.s32 $0xFFFFD800  }
0x2e: {  	[bflag:$0x0] =	sbarrier.arrive $0xFFFF  }
0x2f: {  	[tilespmem:s18], [sflag:$0x1] =	stream.indirect.gather [spmem:s3], $0x10, s5, s17, $0xb8;
	[tilespmem:$0xE000] =	vst v63  }
0x30: {  	_ = 	snop  }
0x31: {  	[tilespmem:s19], [sflag:$0x2] =	stream.indirect.gather [spmem:s3], $0x10, s17, s17, $0xb8;
	[tilespmem:$0xE000] =	vst v63  }
0x32: {  	s13 =	simm.s32 $0x100  }
0x33: {  	[tilespmem:s21], [sflag:$0x3] =	stream.indirect.gather [spmem:s3], $0x10, s13, s17, $0xb8;
	[tilespmem:$0xE000] =	vst v63  }
0x34: {  	s15 =	simm.s32 $0x180  }
0x35: {  	[tilespmem:s23], [sflag:$0x4] =	stream.indirect.gather [spmem:s3], $0x10, s15, s17, $0xb8;
	[tilespmem:$0xE000] =	vst v63  }
0x36: {  	_ =	swait.ge [sflag:s24], $0x800  }
0x37: {  	p0 =	por $0x1, $0x1;
	[sflag:s24] =	ssyncset.done $0x0  }
0x38: {  	s16 =	simm.s32 $0x2800;
	s13 =	simm.s32 @!p0 $0xD;
	[sflag:s24] =	ssyncadd.s32 $0xFFFFF800  }
0x39: {  	[spmem:s4] =	stream.indirect.scatter.add.f32 [tilespmem:s18], [sflag:$0x9], $0x10, s16, s17, $0xb8;
	[tilespmem:$0xE000] =	vst v63  }
0x3a: {  	_ =	swait.ge @!p0 [sflag:s13], $0x800  }
0x3b: {  	[sflag:s13] =	ssyncset.done @!p0 $0x0  }
0x3c: {  	s9 =	simm.s32 $0x200;
	[sflag:s13] =	ssyncadd.s32 @!p0 $0xFFFFF800  }
0x3d: {  	[tilespmem:s25], [sflag:$0x5] =	stream.indirect.gather [spmem:s3], $0x10, s9, s17, $0xb8;
	[tilespmem:$0xE000] =	vst v63  }
0x3e: {  	_ =	swait.ge [sflag:s26], $0x800  }
0x3f: {  	[sflag:s26] =	ssyncset.done $0x0  }
0x40: {  	s15 =	simm.s32 $0x2880;
	s13 =	simm.s32 @!p0 $0xE;
	[sflag:s26] =	ssyncadd.s32 $0xFFFFF800  }
0x41: {  	[spmem:s4] =	stream.indirect.scatter.add.f32 [tilespmem:s19], [sflag:$0xA], $0x10, s15, s17, $0xb8;
	[tilespmem:$0xE000] =	vst v63  }
0x42: {  	_ =	swait.ge @!p0 [sflag:s13], $0x800  }
0x43: {  	[sflag:s13] =	ssyncset.done @!p0 $0x0  }
0x44: {  	s16 =	simm.s32 $0x280;
	[sflag:s13] =	ssyncadd.s32 @!p0 $0xFFFFF800  }
0x45: {  	[tilespmem:s28], [sflag:$0x6] =	stream.indirect.gather [spmem:s3], $0x10, s16, s17, $0xb8;
	[tilespmem:$0xE000] =	vst v63  }
0x46: {  	_ =	swait.ge [sflag:s29], $0x800  }
0x47: {  	[sflag:s29] =	ssyncset.done $0x0  }
0x48: {  	s9 =	simm.s32 $0x2900;
	s13 =	simm.s32 @!p0 $0xF;
	[sflag:s29] =	ssyncadd.s32 $0xFFFFF800  }
0x49: {  	[spmem:s4] =	stream.indirect.scatter.add.f32 [tilespmem:s21], [sflag:$0xB], $0x10, s9, s17, $0xb8;
	[tilespmem:$0xE000] =	vst v63  }
0x4a: {  	_ =	swait.ge @!p0 [sflag:s13], $0x800  }
0x4b: {  	[sflag:s13] =	ssyncset.done @!p0 $0x0  }
0x4c: {  	s15 =	simm.s32 $0x300;
	[sflag:s13] =	ssyncadd.s32 @!p0 $0xFFFFF800  }
0x4d: {  	[tilespmem:s30], [sflag:$0x7] =	stream.indirect.gather [spmem:s3], $0x10, s15, s17, $0xb8;
	[tilespmem:$0xE000] =	vst v63  }
0x4e: {  	_ =	swait.ge [sflag:s31], $0x800  }
0x4f: {  	[sflag:s31] =	ssyncset.done $0x0  }
0x50: {  	s16 =	simm.s32 $0x2980;
	s13 =	simm.s32 @!p0 $0x10;
	[sflag:s31] =	ssyncadd.s32 $0xFFFFF800  }
0x51: {  	[spmem:s4] =	stream.indirect.scatter.add.f32 [tilespmem:s23], [sflag:$0xC], $0x10, s16, s17, $0xb8;
	[tilespmem:$0xE000] =	vst v63  }
0x52: {  	_ =	swait.ge @!p0 [sflag:s13], $0x800  }
0x53: {  	[sflag:s13] =	ssyncset.done @!p0 $0x0  }
0x54: {  	s9 =	simm.s32 $0x380;
	[sflag:s13] =	ssyncadd.s32 @!p0 $0xFFFFF800  }
0x55: {  	[tilespmem:s0], [sflag:$0x8] =	stream.indirect.gather [spmem:s3], $0x10, s9, s17, $0xb8;
	[tilespmem:$0xE000] =	vst v63  }
0x56: {  	_ =	swait.ge [sflag:s1], $0x800  }
0x57: {  	[sflag:s1] =	ssyncset.done $0x0  }
0x58: {  	s13 =	simm.s32 $0x2A00;
	[sflag:s1] =	ssyncadd.s32 $0xFFFFF800  }
0x59: {  	[spmem:s4] =	stream.indirect.scatter.add.f32 [tilespmem:s25], [sflag:$0xD], $0x10, s13, s17, $0xb8;
	[tilespmem:$0xE000] =	vst v63  }
0x5a: {  	s15 =	smin.u32 s5, $0x47;
	_ =	swait.ge [sflag:s2], $0x800  }
0x5b: {  	s10 =	sshll.u32 s15, $0x7;
	[sflag:s2] =	ssyncset.done $0x0  }
0x5c: {  	s10 =	sadd.s32 $0x400, s10;
	[sflag:s2] =	ssyncadd.s32 $0xFFFFF800  }
0x5d: {  	[tilespmem:s18], [sflag:$0x1] =	stream.indirect.gather [spmem:s3], $0x10, s10, s17, $0xb8;
	[tilespmem:$0xE000] =	vst v63  }
0x5e: {  	_ =	swait.ge [sflag:s12], $0x800  }
0x5f: {  	[sflag:s12] =	ssyncset.done $0x0  }
0x60: {  	s16 =	simm.s32 $0x2A80;
	[sflag:s12] =	ssyncadd.s32 $0xFFFFF800  }
0x61: {  	[spmem:s4] =	stream.indirect.scatter.add.f32 [tilespmem:s28], [sflag:$0xE], $0x10, s16, s17, $0xb8;
	[tilespmem:$0xE000] =	vst v63  }
0x62: {  	s9 =	smin.u32 s5, $0x46;
	_ =	swait.ge [sflag:s20], $0x800  }
0x63: {  	s10 =	sshll.u32 s9, $0x7;
	[sflag:s20] =	ssyncset.done $0x0  }
0x64: {  	s10 =	sadd.s32 $0x480, s10;
	[sflag:s20] =	ssyncadd.s32 $0xFFFFF800  }
0x65: {  	[tilespmem:s19], [sflag:$0x2] =	stream.indirect.gather [spmem:s3], $0x10, s10, s17, $0xb8;
	[tilespmem:$0xE000] =	vst v63  }
0x66: {  	_ =	swait.ge [sflag:s22], $0x800  }
0x67: {  	[sflag:s22] =	ssyncset.done $0x0  }
0x68: {  	s13 =	simm.s32 $0x2B00;
	[sflag:s22] =	ssyncadd.s32 $0xFFFFF800  }
0x69: {  	[spmem:s4] =	stream.indirect.scatter.add.f32 [tilespmem:s30], [sflag:$0xF], $0x10, s13, s17, $0xb8;
	[tilespmem:$0xE000] =	vst v63  }
0x6a: {  	s15 =	smin.u32 s5, $0x45;
	_ =	swait.ge [sflag:s6], $0x800  }
0x6b: {  	s10 =	sshll.u32 s15, $0x7;
	[sflag:s6] =	ssyncset.done $0x0  }
0x6c: {  	s10 =	sadd.s32 $0x500, s10;
	[sflag:s6] =	ssyncadd.s32 $0xFFFFF800  }
0x6d: {  	[tilespmem:s21], [sflag:$0x3] =	stream.indirect.gather [spmem:s3], $0x10, s10, s17, $0xb8;
	[tilespmem:$0xE000] =	vst v63  }
0x6e: {  	_ =	swait.ge [sflag:s7], $0x800  }
0x6f: {  	[sflag:s7] =	ssyncset.done $0x0  }
0x70: {  	s9 =	smin.u32 s5, $0x44;
	s16 =	simm.s32 $0x2B80;
	[sflag:s7] =	ssyncadd.s32 $0xFFFFF800  }
0x71: {  	[spmem:s4] =	stream.indirect.scatter.add.f32 [tilespmem:s0], [sflag:$0x10], $0x10, s16, s17, $0xb8;
	[tilespmem:$0xE000] =	vst v63  }
0x72: {  	s13 =	simm.s32 $0x1000;
	s16 =	sshll.u32 s9, $0x7;
	_ =	swait.ge [sflag:s8], $0x800  }
0x73: {  	s10 =	simm.s32 $0x0;
	s15 =	sadd.s32 $0x580, s16;
	[sflag:s8] =	ssyncset.done $0x0  }
.LBB2_2:
0x74: {  	[sflag:s8] =	ssyncadd.s32 $0xFFFFF800  }
0x75: {  	s10 =	sadd.s32 $0x8, s10;
	s9 =	smov.u32 s13;
	s13 =	sadd.s32 $0x1000, s13  }
0x76: {  	[tilespmem:s23], [sflag:$0x4] =	stream.indirect.gather [spmem:s3], $0x10, s15, s17, $0xb8;
	[tilespmem:$0xE000] =	vst v63  }
0x77: {  	s15 =	sshra.s32 s9, $0x2;
	p0 =	sne.s32 s13, $0xA000;
	_ =	swait.ge [sflag:s24], $0x800  }
0x78: {  	p1 =	seq.s32 s9, $0x0;
	s16 =	sadd.s32 $0x2800, s15;
	[sflag:s24] =	ssyncset.done $0x0  }
0x79: {  	s9 =	simm.s32 @!p1 $0xD;
	[sflag:s24] =	ssyncadd.s32 $0xFFFFF800  }
0x7a: {  	[spmem:s4] =	stream.indirect.scatter.add.f32 [tilespmem:s18], [sflag:$0x9], $0x10, s16, s17, $0xb8;
	[tilespmem:$0xE000] =	vst v63  }
0x7b: {  	_ =	swait.ge @!p1 [sflag:s9], $0x800  }
0x7c: {  	s16 =	sadd.s32 $0x200, s15;
	[sflag:s9] =	ssyncset.done @!p1 $0x0  }
0x7d: {  	[sflag:s9] =	ssyncadd.s32 @!p1 $0xFFFFF800  }
0x7e: {  	[tilespmem:s25], [sflag:$0x5] =	stream.indirect.gather [spmem:s3], $0x10, s16, s17, $0xb8;
	[tilespmem:$0xE000] =	vst v63  }
0x7f: {  	_ =	swait.ge [sflag:s26], $0x800  }
0x80: {  	s9 =	sadd.s32 $0x2880, s15;
	[sflag:s26] =	ssyncset.done $0x0  }
0x81: {  	s16 =	simm.s32 @!p1 $0xE;
	[sflag:s26] =	ssyncadd.s32 $0xFFFFF800  }
0x82: {  	[spmem:s4] =	stream.indirect.scatter.add.f32 [tilespmem:s19], [sflag:$0xA], $0x10, s9, s17, $0xb8;
	[tilespmem:$0xE000] =	vst v63  }
0x83: {  	_ =	swait.ge @!p1 [sflag:s16], $0x800  }
0x84: {  	s9 =	sadd.s32 $0x280, s15;
	[sflag:s16] =	ssyncset.done @!p1 $0x0  }
0x85: {  	[sflag:s16] =	ssyncadd.s32 @!p1 $0xFFFFF800  }
0x86: {  	[tilespmem:s28], [sflag:$0x6] =	stream.indirect.gather [spmem:s3], $0x10, s9, s17, $0xb8;
	[tilespmem:$0xE000] =	vst v63  }
0x87: {  	_ =	swait.ge [sflag:s29], $0x800  }
0x88: {  	s9 =	sadd.s32 $0x2900, s15;
	[sflag:s29] =	ssyncset.done $0x0  }
0x89: {  	s16 =	simm.s32 @!p1 $0xF;
	[sflag:s29] =	ssyncadd.s32 $0xFFFFF800  }
0x8a: {  	[spmem:s4] =	stream.indirect.scatter.add.f32 [tilespmem:s21], [sflag:$0xB], $0x10, s9, s17, $0xb8;
	[tilespmem:$0xE000] =	vst v63  }
0x8b: {  	_ =	swait.ge @!p1 [sflag:s16], $0x800  }
0x8c: {  	s9 =	sadd.s32 $0x300, s15;
	[sflag:s16] =	ssyncset.done @!p1 $0x0  }
0x8d: {  	[sflag:s16] =	ssyncadd.s32 @!p1 $0xFFFFF800  }
0x8e: {  	[tilespmem:s30], [sflag:$0x7] =	stream.indirect.gather [spmem:s3], $0x10, s9, s17, $0xb8;
	[tilespmem:$0xE000] =	vst v63  }
0x8f: {  	_ =	swait.ge [sflag:s31], $0x800  }
0x90: {  	s9 =	sadd.s32 $0x2980, s15;
	[sflag:s31] =	ssyncset.done $0x0  }
0x91: {  	s16 =	simm.s32 @!p1 $0x10;
	[sflag:s31] =	ssyncadd.s32 $0xFFFFF800  }
0x92: {  	[spmem:s4] =	stream.indirect.scatter.add.f32 [tilespmem:s23], [sflag:$0xC], $0x10, s9, s17, $0xb8;
	[tilespmem:$0xE000] =	vst v63  }
0x93: {  	_ =	swait.ge @!p1 [sflag:s16], $0x800  }
0x94: {  	s9 =	sadd.s32 $0x380, s15;
	[sflag:s16] =	ssyncset.done @!p1 $0x0  }
0x95: {  	[sflag:s16] =	ssyncadd.s32 @!p1 $0xFFFFF800  }
0x96: {  	[tilespmem:s0], [sflag:$0x8] =	stream.indirect.gather [spmem:s3], $0x10, s9, s17, $0xb8;
	[tilespmem:$0xE000] =	vst v63  }
0x97: {  	_ =	swait.ge [sflag:s1], $0x800  }
0x98: {  	s9 =	sadd.s32 $0x2A00, s15;
	[sflag:s1] =	ssyncset.done $0x0  }
0x99: {  	s16 =	smin.u32 s10, $0x47;
	[sflag:s1] =	ssyncadd.s32 $0xFFFFF800  }
0x9a: {  	[spmem:s4] =	stream.indirect.scatter.add.f32 [tilespmem:s25], [sflag:$0xD], $0x10, s9, s17, $0xb8;
	[tilespmem:$0xE000] =	vst v63  }
0x9b: {  	s9 =	sshll.u32 s16, $0x7;
	_ =	swait.ge [sflag:s2], $0x800  }
0x9c: {  	s9 =	sadd.s32 $0x400, s9;
	[sflag:s2] =	ssyncset.done $0x0  }
0x9d: {  	[sflag:s2] =	ssyncadd.s32 $0xFFFFF800  }
0x9e: {  	[tilespmem:s18], [sflag:$0x1] =	stream.indirect.gather [spmem:s3], $0x10, s9, s17, $0xb8;
	[tilespmem:$0xE000] =	vst v63  }
0x9f: {  	_ =	swait.ge [sflag:s12], $0x800  }
0xa0: {  	s9 =	sadd.s32 $0x2A80, s15;
	[sflag:s12] =	ssyncset.done $0x0  }
0xa1: {  	s16 =	smin.u32 s10, $0x46;
	[sflag:s12] =	ssyncadd.s32 $0xFFFFF800  }
0xa2: {  	[spmem:s4] =	stream.indirect.scatter.add.f32 [tilespmem:s28], [sflag:$0xE], $0x10, s9, s17, $0xb8;
	[tilespmem:$0xE000] =	vst v63  }
0xa3: {  	s9 =	sshll.u32 s16, $0x7;
	_ =	swait.ge [sflag:s20], $0x800  }
0xa4: {  	s9 =	sadd.s32 $0x480, s9;
	[sflag:s20] =	ssyncset.done $0x0  }
0xa5: {  	[sflag:s20] =	ssyncadd.s32 $0xFFFFF800  }
0xa6: {  	[tilespmem:s19], [sflag:$0x2] =	stream.indirect.gather [spmem:s3], $0x10, s9, s17, $0xb8;
	[tilespmem:$0xE000] =	vst v63  }
0xa7: {  	_ =	swait.ge [sflag:s22], $0x800  }
0xa8: {  	s9 =	sadd.s32 $0x2B00, s15;
	[sflag:s22] =	ssyncset.done $0x0  }
0xa9: {  	s16 =	smin.u32 s10, $0x45;
	[sflag:s22] =	ssyncadd.s32 $0xFFFFF800  }
0xaa: {  	[spmem:s4] =	stream.indirect.scatter.add.f32 [tilespmem:s30], [sflag:$0xF], $0x10, s9, s17, $0xb8;
	[tilespmem:$0xE000] =	vst v63  }
0xab: {  	s9 =	sshll.u32 s16, $0x7;
	_ =	swait.ge [sflag:s6], $0x800  }
0xac: {  	s9 =	sadd.s32 $0x500, s9;
	[sflag:s6] =	ssyncset.done $0x0  }
0xad: {  	[sflag:s6] =	ssyncadd.s32 $0xFFFFF800  }
0xae: {  	[tilespmem:s21], [sflag:$0x3] =	stream.indirect.gather [spmem:s3], $0x10, s9, s17, $0xb8;
	[tilespmem:$0xE000] =	vst v63  }
0xaf: {  	_ =	swait.ge [sflag:s7], $0x800  }
.Ltmp0:
0xb0: {  	s9 =	sadd.s32 $0x2B80, s15;
	[sflag:s7] =	ssyncset.done $0x0;
	(pc) =	sbr.rel @p0 .LBB2_2-.Ltmp0, $4  }
0xb1: {  	s15 =	smin.u32 s10, $0x44;
	[sflag:s7] =	ssyncadd.s32 $0xFFFFF800  }
0xb2: {  	[spmem:s4] =	stream.indirect.scatter.add.f32 [tilespmem:s0], [sflag:$0x10], $0x10, s9, s17, $0xb8;
	[tilespmem:$0xE000] =	vst v63  }
0xb3: {  	s9 =	sshll.u32 s15, $0x7;
	_ =	swait.ge [sflag:s8], $0x800  }
0xb4: {  	s15 =	sadd.s32 $0x580, s9;
	[sflag:s8] =	ssyncset.done $0x0  }
0xb5: {  	[sflag:s8] =	ssyncadd.s32 $0xFFFFF800;
	s9 =	simm.s32 $0xD  }
0xb6: {  	[tilespmem:s23], [sflag:$0x4] =	stream.indirect.gather [spmem:s3], $0x10, s15, s17, $0xb8;
	[tilespmem:$0xE000] =	vst v63  }
0xb7: {  	_ =	swait.ge [sflag:s9], $0x800  }
0xb8: {  	[sflag:s9] =	ssyncset.done $0x0  }
0xb9: {  	[sflag:s9] =	ssyncadd.s32 $0xFFFFF800  }
0xba: {  	_ =	swait.ge [sflag:s24], $0x800  }
0xbb: {  	[sflag:s24] =	ssyncset.done $0x0  }
0xbc: {  	s15 =	simm.s32 $0xE;
	[sflag:s24] =	ssyncadd.s32 $0xFFFFF800  }
0xbd: {  	_ =	swait.ge [sflag:s15], $0x800  }
0xbe: {  	[sflag:s15] =	ssyncset.done $0x0  }
0xbf: {  	[sflag:s15] =	ssyncadd.s32 $0xFFFFF800  }
0xc0: {  	_ =	swait.ge [sflag:s26], $0x800  }
0xc1: {  	[sflag:s26] =	ssyncset.done $0x0  }
0xc2: {  	s16 =	simm.s32 $0xF;
	[sflag:s26] =	ssyncadd.s32 $0xFFFFF800  }
0xc3: {  	_ =	swait.ge [sflag:s16], $0x800  }
0xc4: {  	[sflag:s16] =	ssyncset.done $0x0  }
0xc5: {  	[sflag:s16] =	ssyncadd.s32 $0xFFFFF800  }
0xc6: {  	_ =	swait.ge [sflag:s29], $0x800  }
0xc7: {  	[sflag:s29] =	ssyncset.done $0x0  }
0xc8: {  	s10 =	simm.s32 $0x10;
	[sflag:s29] =	ssyncadd.s32 $0xFFFFF800  }
0xc9: {  	_ =	swait.ge [sflag:s10], $0x800  }
0xca: {  	[sflag:s10] =	ssyncset.done $0x0  }
0xcb: {  	[sflag:s10] =	ssyncadd.s32 $0xFFFFF800  }
0xcc: {  	_ =	swait.ge [sflag:s31], $0x800  }
0xcd: {  	[sflag:s31] =	ssyncset.done $0x0  }
0xce: {  	[sflag:s31] =	ssyncadd.s32 $0xFFFFF800  }
0xcf: {  	[bflag:$0x0] =	sbarrier.arrive $0xFFFF  }
0xd0: {  	s10 =	rddreg [dreg:$0x8]  }
0xd1: {  	s13 =	rddreg [dreg:$0x9]  }
0xd2: {  	s15 =	rddreg [dreg:$0xc]  }
0xd3: {  	[hbm:s13], [sflag:s10] =	dma.local [spmem:s15], $0x500  }
0xd4: {  	_ =	swait.ge [sflag:s14], $0x500  }
0xd5: {  	s11 =	sadd.s32 $0x1, s11;
	s16 =	rddreg [dreg:$0xa]  }
0xd6: {  	p0 =	sne.s32 s11, s16  }
.Ltmp1:
0xd7: {  	_ = 	snop;
	(pc) =	sbr.rel @p0 .LBB2_1-.Ltmp1, $3  }
0xd8: {  	_ =	sdelay $0x1  }
0xd9: {  	[sflag:s14] =	ssyncset.done $0x0  }
0xda: {  	[sflag:s14] =	ssyncadd.s32 $0xFFFFFB00  }
0xdb: {  	_ =	sfence.sel $0x180000  }
0xdc: {  	[bflag:$0x0] =	sbarrier.arrive $0xFFFF  }
0xdd: {  	_ =	strace $0x9000004A  }
0xde: {  	s0 =	stileid.u32;
	[bflag:$0x2] =	sbarrier.arrive $0xFFFF  }
0xdf: {  	p0 =	sne.s32 s0, $0x0;
	s0 =	rddreg [dreg:$0x4]  }
0xe0: {  	s0 =	sadd.s32 @!p0 $0x100000, s0  }
0xe1: {  	[sflag:s0] =	ssyncadd.tile.s32 @!p0 $0x1;
	_ =	shalt  }
.Lfunc_end2:
_tile_overlayer_lowered:
.L_overlay_start_2:
0xe2: {  	(tag) =	ssettag $0x2  }
0xe3: {  	s0 =	rddreg [dreg:$0x0];
	s2 =	stileid.u32  }
0xe4: {  	s1 =	rddreg [dreg:$0x1];
	p0 =	sne.s32 s2, $0x0  }
0xe5: {  	s3 =	rddreg [dreg:$0x2];
	[bflag:$0x3] =	sbarrier.arrive $0xFFFF;
	s2 =	simm.s32 @!p0 $0x1C12  }
0xe6: {  	[timem:s3], [sflag:s2] =	dma.local @!p0 [hbm:s0], s1  }
0xe7: {  	s0 =	simm.s32 @!p0 $0x12  }
0xe8: {  	_ =	swait.ge @!p0 [sflag:s0], s1  }
0xe9: {  	s1 =	ssub.s32 @!p0 $0x0, s1;
	[sflag:s0] =	ssyncset.done @!p0 $0x0  }
0xea: {  	[sflag:s0] =	ssyncadd.s32 @!p0 s1  }
0xeb: {  	[bflag:$0x3] =	sbarrier.arrive $0xFFFF  }
0xec: {  	_ =	shalt  }

// kernel: kernel.14.cloned.1.call-start
scs
__scs_entry_jumppad:
0x0: {  	(pc) =	sbr.rel $0x88, $3  }
0x1: {  	(tag) =	ssettag $0x0;
	lr =	simm.s32 $0x1  }
0x2: {  	[smem:$0x3F9B] =	sst lr;
	_ =	strace $0xD0000000  }
0x3: {  	_ = 	snop  }
0x4: {  	_ = 	snop  }
0x5: {  	_ = 	snop  }
0x6: {  	_ = 	snop  }
0x7: {  	_ = 	snop  }
__scs_overlays_trampoline_lowered:
0x8: {  	[smem:$0x3FAA] =	sst s0  }
0x9: {  	[smem:$0x3FAB] =	sst s1  }
0xa: {  	[smem:$0x3FAC] =	sst s2  }
0xb: {  	[smem:$0x3FAD] =	sst s3  }
0xc: {  	[smem:$0x3FAE] =	sst s4  }
0xd: {  	[smem:$0x3FAF] =	sst s5  }
0xe: {  	[smem:$0x3FB0] =	sst s6  }
0xf: {  	[smem:$0x3FB1] =	sst s7  }
0x10: {  	[smem:$0x3FB2] =	sst s8  }
0x11: {  	[smem:$0x3FB3] =	sst s9;
	s0 =	simm.s32 @!p0 $0x0  }
0x12: {  	s1 =	sld [smem:$0x3F99];
	s0 =	simm.s32 @p0 $0x1  }
0x13: {  	[smem:$0x3FB4] =	sst s0;
	s0 =	simm.s32 @!p1 $0x0  }
0x14: {  	s2 =	sld [smem:$0x3F98];
	s0 =	simm.s32 @p1 $0x1  }
0x15: {  	[smem:$0x3FB5] =	sst s0;
	s0 =	simm.s32 @!p2 $0x0  }
0x16: {  	s3 =	sld [smem:$0x3FDB];
	s0 =	simm.s32 @p2 $0x1  }
0x17: {  	s4 =	simm.s32 $0x1BF5;
	[smem:$0x3FB7] =	sst s0  }
0x18: {  	s0 =	sld [smem:$0x3F9A];
	_ =	swait.ge [sflag:s4], $0x0  }
0x19: {  	s7 =	sld [smem:$0x3F9B]  }
0x1a: {  	s8 =	sadd.s32 $0xFFFFE003, lr  }
0x1b: {  	s9 =	sadd.s32 $0xFFFFFEF7, lr;
	s5 =	simm.s32 $0xFFFFFFFF;
	p2 =	slt.u32 s8, $0xFFFFF086  }
0x1c: {  	p1 =	slt.u32 s9, $0xF7A;
	s5 =	simm.s32 @!p2 $0x0  }
0x1d: {  	s5 =	simm.s32 @p1 $0x1;
	p0 =	seq.s32 s7, s2  }
0x1e: {  	s7 =	smul.u32 @!p0 $0xF7A, s2;
	p2 =	seq.s32 @!p0 s5, $0x0  }
0x1f: {  	s9 =	smul.u32 $0xF7A, s1;
	s8 =	simm.s32 @!p0 $0x1BF5;
	p2 =	por !p2, p0  }
0x20: {  	[sflag:s8] =	ssyncset.s32 @!p0 $0xFFFFF086;
	s6 =	sadd.s32 @!p0 s3, s7;
	s7 =	simm.s32 @!p0 $0x108  }
0x21: {  	s3 =	sadd.s32 s3, s9;
	s6 =	sadd.s32 @!p0 $0x88, s6;
	s7 =	simm.s32 @p2 $0x1082  }
0x22: {  	[simem:s7], [sflag:s8] =	dma.local @!p0 [hbm:s6], $0xF7A  }
0x23: {  	s9 =	sor.u32 $0xD0000000, s2;
	s6 =	simm.s32 $0x108;
	_ =	swait.ge @!p0 [sflag:s8], $0x0  }
0x24: {  	s3 =	sadd.s32 $0x88, s3;
	s6 =	simm.s32 @!p1 $0x1082;
	[sflag:s4] =	ssyncset.s32 $0xFFFFF086  }
0x25: {  	[simem:s6], [sflag:s4] =	dma.local [hbm:s3], $0xF7A  }
0x26: {  	[smem:$0x3F9B] =	sst s1;
	(tag) =	ssettag s2;
	_ =	strace s9  }
0x27: {  	s1 =	sld [smem:$0x3FAB]  }
0x28: {  	s2 =	sld [smem:$0x3FAC]  }
0x29: {  	s4 =	sld [smem:$0x3FAE]  }
0x2a: {  	p0 =	seq.s32 s5, $0x0;
	s5 =	sld [smem:$0x3FAF]  }
0x2b: {  	s6 =	sld [smem:$0x3FB0]  }
0x2c: {  	s7 =	sld [smem:$0x3FB1]  }
0x2d: {  	s3 =	simm.s32 $0x108;
	s8 =	sld [smem:$0x3FB2]  }
0x2e: {  	s3 =	simm.s32 @!p0 $0x1082;
	s9 =	sld [smem:$0x3FB3]  }
0x2f: {  	lr =	sadd.s32 s0, s3;
	s0 =	sld [smem:$0x3FAA]  }
0x30: {  	s3 =	sld [smem:$0x3FAD]  }
0x31: {  	[smem:$0x3FB6] =	sst s10  }
0x32: {  	s10 =	sld [smem:$0x3FB4];
	_ =	sdelay $0x3  }
0x33: {  	p0 =	seq.s32 s10, $0x1;
	s10 =	sld [smem:$0x3FB6];
	_ =	sdelay $0x3  }
0x34: {  	[smem:$0x3FB6] =	sst s10  }
0x35: {  	s10 =	sld [smem:$0x3FB5];
	_ =	sdelay $0x3  }
0x36: {  	p1 =	seq.s32 s10, $0x1;
	s10 =	sld [smem:$0x3FB6];
	_ =	sdelay $0x3  }
0x37: {  	[smem:$0x3FB6] =	sst s10  }
0x38: {  	s10 =	sld [smem:$0x3FB7]  }
0x39: {  	_ = 	snop;
	(pc) =	sbr.ind lr, $3  }
0x3a: {  	_ = 	snop  }
0x3b: {  	_ = 	snop  }
0x3c: {  	p2 =	seq.s32 s10, $0x1;
	s10 =	sld [smem:$0x3FB6]  }
0x3d: {  	_ =	shalt  }
0x3e: {  	_ =	shalt  }
0x3f: {  	_ =	shalt  }
0x40: {  	_ =	shalt  }
0x41: {  	_ =	shalt  }
0x42: {  	_ =	shalt  }
0x43: {  	_ =	shalt  }
0x44: {  	_ =	shalt  }
0x45: {  	_ =	shalt  }
0x46: {  	_ =	shalt  }
0x47: {  	_ =	shalt  }
0x48: {  	_ =	shalt  }
0x49: {  	_ =	shalt  }
0x4a: {  	_ =	shalt  }
0x4b: {  	_ =	shalt  }
0x4c: {  	_ =	shalt  }
0x4d: {  	_ =	shalt  }
0x4e: {  	_ =	shalt  }
0x4f: {  	_ =	shalt  }
0x50: {  	_ =	shalt  }
0x51: {  	_ =	shalt  }
0x52: {  	_ =	shalt  }
0x53: {  	_ =	shalt  }
0x54: {  	_ =	shalt  }
0x55: {  	_ =	shalt  }
0x56: {  	_ =	shalt  }
0x57: {  	_ =	shalt  }
0x58: {  	_ =	shalt  }
0x59: {  	_ =	shalt  }
0x5a: {  	_ =	shalt  }
0x5b: {  	_ =	shalt  }
0x5c: {  	_ =	shalt  }
0x5d: {  	_ =	shalt  }
0x5e: {  	_ =	shalt  }
0x5f: {  	_ =	shalt  }
0x60: {  	_ =	shalt  }
0x61: {  	_ =	shalt  }
0x62: {  	_ =	shalt  }
0x63: {  	_ =	shalt  }
0x64: {  	_ =	shalt  }
0x65: {  	_ =	shalt  }
0x66: {  	_ =	shalt  }
0x67: {  	_ =	shalt  }
0x68: {  	_ =	shalt  }
0x69: {  	_ =	shalt  }
0x6a: {  	_ =	shalt  }
0x6b: {  	_ =	shalt  }
0x6c: {  	_ =	shalt  }
0x6d: {  	_ =	shalt  }
0x6e: {  	_ =	shalt  }
0x6f: {  	_ =	shalt  }
0x70: {  	_ =	shalt  }
0x71: {  	_ =	shalt  }
0x72: {  	_ =	shalt  }
0x73: {  	_ =	shalt  }
0x74: {  	_ =	shalt  }
0x75: {  	_ =	shalt  }
0x76: {  	_ =	shalt  }
0x77: {  	_ =	shalt  }
0x78: {  	_ =	shalt  }
0x79: {  	_ =	shalt  }
0x7a: {  	_ =	shalt  }
0x7b: {  	_ =	shalt  }
0x7c: {  	_ =	shalt  }
0x7d: {  	_ =	shalt  }
0x7e: {  	_ =	shalt  }
0x7f: {  	_ =	shalt  }
0x80: {  	_ =	shalt  }
0x81: {  	_ =	shalt  }
0x82: {  	_ =	shalt  }
0x83: {  	_ =	shalt  }
0x84: {  	_ =	shalt  }
0x85: {  	_ =	shalt  }
0x86: {  	_ =	shalt  }
0x87: {  	_ =	shalt  }
.Lfunc_end0:
.L_simem_size_0:
called_computation.2_lowered:
.L_overlay_start_0:
0x88: {  	s2 =	sld [smem:$0x3FD9]  }
0x89: {  	s3 =	sld [smem:$0x3FFE];
	_ =	sdelay $0x1  }
0x8a: {  	s1 =	srdreg.scid  }
0x8b: {  	s0 =	sand.u32 $0x1, s1  }
0x8c: {  	s17 =	sshll.u32 s0, $0xA;
	s2 =	sadd.s32 s3, s2  }
0x8d: {  	s2 =	sadd.s32 s2, s17  }
0x8e: {  	[smem:$0x3FC2] =	sst s2  }
0x8f: {  	_ = 	snop  }
0x90: {  	s2 =	sld [smem:$0x3FD0];
	(tm) =	ssettm $0x1  }
0x91: {  	s18 =	sld [smem:$0x3FFB];
	_ =	sdelay $0x3  }
0x92: {  	_ =	strace s18  }
0x93: {  	s3 =	sld [smem:$0x3FFC];
	_ =	sdelay $0x3  }
0x94: {  	_ =	strace s3  }
0x95: {  	s3 =	sld [smem:$0x3FFD];
	_ =	sdelay $0x3  }
0x96: {  	_ =	strace s3  }
0x97: {  	_ =	strace $0x8FFFFFFF  }
0x98: {  	s19 =	sld [smem:$0x3FDB];
	_ =	sdelay $0x1  }
0x99: {  	s4 =	simm.s32 $_scs_section_size  }
0x9a: {  	s5 =	simm.s32 $_size__tile_overlayer_lowered;
	s6 =	simm.s32 $_tile_overlayer_lowered  }
0x9b: {  	s22 =	simm.s32 $0x1BFF;
	s21 =	sshll.u32 s6, $0x1;
	s3 =	sadd.s32 s4, s19  }
0x9c: {  	s7 =	simm.s32 $0x0;
	s20 =	sshll.u32 s5, $0x1;
	s5 =	sadd.s32 s21, s3  }
0x9d: {  	[timem:s7], [sflag:s22] =	dma.local [hbm:s5], s20  }
0x9e: {  	_ =	swait.ge [sflag:s22], s20  }
0x9f: {  	s4 =	ssub.s32 $0x0, s20;
	[sflag:s22] =	ssyncset.done $0x0  }
0xa0: {  	[sflag:s22] =	ssyncadd.s32 s4;
	_ =	sdelay $0x1  }
0xa1: {  	s23 =	simm.s32 $0x1B8B  }
0xa2: {  	_ =	swait.ge [sflag:s23], $0x1  }
0xa3: {  	[sflag:s23] =	ssyncset.done $0x0  }
0xa4: {  	s25 =	simm.s32 $0x1B8E;
	s24 =	sld [smem:$0x3FFE];
	[sflag:s23] =	ssyncadd.s32 $0xFFFFFFFF  }
0xa5: {  	s26 =	simm.s32 $execute0_lowered;
	[smem:$0x3FD2] =	sst s25  }
0xa6: {  	s5 =	sshll.u32 s26, $0x1;
	_ =	strace $0x8000004C;
	[dreg:$0x1] =	wrdreg $0xFFFFFFFF  }
0xa7: {  	s28 =	simm.s32 $_size_execute0_lowered;
	s3 =	sadd.s32 s3, s5;
	[dreg:$0x0] =	wrdreg $0x0  }
0xa8: {  	s5 =	sshll.u32 s28, $0x1;
	[dreg:$0x2] =	wrdreg s3  }
0xa9: {  	[dreg:$0x3] =	wrdreg s5  }
0xaa: {  	[dreg:$0x4] =	wrdreg $0xC0  }
0xab: {  	_ =	task [dreg:s7], $0x5FFFF  }
0xac: {  	[dreg:$0x1] =	wrdreg $0xFFFFFFFF  }
0xad: {  	[dreg:$0x0] =	wrdreg $0x60  }
0xae: {  	[dreg:$0x2] =	wrdreg s24  }
0xaf: {  	[dreg:$0x3] =	wrdreg s2  }
0xb0: {  	[dreg:$0x4] =	wrdreg $0xB8000  }
0xb1: {  	[dreg:$0x5] =	wrdreg $0x90000  }
0xb2: {  	[dreg:$0x6] =	wrdreg $0x9  }
0xb3: {  	_ =	task.clear_ibuf [dreg:s7], $0x7FFFF;
	_ =	strace $0x9000004C  }
0xb4: {  	s29 =	simm.s32 $0x9;
	_ =	strace $0x8000004E  }
0xb5: {  	_ =	swait.ge [sflag:s29], $0x1  }
0xb6: {  	[sflag:s29] =	ssyncadd.s32 $0xFFFFFFFF  }
0xb7: {  	_ =	strace $0x9000004E  }
0xb8: {  	_ =	sfence  }
0xb9: {  	s30 =	sld [smem:$0x0];
	_ =	sdelay $0x2  }
0xba: {  	s31 =	sshll.u32 s1, $0xD;
	s1 =	sshrl.u32 s1, $0x2  }
0xbb: {  	s3 =	sand.u32 $0x4000, s31;
	s1 =	sadd.s32 s1, s30  }
0xbc: {  	s0 =	sor.u32 s3, s0;
	s1 =	sshll.u32 s1, $0x11  }
0xbd: {  	s0 =	sor.u32 s1, s0  }
0xbe: {  	s0 =	sadd.s32 $0x8F2B, s0  }
0xbf: {  	[sflag:s0] =	ssyncadd.remote.s32 $0x1  }
0xc0: {  	_ =	sfence.sel $0xFFFF  }
0xc1: {  	[dreg:$0x0] =	wrdreg $0xFFFFFFFF;
	(pc) =	sbr.abs _section_cstart, $3  }
0xc2: {  	[dreg:$0x1] =	wrdreg $0xFFFFFFFF  }
0xc3: {  	_ =	task.clear_ibuf [dreg:s7], $0x2FFFF;
	_ =	strace $0x9FFFFFFF  }
0xc4: {  	(tm) =	ssettm $0x7FFFFFFF  }
0xc5: {  	_ =	shalt  }
tec
execute0_lowered:
.L_overlay_start_1:
0x0: {  	(tag) =	ssettag $0x1  }
0x1: {  	s0 =	rddreg [dreg:$0x0]  }
0x2: {  	s3 =	rddreg [dreg:$0x2]  }
0x3: {  	s4 =	rddreg [dreg:$0x3]  }
0x4: {  	s10 =	stileid.u32;
	s1 =	srdreg.scid  }
0x5: {  	s5 =	simm.s32 $0x0;
	s14 =	simm.s32 $0x12;
	s17 =	simm.s32 $0x80  }
0x6: {  	s18 =	simm.s32 $0x5000;
	s19 =	simm.s32 $0x5800;
	s21 =	simm.s32 $0x6000  }
0x7: {  	s28 =	simm.s32 $0x7800;
	s29 =	simm.s32 $0x3;
	s30 =	simm.s32 $0x8000  }
0x8: {  	s31 =	simm.s32 $0x4;
	s12 =	simm.s32 $0x6;
	s20 =	simm.s32 $0xA  }
0x9: {  	s11 =	simm.s32 $0x0;
	s2 =	smul.u32 $0x2800, s10;
	s1 =	sand.u32 $0x1, s1  }
0xa: {  	[smem:$0x7FF] =	sst s5;
	s23 =	sshll.u32 s10, $0x6;
	s6 =	sshll.u32 s1, $0x4  }
0xb: {  	s7 =	smul.u32 $0x28000, s1;
	_ =	strace $0x8000004D;
	s1 =	ssub.s32 $0x2, s1  }
0xc: {  	s8 =	sshrl.u32 s2, $0x3;
	s6 =	sor.u32 s10, s6;
	s9 =	sshrl.u32 s1, $0x1  }
0xd: {  	s24 =	sadd.s32 s2, s3;
	s10 =	sor.u32 $0x1C12, s23;
	s23 =	simm.s32 $0x6800  }
0xe: {  	s6 =	smul.u32 $0x500, s6;
	s7 =	sadd.s32 s2, s7;
	s8 =	sadd.s32 s8, s0  }
0xf: {  	s1 =	ssub.s32 s1, s9;
	s2 =	sadd.s32 s2, s4;
	s26 =	sshrl.u32 s24, $0x3  }
0x10: {  	s24 =	simm.s32 $0x1;
	[dreg:$0x8] =	wrdreg s10;
	s7 =	sshrl.u32 s7, $0x3  }
0x11: {  	s8 =	sadd.s32 $0xC400, s8;
	s25 =	smax.u32 s1, $0x1;
	[dreg:$0xb] =	wrdreg s26  }
0x12: {  	s15 =	sshrl.u32 s2, $0x3;
	s26 =	simm.s32 $0x2;
	[dreg:$0x7] =	wrdreg s8  }
0x13: {  	s1 =	simm.s32 $0x5;
	s6 =	sadd.s32 s6, s0;
	[dreg:$0xa] =	wrdreg s25  }
0x14: {  	s2 =	simm.s32 $0x9;
	[dreg:$0xc] =	wrdreg s15;
	s22 =	sadd.s32 $0x1B400, s6  }
0x15: {  	s0 =	sadd.s32 s7, s0;
	s6 =	sadd.s32 $0x2400, s6;
	[dreg:$0x5] =	wrdreg s22  }
0x16: {  	s25 =	simm.s32 $0x7000;
	s0 =	sadd.s32 $0x11400, s0;
	[dreg:$0x6] =	wrdreg s6  }
0x17: {  	s7 =	simm.s32 $0x8;
	s8 =	simm.s32 $0xC;
	[dreg:$0x9] =	wrdreg s0  }
0x18: {  	s0 =	simm.s32 $0x8800;
	s22 =	simm.s32 $0x7;
	s6 =	simm.s32 $0xB  }
.LBB2_1:
0x19: {  	s9 =	rddreg [dreg:$0x5]  }
0x1a: {  	[tilespmem:s5], [sflag:$0x11] =	stream.linear.gather [hbm4b:s9+s5], $0x2800, $0x38;
	[tilespmem:$0xE000] =	vst v63  }
0x1b: {  	s16 =	rddreg [dreg:$0x6];
	s13 =	simm.s32 $0x2800  }
0x1c: {  	[tilespmem:s13], [sflag:$0x11] =	stream.linear.gather [hbm4b:s16+s5], $0x2800, $0x38;
	[tilespmem:$0xE000] =	vst v63  }
0x1d: {  	s13 =	rddreg [dreg:$0x7]  }
0x1e: {  	s16 =	rddreg [dreg:$0xb]  }
0x1f: {  	[spmem:s16], [sflag:s10] =	dma.local [hbm:s13], $0x500  }
0x20: {  	_ =	swait.ge [sflag:s14], $0x500  }
0x21: {  	[sflag:s14] =	ssyncset.done $0x0  }
0x22: {  	[sflag:s14] =	ssyncadd.s32 $0xFFFFFB00  }
0x23: {  	s16 =	rddreg [dreg:$0x1]  }
0x24: {  	[spmem:s15], [sflag:s10] =	dma.local [hbm:s16], $0x500  }
0x25: {  	_ =	swait.ge [sflag:s14], $0x500  }
0x26: {  	[sflag:s14] =	ssyncset.done $0x0  }
0x27: {  	s10 =	simm.s32 $0x11;
	[sflag:s14] =	ssyncadd.s32 $0xFFFFFB00  }
0x28: {  	_ =	swait.ge [sflag:s10], $0x2800  }
0x29: {  	[sflag:s10] =	ssyncset.done $0x0  }
0x2a: {  	[sflag:s10] =	ssyncadd.s32 $0xFFFFD800  }
0x2b: {  	_ =	swait.ge [sflag:s10], $0x2800  }
0x2c: {  	[sflag:s10] =	ssyncset.done $0x0  }
0x2d: {  	[sflag:s10] =	ssyncadd.s32 $0xFFFFD800  }
0x2e: {  	[bflag:$0x0] =	sbarrier.arrive $0xFFFF  }
0x2f: {  	[tilespmem:s18], [sflag:$0x1] =	stream.indirect.gather [spmem:s3], $0x10, s5, s17, $0xb8;
	[tilespmem:$0xE000] =	vst v63  }
0x30: {  	_ = 	snop  }
0x31: {  	[tilespmem:s19], [sflag:$0x2] =	stream.indirect.gather [spmem:s3], $0x10, s17, s17, $0xb8;
	[tilespmem:$0xE000] =	vst v63  }
0x32: {  	s13 =	simm.s32 $0x100  }
0x33: {  	[tilespmem:s21], [sflag:$0x3] =	stream.indirect.gather [spmem:s3], $0x10, s13, s17, $0xb8;
	[tilespmem:$0xE000] =	vst v63  }
0x34: {  	s15 =	simm.s32 $0x180  }
0x35: {  	[tilespmem:s23], [sflag:$0x4] =	stream.indirect.gather [spmem:s3], $0x10, s15, s17, $0xb8;
	[tilespmem:$0xE000] =	vst v63  }
0x36: {  	_ =	swait.ge [sflag:s24], $0x800  }
0x37: {  	p0 =	por $0x1, $0x1;
	[sflag:s24] =	ssyncset.done $0x0  }
0x38: {  	s16 =	simm.s32 $0x2800;
	s13 =	simm.s32 @!p0 $0xD;
	[sflag:s24] =	ssyncadd.s32 $0xFFFFF800  }
0x39: {  	[spmem:s4] =	stream.indirect.scatter.add.f32 [tilespmem:s18], [sflag:$0x9], $0x10, s16, s17, $0xb8;
	[tilespmem:$0xE000] =	vst v63  }
0x3a: {  	_ =	swait.ge @!p0 [sflag:s13], $0x800  }
0x3b: {  	[sflag:s13] =	ssyncset.done @!p0 $0x0  }
0x3c: {  	s9 =	simm.s32 $0x200;
	[sflag:s13] =	ssyncadd.s32 @!p0 $0xFFFFF800  }
0x3d: {  	[tilespmem:s25], [sflag:$0x5] =	stream.indirect.gather [spmem:s3], $0x10, s9, s17, $0xb8;
	[tilespmem:$0xE000] =	vst v63  }
0x3e: {  	_ =	swait.ge [sflag:s26], $0x800  }
0x3f: {  	[sflag:s26] =	ssyncset.done $0x0  }
0x40: {  	s15 =	simm.s32 $0x2880;
	s13 =	simm.s32 @!p0 $0xE;
	[sflag:s26] =	ssyncadd.s32 $0xFFFFF800  }
0x41: {  	[spmem:s4] =	stream.indirect.scatter.add.f32 [tilespmem:s19], [sflag:$0xA], $0x10, s15, s17, $0xb8;
	[tilespmem:$0xE000] =	vst v63  }
0x42: {  	_ =	swait.ge @!p0 [sflag:s13], $0x800  }
0x43: {  	[sflag:s13] =	ssyncset.done @!p0 $0x0  }
0x44: {  	s16 =	simm.s32 $0x280;
	[sflag:s13] =	ssyncadd.s32 @!p0 $0xFFFFF800  }
0x45: {  	[tilespmem:s28], [sflag:$0x6] =	stream.indirect.gather [spmem:s3], $0x10, s16, s17, $0xb8;
	[tilespmem:$0xE000] =	vst v63  }
0x46: {  	_ =	swait.ge [sflag:s29], $0x800  }
0x47: {  	[sflag:s29] =	ssyncset.done $0x0  }
0x48: {  	s9 =	simm.s32 $0x2900;
	s13 =	simm.s32 @!p0 $0xF;
	[sflag:s29] =	ssyncadd.s32 $0xFFFFF800  }
0x49: {  	[spmem:s4] =	stream.indirect.scatter.add.f32 [tilespmem:s21], [sflag:$0xB], $0x10, s9, s17, $0xb8;
	[tilespmem:$0xE000] =	vst v63  }
0x4a: {  	_ =	swait.ge @!p0 [sflag:s13], $0x800  }
0x4b: {  	[sflag:s13] =	ssyncset.done @!p0 $0x0  }
0x4c: {  	s15 =	simm.s32 $0x300;
	[sflag:s13] =	ssyncadd.s32 @!p0 $0xFFFFF800  }
0x4d: {  	[tilespmem:s30], [sflag:$0x7] =	stream.indirect.gather [spmem:s3], $0x10, s15, s17, $0xb8;
	[tilespmem:$0xE000] =	vst v63  }
0x4e: {  	_ =	swait.ge [sflag:s31], $0x800  }
0x4f: {  	[sflag:s31] =	ssyncset.done $0x0  }
0x50: {  	s16 =	simm.s32 $0x2980;
	s13 =	simm.s32 @!p0 $0x10;
	[sflag:s31] =	ssyncadd.s32 $0xFFFFF800  }
0x51: {  	[spmem:s4] =	stream.indirect.scatter.add.f32 [tilespmem:s23], [sflag:$0xC], $0x10, s16, s17, $0xb8;
	[tilespmem:$0xE000] =	vst v63  }
0x52: {  	_ =	swait.ge @!p0 [sflag:s13], $0x800  }
0x53: {  	[sflag:s13] =	ssyncset.done @!p0 $0x0  }
0x54: {  	s9 =	simm.s32 $0x380;
	[sflag:s13] =	ssyncadd.s32 @!p0 $0xFFFFF800  }
0x55: {  	[tilespmem:s0], [sflag:$0x8] =	stream.indirect.gather [spmem:s3], $0x10, s9, s17, $0xb8;
	[tilespmem:$0xE000] =	vst v63  }
0x56: {  	_ =	swait.ge [sflag:s1], $0x800  }
0x57: {  	[sflag:s1] =	ssyncset.done $0x0  }
0x58: {  	s13 =	simm.s32 $0x2A00;
	[sflag:s1] =	ssyncadd.s32 $0xFFFFF800  }
0x59: {  	[spmem:s4] =	stream.indirect.scatter.add.f32 [tilespmem:s25], [sflag:$0xD], $0x10, s13, s17, $0xb8;
	[tilespmem:$0xE000] =	vst v63  }
0x5a: {  	s15 =	smin.u32 s5, $0x47;
	_ =	swait.ge [sflag:s2], $0x800  }
0x5b: {  	s10 =	sshll.u32 s15, $0x7;
	[sflag:s2] =	ssyncset.done $0x0  }
0x5c: {  	s10 =	sadd.s32 $0x400, s10;
	[sflag:s2] =	ssyncadd.s32 $0xFFFFF800  }
0x5d: {  	[tilespmem:s18], [sflag:$0x1] =	stream.indirect.gather [spmem:s3], $0x10, s10, s17, $0xb8;
	[tilespmem:$0xE000] =	vst v63  }
0x5e: {  	_ =	swait.ge [sflag:s12], $0x800  }
0x5f: {  	[sflag:s12] =	ssyncset.done $0x0  }
0x60: {  	s16 =	simm.s32 $0x2A80;
	[sflag:s12] =	ssyncadd.s32 $0xFFFFF800  }
0x61: {  	[spmem:s4] =	stream.indirect.scatter.add.f32 [tilespmem:s28], [sflag:$0xE], $0x10, s16, s17, $0xb8;
	[tilespmem:$0xE000] =	vst v63  }
0x62: {  	s9 =	smin.u32 s5, $0x46;
	_ =	swait.ge [sflag:s20], $0x800  }
0x63: {  	s10 =	sshll.u32 s9, $0x7;
	[sflag:s20] =	ssyncset.done $0x0  }
0x64: {  	s10 =	sadd.s32 $0x480, s10;
	[sflag:s20] =	ssyncadd.s32 $0xFFFFF800  }
0x65: {  	[tilespmem:s19], [sflag:$0x2] =	stream.indirect.gather [spmem:s3], $0x10, s10, s17, $0xb8;
	[tilespmem:$0xE000] =	vst v63  }
0x66: {  	_ =	swait.ge [sflag:s22], $0x800  }
0x67: {  	[sflag:s22] =	ssyncset.done $0x0  }
0x68: {  	s13 =	simm.s32 $0x2B00;
	[sflag:s22] =	ssyncadd.s32 $0xFFFFF800  }
0x69: {  	[spmem:s4] =	stream.indirect.scatter.add.f32 [tilespmem:s30], [sflag:$0xF], $0x10, s13, s17, $0xb8;
	[tilespmem:$0xE000] =	vst v63  }
0x6a: {  	s15 =	smin.u32 s5, $0x45;
	_ =	swait.ge [sflag:s6], $0x800  }
0x6b: {  	s10 =	sshll.u32 s15, $0x7;
	[sflag:s6] =	ssyncset.done $0x0  }
0x6c: {  	s10 =	sadd.s32 $0x500, s10;
	[sflag:s6] =	ssyncadd.s32 $0xFFFFF800  }
0x6d: {  	[tilespmem:s21], [sflag:$0x3] =	stream.indirect.gather [spmem:s3], $0x10, s10, s17, $0xb8;
	[tilespmem:$0xE000] =	vst v63  }
0x6e: {  	_ =	swait.ge [sflag:s7], $0x800  }
0x6f: {  	[sflag:s7] =	ssyncset.done $0x0  }
0x70: {  	s9 =	smin.u32 s5, $0x44;
	s16 =	simm.s32 $0x2B80;
	[sflag:s7] =	ssyncadd.s32 $0xFFFFF800  }
0x71: {  	[spmem:s4] =	stream.indirect.scatter.add.f32 [tilespmem:s0], [sflag:$0x10], $0x10, s16, s17, $0xb8;
	[tilespmem:$0xE000] =	vst v63  }
0x72: {  	s13 =	simm.s32 $0x1000;
	s16 =	sshll.u32 s9, $0x7;
	_ =	swait.ge [sflag:s8], $0x800  }
0x73: {  	s10 =	simm.s32 $0x0;
	s15 =	sadd.s32 $0x580, s16;
	[sflag:s8] =	ssyncset.done $0x0  }
.LBB2_2:
0x74: {  	[sflag:s8] =	ssyncadd.s32 $0xFFFFF800  }
0x75: {  	s10 =	sadd.s32 $0x8, s10;
	s9 =	smov.u32 s13;
	s13 =	sadd.s32 $0x1000, s13  }
0x76: {  	[tilespmem:s23], [sflag:$0x4] =	stream.indirect.gather [spmem:s3], $0x10, s15, s17, $0xb8;
	[tilespmem:$0xE000] =	vst v63  }
0x77: {  	s15 =	sshra.s32 s9, $0x2;
	p0 =	sne.s32 s13, $0xA000;
	_ =	swait.ge [sflag:s24], $0x800  }
0x78: {  	p1 =	seq.s32 s9, $0x0;
	s16 =	sadd.s32 $0x2800, s15;
	[sflag:s24] =	ssyncset.done $0x0  }
0x79: {  	s9 =	simm.s32 @!p1 $0xD;
	[sflag:s24] =	ssyncadd.s32 $0xFFFFF800  }
0x7a: {  	[spmem:s4] =	stream.indirect.scatter.add.f32 [tilespmem:s18], [sflag:$0x9], $0x10, s16, s17, $0xb8;
	[tilespmem:$0xE000] =	vst v63  }
0x7b: {  	_ =	swait.ge @!p1 [sflag:s9], $0x800  }
0x7c: {  	s16 =	sadd.s32 $0x200, s15;
	[sflag:s9] =	ssyncset.done @!p1 $0x0  }
0x7d: {  	[sflag:s9] =	ssyncadd.s32 @!p1 $0xFFFFF800  }
0x7e: {  	[tilespmem:s25], [sflag:$0x5] =	stream.indirect.gather [spmem:s3], $0x10, s16, s17, $0xb8;
	[tilespmem:$0xE000] =	vst v63  }
0x7f: {  	_ =	swait.ge [sflag:s26], $0x800  }
0x80: {  	s9 =	sadd.s32 $0x2880, s15;
	[sflag:s26] =	ssyncset.done $0x0  }
0x81: {  	s16 =	simm.s32 @!p1 $0xE;
	[sflag:s26] =	ssyncadd.s32 $0xFFFFF800  }
0x82: {  	[spmem:s4] =	stream.indirect.scatter.add.f32 [tilespmem:s19], [sflag:$0xA], $0x10, s9, s17, $0xb8;
	[tilespmem:$0xE000] =	vst v63  }
0x83: {  	_ =	swait.ge @!p1 [sflag:s16], $0x800  }
0x84: {  	s9 =	sadd.s32 $0x280, s15;
	[sflag:s16] =	ssyncset.done @!p1 $0x0  }
0x85: {  	[sflag:s16] =	ssyncadd.s32 @!p1 $0xFFFFF800  }
0x86: {  	[tilespmem:s28], [sflag:$0x6] =	stream.indirect.gather [spmem:s3], $0x10, s9, s17, $0xb8;
	[tilespmem:$0xE000] =	vst v63  }
0x87: {  	_ =	swait.ge [sflag:s29], $0x800  }
0x88: {  	s9 =	sadd.s32 $0x2900, s15;
	[sflag:s29] =	ssyncset.done $0x0  }
0x89: {  	s16 =	simm.s32 @!p1 $0xF;
	[sflag:s29] =	ssyncadd.s32 $0xFFFFF800  }
0x8a: {  	[spmem:s4] =	stream.indirect.scatter.add.f32 [tilespmem:s21], [sflag:$0xB], $0x10, s9, s17, $0xb8;
	[tilespmem:$0xE000] =	vst v63  }
0x8b: {  	_ =	swait.ge @!p1 [sflag:s16], $0x800  }
0x8c: {  	s9 =	sadd.s32 $0x300, s15;
	[sflag:s16] =	ssyncset.done @!p1 $0x0  }
0x8d: {  	[sflag:s16] =	ssyncadd.s32 @!p1 $0xFFFFF800  }
0x8e: {  	[tilespmem:s30], [sflag:$0x7] =	stream.indirect.gather [spmem:s3], $0x10, s9, s17, $0xb8;
	[tilespmem:$0xE000] =	vst v63  }
0x8f: {  	_ =	swait.ge [sflag:s31], $0x800  }
0x90: {  	s9 =	sadd.s32 $0x2980, s15;
	[sflag:s31] =	ssyncset.done $0x0  }
0x91: {  	s16 =	simm.s32 @!p1 $0x10;
	[sflag:s31] =	ssyncadd.s32 $0xFFFFF800  }
0x92: {  	[spmem:s4] =	stream.indirect.scatter.add.f32 [tilespmem:s23], [sflag:$0xC], $0x10, s9, s17, $0xb8;
	[tilespmem:$0xE000] =	vst v63  }
0x93: {  	_ =	swait.ge @!p1 [sflag:s16], $0x800  }
0x94: {  	s9 =	sadd.s32 $0x380, s15;
	[sflag:s16] =	ssyncset.done @!p1 $0x0  }
0x95: {  	[sflag:s16] =	ssyncadd.s32 @!p1 $0xFFFFF800  }
0x96: {  	[tilespmem:s0], [sflag:$0x8] =	stream.indirect.gather [spmem:s3], $0x10, s9, s17, $0xb8;
	[tilespmem:$0xE000] =	vst v63  }
0x97: {  	_ =	swait.ge [sflag:s1], $0x800  }
0x98: {  	s9 =	sadd.s32 $0x2A00, s15;
	[sflag:s1] =	ssyncset.done $0x0  }
0x99: {  	s16 =	smin.u32 s10, $0x47;
	[sflag:s1] =	ssyncadd.s32 $0xFFFFF800  }
0x9a: {  	[spmem:s4] =	stream.indirect.scatter.add.f32 [tilespmem:s25], [sflag:$0xD], $0x10, s9, s17, $0xb8;
	[tilespmem:$0xE000] =	vst v63  }
0x9b: {  	s9 =	sshll.u32 s16, $0x7;
	_ =	swait.ge [sflag:s2], $0x800  }
0x9c: {  	s9 =	sadd.s32 $0x400, s9;
	[sflag:s2] =	ssyncset.done $0x0  }
0x9d: {  	[sflag:s2] =	ssyncadd.s32 $0xFFFFF800  }
0x9e: {  	[tilespmem:s18], [sflag:$0x1] =	stream.indirect.gather [spmem:s3], $0x10, s9, s17, $0xb8;
	[tilespmem:$0xE000] =	vst v63  }
0x9f: {  	_ =	swait.ge [sflag:s12], $0x800  }
0xa0: {  	s9 =	sadd.s32 $0x2A80, s15;
	[sflag:s12] =	ssyncset.done $0x0  }
0xa1: {  	s16 =	smin.u32 s10, $0x46;
	[sflag:s12] =	ssyncadd.s32 $0xFFFFF800  }
0xa2: {  	[spmem:s4] =	stream.indirect.scatter.add.f32 [tilespmem:s28], [sflag:$0xE], $0x10, s9, s17, $0xb8;
	[tilespmem:$0xE000] =	vst v63  }
0xa3: {  	s9 =	sshll.u32 s16, $0x7;
	_ =	swait.ge [sflag:s20], $0x800  }
0xa4: {  	s9 =	sadd.s32 $0x480, s9;
	[sflag:s20] =	ssyncset.done $0x0  }
0xa5: {  	[sflag:s20] =	ssyncadd.s32 $0xFFFFF800  }
0xa6: {  	[tilespmem:s19], [sflag:$0x2] =	stream.indirect.gather [spmem:s3], $0x10, s9, s17, $0xb8;
	[tilespmem:$0xE000] =	vst v63  }
0xa7: {  	_ =	swait.ge [sflag:s22], $0x800  }
0xa8: {  	s9 =	sadd.s32 $0x2B00, s15;
	[sflag:s22] =	ssyncset.done $0x0  }
0xa9: {  	s16 =	smin.u32 s10, $0x45;
	[sflag:s22] =	ssyncadd.s32 $0xFFFFF800  }
0xaa: {  	[spmem:s4] =	stream.indirect.scatter.add.f32 [tilespmem:s30], [sflag:$0xF], $0x10, s9, s17, $0xb8;
	[tilespmem:$0xE000] =	vst v63  }
0xab: {  	s9 =	sshll.u32 s16, $0x7;
	_ =	swait.ge [sflag:s6], $0x800  }
0xac: {  	s9 =	sadd.s32 $0x500, s9;
	[sflag:s6] =	ssyncset.done $0x0  }
0xad: {  	[sflag:s6] =	ssyncadd.s32 $0xFFFFF800  }
0xae: {  	[tilespmem:s21], [sflag:$0x3] =	stream.indirect.gather [spmem:s3], $0x10, s9, s17, $0xb8;
	[tilespmem:$0xE000] =	vst v63  }
0xaf: {  	_ =	swait.ge [sflag:s7], $0x800  }
.Ltmp0:
0xb0: {  	s9 =	sadd.s32 $0x2B80, s15;
	[sflag:s7] =	ssyncset.done $0x0;
	(pc) =	sbr.rel @p0 .LBB2_2-.Ltmp0, $4  }
0xb1: {  	s15 =	smin.u32 s10, $0x44;
	[sflag:s7] =	ssyncadd.s32 $0xFFFFF800  }
0xb2: {  	[spmem:s4] =	stream.indirect.scatter.add.f32 [tilespmem:s0], [sflag:$0x10], $0x10, s9, s17, $0xb8;
	[tilespmem:$0xE000] =	vst v63  }
0xb3: {  	s9 =	sshll.u32 s15, $0x7;
	_ =	swait.ge [sflag:s8], $0x800  }
0xb4: {  	s15 =	sadd.s32 $0x580, s9;
	[sflag:s8] =	ssyncset.done $0x0  }
0xb5: {  	[sflag:s8] =	ssyncadd.s32 $0xFFFFF800;
	s9 =	simm.s32 $0xD  }
0xb6: {  	[tilespmem:s23], [sflag:$0x4] =	stream.indirect.gather [spmem:s3], $0x10, s15, s17, $0xb8;
	[tilespmem:$0xE000] =	vst v63  }
0xb7: {  	_ =	swait.ge [sflag:s9], $0x800  }
0xb8: {  	[sflag:s9] =	ssyncset.done $0x0  }
0xb9: {  	[sflag:s9] =	ssyncadd.s32 $0xFFFFF800  }
0xba: {  	_ =	swait.ge [sflag:s24], $0x800  }
0xbb: {  	[sflag:s24] =	ssyncset.done $0x0  }
0xbc: {  	s15 =	simm.s32 $0xE;
	[sflag:s24] =	ssyncadd.s32 $0xFFFFF800  }
0xbd: {  	_ =	swait.ge [sflag:s15], $0x800  }
0xbe: {  	[sflag:s15] =	ssyncset.done $0x0  }
0xbf: {  	[sflag:s15] =	ssyncadd.s32 $0xFFFFF800  }
0xc0: {  	_ =	swait.ge [sflag:s26], $0x800  }
0xc1: {  	[sflag:s26] =	ssyncset.done $0x0  }
0xc2: {  	s16 =	simm.s32 $0xF;
	[sflag:s26] =	ssyncadd.s32 $0xFFFFF800  }
0xc3: {  	_ =	swait.ge [sflag:s16], $0x800  }
0xc4: {  	[sflag:s16] =	ssyncset.done $0x0  }
0xc5: {  	[sflag:s16] =	ssyncadd.s32 $0xFFFFF800  }
0xc6: {  	_ =	swait.ge [sflag:s29], $0x800  }
0xc7: {  	[sflag:s29] =	ssyncset.done $0x0  }
0xc8: {  	s10 =	simm.s32 $0x10;
	[sflag:s29] =	ssyncadd.s32 $0xFFFFF800  }
0xc9: {  	_ =	swait.ge [sflag:s10], $0x800  }
0xca: {  	[sflag:s10] =	ssyncset.done $0x0  }
0xcb: {  	[sflag:s10] =	ssyncadd.s32 $0xFFFFF800  }
0xcc: {  	_ =	swait.ge [sflag:s31], $0x800  }
0xcd: {  	[sflag:s31] =	ssyncset.done $0x0  }
0xce: {  	[sflag:s31] =	ssyncadd.s32 $0xFFFFF800  }
0xcf: {  	[bflag:$0x0] =	sbarrier.arrive $0xFFFF  }
0xd0: {  	s10 =	rddreg [dreg:$0x8]  }
0xd1: {  	s13 =	rddreg [dreg:$0x9]  }
0xd2: {  	s15 =	rddreg [dreg:$0xc]  }
0xd3: {  	[hbm:s13], [sflag:s10] =	dma.local [spmem:s15], $0x500  }
0xd4: {  	_ =	swait.ge [sflag:s14], $0x500  }
0xd5: {  	s11 =	sadd.s32 $0x1, s11;
	s16 =	rddreg [dreg:$0xa]  }
0xd6: {  	p0 =	sne.s32 s11, s16  }
.Ltmp1:
0xd7: {  	_ = 	snop;
	(pc) =	sbr.rel @p0 .LBB2_1-.Ltmp1, $3  }
0xd8: {  	_ =	sdelay $0x1  }
0xd9: {  	[sflag:s14] =	ssyncset.done $0x0  }
0xda: {  	[sflag:s14] =	ssyncadd.s32 $0xFFFFFB00  }
0xdb: {  	_ =	sfence.sel $0x180000  }
0xdc: {  	[bflag:$0x0] =	sbarrier.arrive $0xFFFF  }
0xdd: {  	_ =	strace $0x9000004D  }
0xde: {  	s0 =	stileid.u32;
	[bflag:$0x2] =	sbarrier.arrive $0xFFFF  }
0xdf: {  	p0 =	sne.s32 s0, $0x0;
	s0 =	rddreg [dreg:$0x4]  }
0xe0: {  	s0 =	sadd.s32 @!p0 $0x100000, s0  }
0xe1: {  	[sflag:s0] =	ssyncadd.tile.s32 @!p0 $0x1;
	_ =	shalt  }
.Lfunc_end2:
_tile_overlayer_lowered:
.L_overlay_start_2:
0xe2: {  	(tag) =	ssettag $0x2  }
0xe3: {  	s0 =	rddreg [dreg:$0x0];
	s2 =	stileid.u32  }
0xe4: {  	s1 =	rddreg [dreg:$0x1];
	p0 =	sne.s32 s2, $0x0  }
0xe5: {  	s3 =	rddreg [dreg:$0x2];
	[bflag:$0x3] =	sbarrier.arrive $0xFFFF;
	s2 =	simm.s32 @!p0 $0x1C12  }
0xe6: {  	[timem:s3], [sflag:s2] =	dma.local @!p0 [hbm:s0], s1  }
0xe7: {  	s0 =	simm.s32 @!p0 $0x12  }
0xe8: {  	_ =	swait.ge @!p0 [sflag:s0], s1  }
0xe9: {  	s1 =	ssub.s32 @!p0 $0x0, s1;
	[sflag:s0] =	ssyncset.done @!p0 $0x0  }
0xea: {  	[sflag:s0] =	ssyncadd.s32 @!p0 s1  }
0xeb: {  	[bflag:$0x3] =	sbarrier.arrive $0xFFFF  }
0xec: {  	_ =	shalt  }

// kernel: kernel.8.cloned.1.call-start
scs
__scs_entry_jumppad:
0x0: {  	(pc) =	sbr.rel $0x88, $3  }
0x1: {  	(tag) =	ssettag $0x0;
	lr =	simm.s32 $0x1  }
0x2: {  	[smem:$0x3F9B] =	sst lr;
	_ =	strace $0xD0000000  }
0x3: {  	_ = 	snop  }
0x4: {  	_ = 	snop  }
0x5: {  	_ = 	snop  }
0x6: {  	_ = 	snop  }
0x7: {  	_ = 	snop  }
__scs_overlays_trampoline_lowered:
0x8: {  	[smem:$0x3FAA] =	sst s0  }
0x9: {  	[smem:$0x3FAB] =	sst s1  }
0xa: {  	[smem:$0x3FAC] =	sst s2  }
0xb: {  	[smem:$0x3FAD] =	sst s3  }
0xc: {  	[smem:$0x3FAE] =	sst s4  }
0xd: {  	[smem:$0x3FAF] =	sst s5  }
0xe: {  	[smem:$0x3FB0] =	sst s6  }
0xf: {  	[smem:$0x3FB1] =	sst s7  }
0x10: {  	[smem:$0x3FB2] =	sst s8  }
0x11: {  	[smem:$0x3FB3] =	sst s9;
	s0 =	simm.s32 @!p0 $0x0  }
0x12: {  	s1 =	sld [smem:$0x3F99];
	s0 =	simm.s32 @p0 $0x1  }
0x13: {  	[smem:$0x3FB4] =	sst s0;
	s0 =	simm.s32 @!p1 $0x0  }
0x14: {  	s2 =	sld [smem:$0x3F98];
	s0 =	simm.s32 @p1 $0x1  }
0x15: {  	[smem:$0x3FB5] =	sst s0;
	s0 =	simm.s32 @!p2 $0x0  }
0x16: {  	s3 =	sld [smem:$0x3FDB];
	s0 =	simm.s32 @p2 $0x1  }
0x17: {  	s4 =	simm.s32 $0x1BF5;
	[smem:$0x3FB7] =	sst s0  }
0x18: {  	s0 =	sld [smem:$0x3F9A];
	_ =	swait.ge [sflag:s4], $0x0  }
0x19: {  	s7 =	sld [smem:$0x3F9B]  }
0x1a: {  	s8 =	sadd.s32 $0xFFFFE003, lr  }
0x1b: {  	s9 =	sadd.s32 $0xFFFFFEF7, lr;
	s5 =	simm.s32 $0xFFFFFFFF;
	p2 =	slt.u32 s8, $0xFFFFF086  }
0x1c: {  	p1 =	slt.u32 s9, $0xF7A;
	s5 =	simm.s32 @!p2 $0x0  }
0x1d: {  	s5 =	simm.s32 @p1 $0x1;
	p0 =	seq.s32 s7, s2  }
0x1e: {  	s7 =	smul.u32 @!p0 $0xF7A, s2;
	p2 =	seq.s32 @!p0 s5, $0x0  }
0x1f: {  	s9 =	smul.u32 $0xF7A, s1;
	s8 =	simm.s32 @!p0 $0x1BF5;
	p2 =	por !p2, p0  }
0x20: {  	[sflag:s8] =	ssyncset.s32 @!p0 $0xFFFFF086;
	s6 =	sadd.s32 @!p0 s3, s7;
	s7 =	simm.s32 @!p0 $0x108  }
0x21: {  	s3 =	sadd.s32 s3, s9;
	s6 =	sadd.s32 @!p0 $0x88, s6;
	s7 =	simm.s32 @p2 $0x1082  }
0x22: {  	[simem:s7], [sflag:s8] =	dma.local @!p0 [hbm:s6], $0xF7A  }
0x23: {  	s9 =	sor.u32 $0xD0000000, s2;
	s6 =	simm.s32 $0x108;
	_ =	swait.ge @!p0 [sflag:s8], $0x0  }
0x24: {  	s3 =	sadd.s32 $0x88, s3;
	s6 =	simm.s32 @!p1 $0x1082;
	[sflag:s4] =	ssyncset.s32 $0xFFFFF086  }
0x25: {  	[simem:s6], [sflag:s4] =	dma.local [hbm:s3], $0xF7A  }
0x26: {  	[smem:$0x3F9B] =	sst s1;
	(tag) =	ssettag s2;
	_ =	strace s9  }
0x27: {  	s1 =	sld [smem:$0x3FAB]  }
0x28: {  	s2 =	sld [smem:$0x3FAC]  }
0x29: {  	s4 =	sld [smem:$0x3FAE]  }
0x2a: {  	p0 =	seq.s32 s5, $0x0;
	s5 =	sld [smem:$0x3FAF]  }
0x2b: {  	s6 =	sld [smem:$0x3FB0]  }
0x2c: {  	s7 =	sld [smem:$0x3FB1]  }
0x2d: {  	s3 =	simm.s32 $0x108;
	s8 =	sld [smem:$0x3FB2]  }
0x2e: {  	s3 =	simm.s32 @!p0 $0x1082;
	s9 =	sld [smem:$0x3FB3]  }
0x2f: {  	lr =	sadd.s32 s0, s3;
	s0 =	sld [smem:$0x3FAA]  }
0x30: {  	s3 =	sld [smem:$0x3FAD]  }
0x31: {  	[smem:$0x3FB6] =	sst s10  }
0x32: {  	s10 =	sld [smem:$0x3FB4];
	_ =	sdelay $0x3  }
0x33: {  	p0 =	seq.s32 s10, $0x1;
	s10 =	sld [smem:$0x3FB6];
	_ =	sdelay $0x3  }
0x34: {  	[smem:$0x3FB6] =	sst s10  }
0x35: {  	s10 =	sld [smem:$0x3FB5];
	_ =	sdelay $0x3  }
0x36: {  	p1 =	seq.s32 s10, $0x1;
	s10 =	sld [smem:$0x3FB6];
	_ =	sdelay $0x3  }
0x37: {  	[smem:$0x3FB6] =	sst s10  }
0x38: {  	s10 =	sld [smem:$0x3FB7]  }
0x39: {  	_ = 	snop;
	(pc) =	sbr.ind lr, $3  }
0x3a: {  	_ = 	snop  }
0x3b: {  	_ = 	snop  }
0x3c: {  	p2 =	seq.s32 s10, $0x1;
	s10 =	sld [smem:$0x3FB6]  }
0x3d: {  	_ =	shalt  }
0x3e: {  	_ =	shalt  }
0x3f: {  	_ =	shalt  }
0x40: {  	_ =	shalt  }
0x41: {  	_ =	shalt  }
0x42: {  	_ =	shalt  }
0x43: {  	_ =	shalt  }
0x44: {  	_ =	shalt  }
0x45: {  	_ =	shalt  }
0x46: {  	_ =	shalt  }
0x47: {  	_ =	shalt  }
0x48: {  	_ =	shalt  }
0x49: {  	_ =	shalt  }
0x4a: {  	_ =	shalt  }
0x4b: {  	_ =	shalt  }
0x4c: {  	_ =	shalt  }
0x4d: {  	_ =	shalt  }
0x4e: {  	_ =	shalt  }
0x4f: {  	_ =	shalt  }
0x50: {  	_ =	shalt  }
0x51: {  	_ =	shalt  }
0x52: {  	_ =	shalt  }
0x53: {  	_ =	shalt  }
0x54: {  	_ =	shalt  }
0x55: {  	_ =	shalt  }
0x56: {  	_ =	shalt  }
0x57: {  	_ =	shalt  }
0x58: {  	_ =	shalt  }
0x59: {  	_ =	shalt  }
0x5a: {  	_ =	shalt  }
0x5b: {  	_ =	shalt  }
0x5c: {  	_ =	shalt  }
0x5d: {  	_ =	shalt  }
0x5e: {  	_ =	shalt  }
0x5f: {  	_ =	shalt  }
0x60: {  	_ =	shalt  }
0x61: {  	_ =	shalt  }
0x62: {  	_ =	shalt  }
0x63: {  	_ =	shalt  }
0x64: {  	_ =	shalt  }
0x65: {  	_ =	shalt  }
0x66: {  	_ =	shalt  }
0x67: {  	_ =	shalt  }
0x68: {  	_ =	shalt  }
0x69: {  	_ =	shalt  }
0x6a: {  	_ =	shalt  }
0x6b: {  	_ =	shalt  }
0x6c: {  	_ =	shalt  }
0x6d: {  	_ =	shalt  }
0x6e: {  	_ =	shalt  }
0x6f: {  	_ =	shalt  }
0x70: {  	_ =	shalt  }
0x71: {  	_ =	shalt  }
0x72: {  	_ =	shalt  }
0x73: {  	_ =	shalt  }
0x74: {  	_ =	shalt  }
0x75: {  	_ =	shalt  }
0x76: {  	_ =	shalt  }
0x77: {  	_ =	shalt  }
0x78: {  	_ =	shalt  }
0x79: {  	_ =	shalt  }
0x7a: {  	_ =	shalt  }
0x7b: {  	_ =	shalt  }
0x7c: {  	_ =	shalt  }
0x7d: {  	_ =	shalt  }
0x7e: {  	_ =	shalt  }
0x7f: {  	_ =	shalt  }
0x80: {  	_ =	shalt  }
0x81: {  	_ =	shalt  }
0x82: {  	_ =	shalt  }
0x83: {  	_ =	shalt  }
0x84: {  	_ =	shalt  }
0x85: {  	_ =	shalt  }
0x86: {  	_ =	shalt  }
0x87: {  	_ =	shalt  }
.Lfunc_end0:
.L_simem_size_0:
called_computation_lowered:
.L_overlay_start_0:
0x88: {  	s2 =	sld [smem:$0x3FD9]  }
0x89: {  	s3 =	sld [smem:$0x3FFE];
	_ =	sdelay $0x1  }
0x8a: {  	s1 =	srdreg.scid  }
0x8b: {  	s0 =	sand.u32 $0x1, s1  }
0x8c: {  	s17 =	sshll.u32 s0, $0xA;
	s2 =	sadd.s32 s3, s2  }
0x8d: {  	s2 =	sadd.s32 s2, s17  }
0x8e: {  	[smem:$0x3FC2] =	sst s2  }
0x8f: {  	_ = 	snop  }
0x90: {  	s2 =	sld [smem:$0x3FD0];
	(tm) =	ssettm $0x1  }
0x91: {  	s18 =	sld [smem:$0x3FFB];
	_ =	sdelay $0x3  }
0x92: {  	_ =	strace s18  }
0x93: {  	s3 =	sld [smem:$0x3FFC];
	_ =	sdelay $0x3  }
0x94: {  	_ =	strace s3  }
0x95: {  	s3 =	sld [smem:$0x3FFD];
	_ =	sdelay $0x3  }
0x96: {  	_ =	strace s3  }
0x97: {  	_ =	strace $0x8FFFFFFF  }
0x98: {  	s19 =	sld [smem:$0x3FDB];
	_ =	sdelay $0x1  }
0x99: {  	s4 =	simm.s32 $_scs_section_size  }
0x9a: {  	s5 =	simm.s32 $_size__tile_overlayer_lowered;
	s6 =	simm.s32 $_tile_overlayer_lowered  }
0x9b: {  	s22 =	simm.s32 $0x1BFF;
	s21 =	sshll.u32 s6, $0x1;
	s3 =	sadd.s32 s4, s19  }
0x9c: {  	s7 =	simm.s32 $0x0;
	s20 =	sshll.u32 s5, $0x1;
	s5 =	sadd.s32 s21, s3  }
0x9d: {  	[timem:s7], [sflag:s22] =	dma.local [hbm:s5], s20  }
0x9e: {  	_ =	swait.ge [sflag:s22], s20  }
0x9f: {  	s4 =	ssub.s32 $0x0, s20;
	[sflag:s22] =	ssyncset.done $0x0  }
0xa0: {  	[sflag:s22] =	ssyncadd.s32 s4;
	_ =	sdelay $0x1  }
0xa1: {  	s23 =	simm.s32 $0x1B8B  }
0xa2: {  	_ =	swait.ge [sflag:s23], $0x1  }
0xa3: {  	[sflag:s23] =	ssyncset.done $0x0  }
0xa4: {  	s25 =	simm.s32 $0x1B8E;
	s24 =	sld [smem:$0x3FFE];
	[sflag:s23] =	ssyncadd.s32 $0xFFFFFFFF  }
0xa5: {  	s26 =	simm.s32 $execute0_lowered;
	[smem:$0x3FD2] =	sst s25  }
0xa6: {  	s5 =	sshll.u32 s26, $0x1;
	_ =	strace $0x80000046;
	[dreg:$0x1] =	wrdreg $0xFFFFFFFF  }
0xa7: {  	s28 =	simm.s32 $_size_execute0_lowered;
	s3 =	sadd.s32 s3, s5;
	[dreg:$0x0] =	wrdreg $0x0  }
0xa8: {  	s5 =	sshll.u32 s28, $0x1;
	[dreg:$0x2] =	wrdreg s3  }
0xa9: {  	[dreg:$0x3] =	wrdreg s5  }
0xaa: {  	[dreg:$0x4] =	wrdreg $0xC0  }
0xab: {  	_ =	task [dreg:s7], $0x5FFFF  }
0xac: {  	[dreg:$0x1] =	wrdreg $0xFFFFFFFF  }
0xad: {  	[dreg:$0x0] =	wrdreg $0x60  }
0xae: {  	[dreg:$0x2] =	wrdreg s24  }
0xaf: {  	[dreg:$0x3] =	wrdreg s2  }
0xb0: {  	[dreg:$0x4] =	wrdreg $0x78800  }
0xb1: {  	[dreg:$0x5] =	wrdreg $0x9  }
0xb2: {  	_ =	task.clear_ibuf [dreg:s7], $0x6FFFF;
	_ =	strace $0x90000046  }
0xb3: {  	s29 =	simm.s32 $0x9;
	_ =	strace $0x80000048  }
0xb4: {  	_ =	swait.ge [sflag:s29], $0x1  }
0xb5: {  	[sflag:s29] =	ssyncadd.s32 $0xFFFFFFFF  }
0xb6: {  	_ =	strace $0x90000048  }
0xb7: {  	_ =	sfence  }
0xb8: {  	s30 =	sld [smem:$0x0];
	_ =	sdelay $0x2  }
0xb9: {  	s31 =	sshll.u32 s1, $0xD;
	s1 =	sshrl.u32 s1, $0x2  }
0xba: {  	s3 =	sand.u32 $0x4000, s31;
	s1 =	sadd.s32 s1, s30  }
0xbb: {  	s0 =	sor.u32 s3, s0;
	s1 =	sshll.u32 s1, $0x11  }
0xbc: {  	s0 =	sor.u32 s1, s0  }
0xbd: {  	s0 =	sadd.s32 $0x8F2B, s0  }
0xbe: {  	[sflag:s0] =	ssyncadd.remote.s32 $0x1  }
0xbf: {  	_ =	sfence.sel $0xFFFF  }
0xc0: {  	[dreg:$0x0] =	wrdreg $0xFFFFFFFF;
	(pc) =	sbr.abs _section_cstart, $3  }
0xc1: {  	[dreg:$0x1] =	wrdreg $0xFFFFFFFF  }
0xc2: {  	_ =	task.clear_ibuf [dreg:s7], $0x2FFFF;
	_ =	strace $0x9FFFFFFF  }
0xc3: {  	(tm) =	ssettm $0x7FFFFFFF  }
tec
execute0_lowered:
.L_overlay_start_1:
0x0: {  	(tag) =	ssettag $0x1  }
0x1: {  	s6 =	rddreg [dreg:$0x0]  }
0x2: {  	s2 =	rddreg [dreg:$0x1]  }
0x3: {  	s0 =	srdreg.scid;
	s3 =	rddreg [dreg:$0x2]  }
0x4: {  	s4 =	simm.s32 $0x0;
	s13 =	simm.s32 $0x2880;
	s14 =	simm.s32 $0x80  }
0x5: {  	s15 =	simm.s32 $0x2800;
	s16 =	simm.s32 $0x2;
	s5 =	sand.u32 $0x1, s0  }
0x6: {  	s17 =	simm.s32 $0x3;
	s0 =	stileid.u32;
	s8 =	smul.u32 $0x28000, s5  }
0x7: {  	s18 =	simm.s32 $0x5080;
	s19 =	simm.s32 $0x0;
	s9 =	smul.u32 $0x2800, s0  }
0x8: {  	[smem:$0x7FF] =	sst s4;
	s1 =	sshll.u32 s5, $0x4;
	s10 =	smul.u32 $0x500, s0  }
0x9: {  	s29 =	smul.u32 $0xA00, s0;
	s5 =	ssub.s32 $0x2, s5;
	s1 =	sor.u32 s0, s1  }
0xa: {  	s31 =	sshll.u32 s0, $0x6;
	s30 =	sshrl.u32 s5, $0x1;
	s7 =	smul.u32 $0x500, s1  }
0xb: {  	s1 =	rddreg [dreg:$0x3];
	_ =	strace $0x80000047;
	s8 =	sadd.s32 s9, s8  }
0xc: {  	s10 =	sadd.s32 s10, s6;
	s9 =	sshrl.u32 s29, $0x2;
	s11 =	ssub.s32 s5, s30  }
0xd: {  	s5 =	sor.u32 $0x1C04, s31;
	s8 =	sshrl.u32 s8, $0x3;
	s12 =	sadd.s32 s9, s3  }
0xe: {  	s9 =	smax.u32 s11, $0x1;
	s11 =	simm.s32 $0x4;
	s7 =	sadd.s32 s7, s6  }
0xf: {  	s8 =	sadd.s32 s8, s6;
	s6 =	sadd.s32 $0x2400, s7;
	s7 =	sadd.s32 $0xC400, s10  }
0x10: {  	v0 =	vimm.f32 $1.000000000e+00;
	s8 =	sadd.s32 $0x11400, s8;
	s10 =	sshrl.u32 s12, $0x3;
	s12 =	simm.s32 $0x1  }
.LBB2_1:
0x11: {  	[tilespmem:$0x2800] =	vst v0  }
0x12: {  	[tilespmem:$0x2810] =	vst v0  }
0x13: {  	[tilespmem:$0x2820] =	vst v0  }
0x14: {  	[tilespmem:$0x2830] =	vst v0  }
0x15: {  	[tilespmem:$0x2840] =	vst v0  }
0x16: {  	[tilespmem:$0x2850] =	vst v0  }
0x17: {  	[tilespmem:$0x2860] =	vst v0  }
0x18: {  	[tilespmem:$0x2870] =	vst v0  }
0x19: {  	[spmem:s10], [sflag:s5] =	dma.local [hbm:s2], $0x50  }
0x1a: {  	_ =	swait.ge [sflag:s11], $0x50  }
0x1b: {  	[sflag:s11] =	ssyncset.done $0x0  }
0x1c: {  	[sflag:s11] =	ssyncadd.s32 $0xFFFFFFB0  }
0x1d: {  	[tilespmem:s4], [sflag:$0x1] =	stream.linear.gather [hbm4b:s6+s4], $0x2800, $0x38;
	[tilespmem:$0x7B00] =	vst v63  }
0x1e: {  	_ =	swait.ge [sflag:s12], $0x2800  }
0x1f: {  	[sflag:s12] =	ssyncset.done $0x0  }
0x20: {  	[sflag:s12] =	ssyncadd.s32 $0xFFFFD800  }
0x21: {  	[tilespmem:s13], [sflag:$0x1] =	stream.linear.gather [hbm4b:s7+s4], $0x2800, $0x38;
	[tilespmem:$0x7B00] =	vst v63  }
0x22: {  	_ =	swait.ge [sflag:s12], $0x2800  }
0x23: {  	[sflag:s12] =	ssyncset.done $0x0  }
0x24: {  	[sflag:s12] =	ssyncadd.s32 $0xFFFFD800  }
0x25: {  	s20 =	simm.s32 $0x0;
	[bflag:$0x0] =	sbarrier.arrive $0xFFFF  }
0x26: {  	[spmem:s3] =	stream.indirect.scatter.add.f32 [tilespmem:s15], [sflag:$0x2], $0x1, s20, s14, $0xb8;
	[tilespmem:$0x7B00] =	vst v63  }
0x27: {  	s21 =	simm.s32 $0x80;
	s20 =	simm.s32 $0x400  }
.LBB2_2:
0x28: {  	[spmem:s3] =	stream.indirect.scatter.add.f32 [tilespmem:s15], [sflag:$0x3], $0x1, s21, s14, $0xb8;
	[tilespmem:$0x7B00] =	vst v63  }
0x29: {  	s21 =	smov.u32 s20;
	p0 =	sne.s32 s20, $0x9C00  }
.Ltmp0:
0x2a: {  	s20 =	sadd.s32 $0x400, s20;
	(pc) =	sbr.rel @p0 .LBB2_2-.Ltmp0, $4  }
0x2b: {  	_ = 	snop  }
0x2c: {  	s21 =	sshra.s32 s21, $0x2  }
0x2d: {  	[spmem:s3] =	stream.indirect.scatter.add.f32 [tilespmem:s15], [sflag:$0x2], $0x1, s21, s14, $0xb8;
	[tilespmem:$0x7B00] =	vst v63  }
0x2e: {  	s21 =	sadd.s32 $0x80, s21  }
0x2f: {  	[spmem:s3] =	stream.indirect.scatter.add.f32 [tilespmem:s15], [sflag:$0x3], $0x1, s21, s14, $0xb8;
	[tilespmem:$0x7B00] =	vst v63  }
0x30: {  	_ =	swait.ge [sflag:s16], $0x80  }
0x31: {  	[sflag:s16] =	ssyncset.done $0x0  }
0x32: {  	[sflag:s16] =	ssyncadd.s32 $0xFFFFFF80  }
0x33: {  	_ =	swait.ge [sflag:s17], $0x80  }
0x34: {  	s20 =	simm.s32 $0x27;
	[sflag:s17] =	ssyncset.done $0x0  }
.LBB2_4:
0x35: {  	p0 =	sne.s32 s20, $0x1;
	s20 =	sadd.s32 $0xFFFFFFFF, s20;
	[sflag:s17] =	ssyncadd.s32 $0xFFFFFF80  }
.Ltmp1:
0x36: {  	_ =	swait.ge [sflag:s16], $0x80;
	(pc) =	sbr.rel @p0 .LBB2_4-.Ltmp1, $4  }
0x37: {  	[sflag:s16] =	ssyncset.done $0x0  }
0x38: {  	[sflag:s16] =	ssyncadd.s32 $0xFFFFFF80  }
0x39: {  	_ =	swait.ge [sflag:s17], $0x80  }
0x3a: {  	[sflag:s17] =	ssyncset.done $0x0  }
0x3b: {  	[sflag:s17] =	ssyncadd.s32 $0xFFFFFF80  }
0x3c: {  	s20 =	simm.s32 $0x5080;
	s21 =	simm.s32 $0x2880;
	[bflag:$0x0] =	sbarrier.arrive $0xFFFF  }
0x3d: {  	[tilespmem:s20], [sflag:$0x2] =	stream.indirect.gather [spmem:s3], $0x1, s21, s14, $0xb8;
	[tilespmem:$0x7B00] =	vst v63  }
0x3e: {  	s22 =	simm.s32 $0x2900;
	s20 =	simm.s32 $0x400;
	s21 =	simm.s32 $0x5100  }
.LBB2_6:
0x3f: {  	[tilespmem:s21], [sflag:$0x3] =	stream.indirect.gather [spmem:s3], $0x1, s22, s14, $0xb8;
	[tilespmem:$0x7B00] =	vst v63  }
0x40: {  	s21 =	smov.u32 s20;
	p0 =	sne.s32 s20, $0x9C00  }
.Ltmp2:
0x41: {  	s20 =	sadd.s32 $0x400, s20;
	(pc) =	sbr.rel @p0 .LBB2_6-.Ltmp2, $4  }
0x42: {  	s22 =	sshra.s32 s21, $0x2  }
0x43: {  	s21 =	sadd.s32 $0x5080, s22;
	s23 =	sadd.s32 $0x2880, s22  }
0x44: {  	[tilespmem:s21], [sflag:$0x2] =	stream.indirect.gather [spmem:s3], $0x1, s23, s14, $0xb8;
	[tilespmem:$0x7B00] =	vst v63  }
0x45: {  	s21 =	sadd.s32 $0x5100, s22;
	s22 =	sadd.s32 $0x2900, s22  }
0x46: {  	[tilespmem:s21], [sflag:$0x3] =	stream.indirect.gather [spmem:s3], $0x1, s22, s14, $0xb8;
	[tilespmem:$0x7B00] =	vst v63  }
0x47: {  	_ =	swait.ge [sflag:s16], $0x80  }
0x48: {  	[sflag:s16] =	ssyncset.done $0x0  }
0x49: {  	[sflag:s16] =	ssyncadd.s32 $0xFFFFFF80  }
0x4a: {  	_ =	swait.ge [sflag:s17], $0x80  }
0x4b: {  	s20 =	simm.s32 $0x27;
	[sflag:s17] =	ssyncset.done $0x0  }
.LBB2_8:
0x4c: {  	p0 =	sne.s32 s20, $0x1;
	s20 =	sadd.s32 $0xFFFFFFFF, s20;
	[sflag:s17] =	ssyncadd.s32 $0xFFFFFF80  }
.Ltmp3:
0x4d: {  	_ =	swait.ge [sflag:s16], $0x80;
	(pc) =	sbr.rel @p0 .LBB2_8-.Ltmp3, $4  }
0x4e: {  	[sflag:s16] =	ssyncset.done $0x0  }
0x4f: {  	[sflag:s16] =	ssyncadd.s32 $0xFFFFFF80  }
0x50: {  	_ =	swait.ge [sflag:s17], $0x80  }
0x51: {  	[sflag:s17] =	ssyncset.done $0x0  }
0x52: {  	s19 =	sadd.s32 $0x1, s19  }
0x53: {  	p0 =	sne.s32 s19, s9  }
.Ltmp4:
0x54: {  	[sflag:s17] =	ssyncadd.s32 $0xFFFFFF80;
	(pc) =	sbr.rel @p0 .LBB2_1-.Ltmp4, $4  }
0x55: {  	[hbm4b:s8+s4] =	stream.linear.scatter [tilespmem:s18], [sflag:$0x4], $0x2800, $0x38;
	[tilespmem:$0x7B00] =	vst v63  }
0x56: {  	_ =	swait.ge [sflag:s11], $0x2800  }
0x57: {  	[sflag:s11] =	ssyncset.done $0x0  }
0x58: {  	[sflag:s11] =	ssyncadd.s32 $0xFFFFD800  }
0x59: {  	_ =	sfence.sel $0x180000  }
0x5a: {  	[bflag:$0x0] =	sbarrier.arrive $0xFFFF  }
0x5b: {  	p0 =	sne.s32 s0, $0x0;
	_ =	strace $0x90000047  }
0x5c: {  	s0 =	sadd.s32 @!p0 $0x100000, s1;
	[bflag:$0x2] =	sbarrier.arrive $0xFFFF  }
0x5d: {  	[sflag:s0] =	ssyncadd.tile.s32 @!p0 $0x1;
	_ =	shalt  }
.Lfunc_end2:
_tile_overlayer_lowered:
.L_overlay_start_2:
0x5e: {  	(tag) =	ssettag $0x2  }
0x5f: {  	s0 =	rddreg [dreg:$0x0];
	s2 =	stileid.u32  }
0x60: {  	s1 =	rddreg [dreg:$0x1];
	p0 =	sne.s32 s2, $0x0  }
0x61: {  	s3 =	rddreg [dreg:$0x2];
	[bflag:$0x3] =	sbarrier.arrive $0xFFFF;
	s2 =	simm.s32 @!p0 $0x1C04  }
0x62: {  	[timem:s3], [sflag:s2] =	dma.local @!p0 [hbm:s0], s1  }
0x63: {  	s0 =	simm.s32 @!p0 $0x4  }
0x64: {  	_ =	swait.ge @!p0 [sflag:s0], s1  }
0x65: {  	s1 =	ssub.s32 @!p0 $0x0, s1;
	[sflag:s0] =	ssyncset.done @!p0 $0x0  }
0x66: {  	[sflag:s0] =	ssyncadd.s32 @!p0 s1  }
0x67: {  	[bflag:$0x3] =	sbarrier.arrive $0xFFFF  }
0x68: {  	_ =	shalt  }

</sc_bundles>
